<compile_context>
chip_gen: v7x
topology: tpu7x:2x2x1
jax: 0.10.2.dev20260603
libtpu: 0.0.44.dev20260713+nightly
codegen_flags: <defaults>
</compile_context>

<pallas_src>
import functools

import jax
import jax.numpy as jnp
from jax import lax
from jax.experimental import pallas as pl
from jax.experimental.pallas import tpu as pltpu
from jax.experimental.pallas import tpu_sc as plsc

N = 10000
E = 320000
D_IN = 128
D_EDGE = 16
H = 128

N_PAD = 10240
E_PAD = 323584
BE = 4096



def _node1_body(cnt_ref, x_ref, w1_ref, dis_ref, hs1_ref):
    cnt = cnt_ref[0] + cnt_ref[1]
    dis = jax.lax.rsqrt(cnt + 1.0)
    dis_ref[...] = dis
    hs1_ref[...] = dis * jnp.dot(x_ref[...], w1_ref[...],
                                 preferred_element_type=jnp.float32)


def _node2_body(agg_ref, hs1_ref, dis_ref, b1_ref, w2_ref, hs2_ref):
    agg = agg_ref[0] + agg_ref[1] + hs1_ref[...]
    dis = dis_ref[...]
    h1 = jax.nn.relu(dis * agg + b1_ref[...])
    hs2_ref[...] = dis * jnp.dot(h1, w2_ref[...],
                                 preferred_element_type=jnp.float32)


def _node3_body(agg_ref, hs2_ref, dis_ref, b2_ref, wpa_ref, wpb_ref,
                a_ref, b_ref):
    agg = agg_ref[0] + agg_ref[1] + hs2_ref[...]
    dis = dis_ref[...]
    h2 = jax.nn.relu(dis * agg + b2_ref[...])
    a_ref[...] = jnp.dot(h2, wpa_ref[...], preferred_element_type=jnp.float32)
    b_ref[...] = jnp.dot(h2, wpb_ref[...], preferred_element_type=jnp.float32)


H2 = H // 2


def _mm_bf16(a, w_ref):
    return jnp.dot(a.astype(jnp.bfloat16), w_ref[...],
                   preferred_element_type=jnp.float32)


def _edge_body(ea_ref, hr_ref, hc_ref,
               we1_ref, be1_ref, we2_ref, be2_ref, we3_ref, be3_ref,
               we4_ref, be4_ref, wpc_ref, bp1_ref, wp2_ref, bp2_ref,
               wp3_ref, bp3_ref, out_ref):
    e = jax.nn.relu(_mm_bf16(ea_ref[...], we1_ref) + be1_ref[...])
    e = jax.nn.relu(_mm_bf16(e, we2_ref) + be2_ref[...])
    e = jax.nn.relu(_mm_bf16(e, we3_ref) + be3_ref[...])
    e = jax.nn.relu(_mm_bf16(e, we4_ref) + be4_ref[...])
    p = jax.nn.relu(hr_ref[...] + hc_ref[...] + _mm_bf16(e, wpc_ref)
                    + bp1_ref[...])
    p = jax.nn.relu(_mm_bf16(p, wp2_ref) + bp2_ref[...])
    out_ref[...] = (jnp.sum(p * wp3_ref[...], axis=1, keepdims=True)
                    + bp3_ref[...])


def _full(shape):
    nd = len(shape)
    return pl.BlockSpec(shape, lambda *_: (0,) * nd)


def _tc_node1(cnt, x, W1):
    return pl.pallas_call(
        _node1_body,
        grid=(1,),
        in_specs=[_full((2, N_PAD, 1)), _full((N_PAD, D_IN)), _full((D_IN, H))],
        out_specs=[_full((N_PAD, 1)), _full((N_PAD, H))],
        out_shape=[jax.ShapeDtypeStruct((N_PAD, 1), jnp.float32),
                   jax.ShapeDtypeStruct((N_PAD, H), jnp.float32)],
    )(cnt, x, W1)


def _tc_node2(agg, hs1, dis, b1, W2):
    return pl.pallas_call(
        _node2_body,
        grid=(1,),
        in_specs=[_full((2, N_PAD, H)), _full((N_PAD, H)), _full((N_PAD, 1)),
                  _full((1, H)), _full((H, H))],
        out_specs=[_full((N_PAD, H))],
        out_shape=[jax.ShapeDtypeStruct((N_PAD, H), jnp.float32)],
    )(agg, hs1, dis, b1, W2)[0]


def _tc_node3(agg, hs2, dis, b2, Wpa, Wpb):
    return pl.pallas_call(
        _node3_body,
        grid=(1,),
        in_specs=[_full((2, N_PAD, H)), _full((N_PAD, H)), _full((N_PAD, 1)),
                  _full((1, H)), _full((H, H)), _full((H, H))],
        out_specs=[_full((N_PAD, H)), _full((N_PAD, H))],
        out_shape=[jax.ShapeDtypeStruct((N_PAD, H), jnp.float32),
                   jax.ShapeDtypeStruct((N_PAD, H), jnp.float32)],
    )(agg, hs2, dis, b2, Wpa, Wpb)


def _tc_edge(ea, hr, hc, We1, be1, We2, be2, We3, be3, We4, be4,
             Wpc, bp1, Wp2, bp2, wp3_row, bp3):
    nblk = E_PAD // BE
    eb = pl.BlockSpec((BE, D_EDGE), lambda i: (i, 0))
    hb = pl.BlockSpec((BE, H), lambda i: (i, 0))
    return pl.pallas_call(
        _edge_body,
        grid=(nblk,),
        in_specs=[eb, hb, hb,
                  _full((D_EDGE, H)), _full((1, H)),
                  _full((H, H)), _full((1, H)),
                  _full((H, H)), _full((1, H)),
                  _full((H, H)), _full((1, H)),
                  _full((H, H)), _full((1, H)),
                  _full((H, H)), _full((1, H)),
                  _full((1, H)), _full((1, 1))],
        out_specs=[pl.BlockSpec((BE, 1), lambda i: (i, 0))],
        out_shape=[jax.ShapeDtypeStruct((E_PAD, 1), jnp.float32)],
    )(ea, hr, hc, We1, be1, We2, be2, We3, be3, We4, be4,
      Wpc, bp1, Wp2, bp2, wp3_row, bp3)[0]



_CH = 128
_NW = 32
_RPT = N_PAD // 16

_NCH0 = 100
_NCH1 = 58
_MAXCH = max(_NCH0, _NCH1)


def _my_chunks(c, s):
    n_my = lax.select(c == 0, jnp.int32(_NCH0), jnp.int32(_NCH1))
    chunk0 = lax.select(c == 0, s * _NCH0, 16 * _NCH0 + s * _NCH1)
    return n_my, chunk0 * _CH


def _sc_mesh():
    return plsc.VectorSubcoreMesh(core_axis_name="c", subcore_axis_name="s")


def _sc_degree(dst_pad, ones_blk, zeros_vec):
    @functools.partial(
        pl.kernel, mesh=_sc_mesh(),
        out_type=jax.ShapeDtypeStruct((2, N_PAD), jnp.float32),
        scratch_types=[pltpu.VMEM((_CH,), jnp.int32),
                       pltpu.VMEM((_CH,), jnp.float32),
                       pltpu.VMEM_SHARED((N_PAD,), jnp.float32),
                       pltpu.SemaphoreType.DMA])
    def k(dst_hbm, ones_hbm, z_hbm, out_hbm, idx_d, ones_v, acc, sem):
        c = lax.axis_index("c")
        s = lax.axis_index("s")
        n_my, base0 = _my_chunks(c, s)
        pltpu.sync_copy(z_hbm, acc.at[pl.ds(s * _RPT, _RPT)])
        pltpu.sync_copy(ones_hbm, ones_v)
        plsc.subcore_barrier()

        @pl.loop(0, _MAXCH)
        def _(i):
            @pl.when(i < n_my)
            def _():
                base = base0 + i * _CH
                pltpu.sync_copy(dst_hbm.at[pl.ds(base, _CH)], idx_d)
                pltpu.sync_copy(ones_v, acc.at[idx_d], add=True)

        plsc.subcore_barrier()
        pltpu.sync_copy(acc.at[pl.ds(s * _RPT, _RPT)],
                        out_hbm.at[c, pl.ds(s * _RPT, _RPT)])

    return k(dst_pad, ones_blk, zeros_vec)


def _sc_aggregate(hs, src_pad, dst_pad, zeros_blk):
    @functools.partial(
        pl.kernel, mesh=_sc_mesh(),
        out_type=jax.ShapeDtypeStruct((2, N_PAD, H), jnp.float32),
        scratch_types=[pltpu.VMEM((2, _CH), jnp.int32),
                       pltpu.VMEM((2, _CH), jnp.int32),
                       pltpu.VMEM((2, _CH, H), jnp.float32),
                       pltpu.VMEM_SHARED((N_PAD, H), jnp.float32),
                       pltpu.SemaphoreType.DMA,
                       pltpu.SemaphoreType.DMA])
    def k(hs_hbm, src_hbm, dst_hbm, z_hbm, out_hbm, idx_s, idx_d, rows, acc,
          sem0, sem1):
        c = lax.axis_index("c")
        s = lax.axis_index("s")
        n_my, base0 = _my_chunks(c, s)
        sems = [sem0, sem1]
        pltpu.sync_copy(z_hbm, acc.at[pl.ds(s * _RPT, _RPT)])
        plsc.subcore_barrier()

        pltpu.sync_copy(src_hbm.at[pl.ds(base0, _CH)], idx_s.at[0])
        pltpu.sync_copy(dst_hbm.at[pl.ds(base0, _CH)], idx_d.at[0])
        pltpu.async_copy(hs_hbm.at[idx_s.at[0]], rows.at[0], sem0)

        @pl.loop(0, _MAXCH, step=2)
        def _(i):
            for b in range(2):
                nxt = 1 - b

                @pl.when(i + b < n_my)
                def _():
                    g = i + b
                    pltpu.make_async_copy(hs_hbm.at[idx_s.at[b]],
                                          rows.at[b], sems[b]).wait()

                    @pl.when(g + 1 < n_my)
                    def _():
                        nb = base0 + (g + 1) * _CH
                        pltpu.sync_copy(src_hbm.at[pl.ds(nb, _CH)],
                                        idx_s.at[nxt])
                        pltpu.sync_copy(dst_hbm.at[pl.ds(nb, _CH)],
                                        idx_d.at[nxt])
                        pltpu.async_copy(hs_hbm.at[idx_s.at[nxt]],
                                         rows.at[nxt], sems[nxt])

                    pltpu.sync_copy(rows.at[b], acc.at[idx_d.at[b]], add=True)

        plsc.subcore_barrier()
        pltpu.sync_copy(acc.at[pl.ds(s * _RPT, _RPT)],
                        out_hbm.at[c, pl.ds(s * _RPT, _RPT)])

    return k(hs, src_pad, dst_pad, zeros_blk)


def _sc_gather_pair(a, b, src_pad, dst_pad):
    @functools.partial(
        pl.kernel, mesh=_sc_mesh(),
        out_type=[jax.ShapeDtypeStruct((E_PAD, H), jnp.float32),
                  jax.ShapeDtypeStruct((E_PAD, H), jnp.float32)],
        scratch_types=[pltpu.VMEM((2, _CH), jnp.int32),
                       pltpu.VMEM((2, _CH), jnp.int32),
                       pltpu.VMEM((2, _CH, H), jnp.float32),
                       pltpu.VMEM((2, _CH, H), jnp.float32),
                       pltpu.SemaphoreType.DMA,
                       pltpu.SemaphoreType.DMA,
                       pltpu.SemaphoreType.DMA,
                       pltpu.SemaphoreType.DMA])
    def k(a_hbm, b_hbm, src_hbm, dst_hbm, hr_hbm, hc_hbm,
          idx1, idx2, buf1, buf2, gsem0, gsem1, wsem0, wsem1):
        c = lax.axis_index("c")
        s = lax.axis_index("s")
        n_my, base0 = _my_chunks(c, s)
        gsems = [gsem0, gsem1]
        wsems = [wsem0, wsem1]

        pltpu.sync_copy(src_hbm.at[pl.ds(base0, _CH)], idx1.at[0])
        pltpu.sync_copy(dst_hbm.at[pl.ds(base0, _CH)], idx2.at[0])
        pltpu.async_copy(a_hbm.at[idx1.at[0]], buf1.at[0], gsem0)
        pltpu.async_copy(b_hbm.at[idx2.at[0]], buf2.at[0], gsem0)

        @pl.loop(0, _MAXCH, step=2)
        def _(i):
            for b in range(2):
                nxt = 1 - b

                @pl.when(i + b < n_my)
                def _():
                    g = i + b
                    pltpu.make_async_copy(a_hbm.at[idx1.at[b]],
                                          buf1.at[b], gsems[b]).wait()
                    pltpu.make_async_copy(b_hbm.at[idx2.at[b]],
                                          buf2.at[b], gsems[b]).wait()

                    @pl.when(g + 1 < n_my)
                    def _():
                        nb = base0 + (g + 1) * _CH
                        pltpu.sync_copy(src_hbm.at[pl.ds(nb, _CH)],
                                        idx1.at[nxt])
                        pltpu.sync_copy(dst_hbm.at[pl.ds(nb, _CH)],
                                        idx2.at[nxt])

                        @pl.when(g >= 1)
                        def _():
                            ob = base0 + (g - 1) * _CH
                            pltpu.make_async_copy(
                                buf1.at[nxt], hr_hbm.at[pl.ds(ob, _CH)],
                                wsems[nxt]).wait()
                            pltpu.make_async_copy(
                                buf2.at[nxt], hc_hbm.at[pl.ds(ob, _CH)],
                                wsems[nxt]).wait()

                        pltpu.async_copy(a_hbm.at[idx1.at[nxt]],
                                         buf1.at[nxt], gsems[nxt])
                        pltpu.async_copy(b_hbm.at[idx2.at[nxt]],
                                         buf2.at[nxt], gsems[nxt])

                    ob = base0 + g * _CH
                    pltpu.async_copy(buf1.at[b], hr_hbm.at[pl.ds(ob, _CH)],
                                     wsems[b])
                    pltpu.async_copy(buf2.at[b], hc_hbm.at[pl.ds(ob, _CH)],
                                     wsems[b])

        lb = base0 + (n_my - 1) * _CH
        pb = base0 + (n_my - 2) * _CH
        pltpu.make_async_copy(buf1.at[0], hr_hbm.at[pl.ds(pb, _CH)],
                              wsem0).wait()
        pltpu.make_async_copy(buf2.at[0], hc_hbm.at[pl.ds(pb, _CH)],
                              wsem0).wait()
        pltpu.make_async_copy(buf1.at[1], hr_hbm.at[pl.ds(lb, _CH)],
                              wsem1).wait()
        pltpu.make_async_copy(buf2.at[1], hc_hbm.at[pl.ds(lb, _CH)],
                              wsem1).wait()

    return k(a, b, src_pad, dst_pad)



def kernel(x, edge_index, edge_attr, W1, b1, W2, b2, We1, be1, We2, be2,
           We3, be3, We4, be4, Wp1, bp1, Wp2, bp2, Wp3, bp3):
    row = edge_index[0]
    col = edge_index[1]
    pad_idx = jnp.full((E_PAD - E,), N, jnp.int32)
    src_pad = jnp.concatenate([row, pad_idx])
    dst_pad = jnp.concatenate([col, pad_idx])

    x_pad = jnp.zeros((N_PAD, D_IN), jnp.float32).at[:N].set(x)
    ea_pad = jnp.zeros((E_PAD, D_EDGE), jnp.float32).at[:E].set(edge_attr)

    ones_blk = jnp.ones((_CH,), jnp.float32)
    zeros_vec = jnp.zeros((_RPT,), jnp.float32)
    zeros_blk = jnp.zeros((_RPT, H), jnp.float32)

    cnt = _sc_degree(dst_pad, ones_blk, zeros_vec)

    dis, hs1 = _tc_node1(cnt[:, :, None], x_pad, W1)
    agg1 = _sc_aggregate(hs1, src_pad, dst_pad, zeros_blk)
    hs2 = _tc_node2(agg1, hs1, dis, b1[None, :], W2)
    agg2 = _sc_aggregate(hs2, src_pad, dst_pad, zeros_blk)
    A, B = _tc_node3(agg2, hs2, dis, b2[None, :], Wp1[:H], Wp1[H:2 * H])

    hr, hc = _sc_gather_pair(A, B, src_pad, dst_pad)

    bf = jnp.bfloat16
    out = _tc_edge(ea_pad, hr, hc, We1.astype(bf), be1[None, :],
                   We2.astype(bf), be2[None, :], We3.astype(bf),
                   be3[None, :], We4.astype(bf), be4[None, :],
                   Wp1[2 * H:].astype(bf), bp1[None, :], Wp2.astype(bf),
                   bp2[None, :], Wp3.T, bp3[None, :])
    return out[:E]

# --- scband reference (transcript-rebuilt; emitter-appended) ---
"""Pipeline reference for scband-edge-regression-net-27728308863400 (READ-ONLY COPY).

The authoritative reference and input builder live on the scoring server;
editing this copy changes nothing except your own understanding.
"""

import jax, jax.numpy as jnp
import numpy as np

N = 10000
E = 320000
D_IN = 128
D_EDGE = 16
H = 128
OUT = 1


def _lin_params(key, fan_in, fan_out):
    k1, k2 = jax.random.split(key)
    s = 1.0 / np.sqrt(fan_in)
    W = jax.random.uniform(k1, (fan_in, fan_out), minval=-s, maxval=s, dtype=jnp.float32)
    b = jax.random.uniform(k2, (fan_out,), minval=-s, maxval=s, dtype=jnp.float32)
    return W, b


def setup_inputs(seed: int = 0):
    key = jax.random.key(seed)
    ks = jax.random.split(key, 12)
    x = jax.random.normal(ks[0], (N, D_IN), dtype=jnp.float32)
    edge_index = jax.random.randint(ks[1], (2, E), 0, N, dtype=jnp.int32)
    edge_attr = jax.random.normal(ks[2], (E, D_EDGE), dtype=jnp.float32)
    W1, b1 = _lin_params(ks[3], D_IN, H)
    W2, b2 = _lin_params(ks[4], H, H)
    We1, be1 = _lin_params(ks[5], D_EDGE, H)
    We2, be2 = _lin_params(ks[6], H, H)
    We3, be3 = _lin_params(ks[7], H, H)
    We4, be4 = _lin_params(ks[8], H, H)
    Wp1, bp1 = _lin_params(ks[9], 3 * H, H)
    Wp2, bp2 = _lin_params(ks[10], H, H)
    Wp3, bp3 = _lin_params(ks[11], H, OUT)
    return dict(x=x, edge_index=edge_index, edge_attr=edge_attr,
                W1=W1, b1=b1, W2=W2, b2=b2,
                We1=We1, be1=be1, We2=We2, be2=be2, We3=We3, be3=be3, We4=We4, be4=be4,
                Wp1=Wp1, bp1=bp1, Wp2=Wp2, bp2=bp2, Wp3=Wp3, bp3=bp3)


def _gcn(x, src, dst, W, b):
    # PyG GCNConv: add_self_loops=True (handled by caller via src/dst), normalize=True
    h = x @ W
    deg = jnp.zeros((N,), jnp.float32).at[dst].add(1.0)
    dis = jnp.where(deg > 0, jax.lax.rsqrt(jnp.maximum(deg, 1e-12)), 0.0)
    norm = dis[src] * dis[dst]
    out = jnp.zeros((N, h.shape[1]), jnp.float32).at[dst].add(h[src] * norm[:, None])
    return out + b


def reference(x, edge_index, edge_attr, W1, b1, W2, b2, We1, be1, We2, be2, We3, be3, We4, be4, Wp1, bp1, Wp2, bp2, Wp3, bp3):
    loop = jnp.arange(N, dtype=edge_index.dtype)
    src = jnp.concatenate([edge_index[0], loop])
    dst = jnp.concatenate([edge_index[1], loop])
    h = jax.nn.relu(_gcn(x, src, dst, W1, b1))
    h = jax.nn.relu(_gcn(h, src, dst, W2, b2))
    e = jax.nn.relu(edge_attr @ We1 + be1)
    e = jax.nn.relu(e @ We2 + be2)
    e = jax.nn.relu(e @ We3 + be3)
    e = jax.nn.relu(e @ We4 + be4)
    row = edge_index[0]
    col = edge_index[1]
    feat = jnp.concatenate([h[row], h[col], e], axis=1)
    p = jax.nn.relu(feat @ Wp1 + bp1)
    p = jax.nn.relu(p @ Wp2 + bp2)
    return p @ Wp3 + bp3

if __name__ == "__main__":
    import jax
    _d = setup_inputs()
    print(jax.jit(kernel)(*tuple(_d.values())))

</pallas_src>

<mosaic_0001>
#map = affine_map<(d0, d1) -> (0, 0)>
#map1 = affine_map<(d0, d1) -> (0)>
#map2 = affine_map<(d0, d1) -> (0, 0, 0)>
module attributes {stable_mosaic.version = 14 : i64} {
  func.func @k(%arg0: i32, %arg1: i32, %arg2: memref<10240x128xf32, #tpu.memory_space<hbm>>, %arg3: memref<323584xi32, #tpu.memory_space<hbm>>, %arg4: memref<323584xi32, #tpu.memory_space<hbm>>, %arg5: memref<640x128xf32, #tpu.memory_space<hbm>>, %arg6: memref<2x10240x128xf32, #tpu.memory_space<hbm>>, %arg7: memref<2x128xi32, #tpu.memory_space<vmem>>, %arg8: memref<2x128xi32, #tpu.memory_space<vmem>>, %arg9: memref<2x128x128xf32, #tpu.memory_space<vmem>>, %arg10: memref<10240x128xf32, #tpu.memory_space<vmem_shared>>, %arg11: memref<!tpu.dma_semaphore, #tpu.memory_space<semaphore_mem>>, %arg12: memref<!tpu.dma_semaphore, #tpu.memory_space<semaphore_mem>>) attributes {dimension_semantics = [#tpu.dimension_semantics<core_parallel>, #tpu.dimension_semantics<subcore_parallel>], iteration_bounds = array<i64: 2, 16>, scalar_prefetch = 0 : i64, scratch_operands = 6 : i64, tpu.core_type = #tpu.core_type<sc_vector_subcore>, window_params = [{transform_indices = #map}, {transform_indices = #map1}, {transform_indices = #map1}, {transform_indices = #map}, {transform_indices = #map2}]} {
    %eq3A = arith.constant 0 : i32
    %eq3A_0 = arith.cmpi eq, %arg0, %eq3A : i32
    %select_n3A = arith.constant 58 : i32
    %select_n3A_1 = arith.constant 100 : i32
    %select_n3A_2 = arith.select %eq3A_0, %select_n3A_1, %select_n3A : i32
    %eq3A_3 = arith.constant 0 : i32
    %eq3A_4 = arith.cmpi eq, %arg0, %eq3A_3 : i32
    %mul3A = arith.constant 100 : i32
    %mul3A_5 = arith.muli %arg1, %mul3A : i32
    %mul3A_6 = arith.constant 58 : i32
    %mul3A_7 = arith.muli %arg1, %mul3A_6 : i32
    %add3A = arith.constant 1600 : i32
    %add3A_8 = arith.addi %add3A, %mul3A_7 : i32
    %select_n3A_9 = arith.select %eq3A_4, %mul3A_5, %add3A_8 : i32
    %mul3A_10 = arith.constant 128 : i32
    %mul3A_11 = arith.muli %select_n3A_9, %mul3A_10 : i32
    %mul3A_12 = arith.constant 640 : i32
    %mul3A_13 = arith.muli %arg1, %mul3A_12 : i32
    "tpu.region"() ({
      %run_scoped3A_35 = tpu.sem_alloc : memref<!tpu.dma_semaphore, #tpu.memory_space<semaphore_mem>>
      %dma_start3A_36 = arith.constant 0 : i32
      %dma_start3A_37 = tpu.memref_slice %arg10[%mul3A_13, %dma_start3A_36] : memref<10240x128xf32, #tpu.memory_space<vmem_shared>> -> memref<640x128xf32, #tpu.memory_space<vmem_shared>>
      tpu.enqueue_dma source(%arg5 : memref<640x128xf32, #tpu.memory_space<hbm>>) target(%dma_start3A_37 : memref<640x128xf32, #tpu.memory_space<vmem_shared>>) target_semaphore(%run_scoped3A_35 : memref<!tpu.dma_semaphore, #tpu.memory_space<semaphore_mem>>)
      %dma_wait3A = arith.constant 0 : i32
      %dma_wait3A_38 = tpu.memref_slice %arg10[%mul3A_13, %dma_wait3A] : memref<10240x128xf32, #tpu.memory_space<vmem_shared>> -> memref<640x128xf32, #tpu.memory_space<vmem_shared>>
      tpu.wait_dma2 semaphore(%run_scoped3A_35 : memref<!tpu.dma_semaphore, #tpu.memory_space<semaphore_mem>>) src(%arg5 : memref<640x128xf32, #tpu.memory_space<hbm>>) dst(%dma_wait3A_38 : memref<640x128xf32, #tpu.memory_space<vmem_shared>>)
      tpu.yield
    }) : () -> ()
    %barrier3A = arith.constant 0 : index
    tpu.barrier barrier_id(%barrier3A)
    %run_scoped3A = arith.constant 0 : i32
    "tpu.region"() ({
      %run_scoped3A_35 = tpu.sem_alloc : memref<!tpu.dma_semaphore, #tpu.memory_space<semaphore_mem>>
      %dma_start3A_36 = arith.constant 0 : i32
      %dma_start3A_37 = tpu.memref_slice %arg7[%run_scoped3A, %dma_start3A_36] : memref<2x128xi32, #tpu.memory_space<vmem>> -> memref<1x128xi32, #tpu.memory_space<vmem>>
      %dma_start3A_38 = tpu.memref_squeeze %dma_start3A_37 : memref<1x128xi32, #tpu.memory_space<vmem>> -> memref<128xi32, #tpu.memory_space<vmem>>
      %dma_start3A_39 = tpu.memref_slice %arg3[%mul3A_11] : memref<323584xi32, #tpu.memory_space<hbm>> -> memref<128xi32, #tpu.memory_space<hbm>>
      %dma_start3A_40 = arith.constant 0 : i32
      %dma_start3A_41 = tpu.memref_slice %arg7[%run_scoped3A, %dma_start3A_40] : memref<2x128xi32, #tpu.memory_space<vmem>> -> memref<1x128xi32, #tpu.memory_space<vmem>>
      %dma_start3A_42 = tpu.memref_squeeze %dma_start3A_41 : memref<1x128xi32, #tpu.memory_space<vmem>> -> memref<128xi32, #tpu.memory_space<vmem>>
      %dma_start3A_43 = tpu.memref_slice %arg3[%mul3A_11] : memref<323584xi32, #tpu.memory_space<hbm>> -> memref<128xi32, #tpu.memory_space<hbm>>
      tpu.enqueue_dma source(%dma_start3A_43 : memref<128xi32, #tpu.memory_space<hbm>>) target(%dma_start3A_42 : memref<128xi32, #tpu.memory_space<vmem>>) target_semaphore(%run_scoped3A_35 : memref<!tpu.dma_semaphore, #tpu.memory_space<semaphore_mem>>)
      %dma_wait3A = arith.constant 0 : i32
      %dma_wait3A_44 = tpu.memref_slice %arg7[%run_scoped3A, %dma_wait3A] : memref<2x128xi32, #tpu.memory_space<vmem>> -> memref<1x128xi32, #tpu.memory_space<vmem>>
      %dma_wait3A_45 = tpu.memref_squeeze %dma_wait3A_44 : memref<1x128xi32, #tpu.memory_space<vmem>> -> memref<128xi32, #tpu.memory_space<vmem>>
      %dma_wait3A_46 = tpu.memref_slice %arg3[%mul3A_11] : memref<323584xi32, #tpu.memory_space<hbm>> -> memref<128xi32, #tpu.memory_space<hbm>>
      %dma_wait3A_47 = arith.constant 0 : i32
      %dma_wait3A_48 = tpu.memref_slice %arg7[%run_scoped3A, %dma_wait3A_47] : memref<2x128xi32, #tpu.memory_space<vmem>> -> memref<1x128xi32, #tpu.memory_space<vmem>>
      %dma_wait3A_49 = tpu.memref_squeeze %dma_wait3A_48 : memref<1x128xi32, #tpu.memory_space<vmem>> -> memref<128xi32, #tpu.memory_space<vmem>>
      %dma_wait3A_50 = tpu.memref_slice %arg3[%mul3A_11] : memref<323584xi32, #tpu.memory_space<hbm>> -> memref<128xi32, #tpu.memory_space<hbm>>
      tpu.wait_dma2 semaphore(%run_scoped3A_35 : memref<!tpu.dma_semaphore, #tpu.memory_space<semaphore_mem>>) src(%dma_wait3A_50 : memref<128xi32, #tpu.memory_space<hbm>>) dst(%dma_wait3A_49 : memref<128xi32, #tpu.memory_space<vmem>>)
      tpu.yield
    }) : () -> ()
    %run_scoped3A_14 = arith.constant 0 : i32
    "tpu.region"() ({
      %run_scoped3A_35 = tpu.sem_alloc : memref<!tpu.dma_semaphore, #tpu.memory_space<semaphore_mem>>
      %dma_start3A_36 = arith.constant 0 : i32
      %dma_start3A_37 = tpu.memref_slice %arg8[%run_scoped3A_14, %dma_start3A_36] : memref<2x128xi32, #tpu.memory_space<vmem>> -> memref<1x128xi32, #tpu.memory_space<vmem>>
      %dma_start3A_38 = tpu.memref_squeeze %dma_start3A_37 : memref<1x128xi32, #tpu.memory_space<vmem>> -> memref<128xi32, #tpu.memory_space<vmem>>
      %dma_start3A_39 = tpu.memref_slice %arg4[%mul3A_11] : memref<323584xi32, #tpu.memory_space<hbm>> -> memref<128xi32, #tpu.memory_space<hbm>>
      %dma_start3A_40 = arith.constant 0 : i32
      %dma_start3A_41 = tpu.memref_slice %arg8[%run_scoped3A_14, %dma_start3A_40] : memref<2x128xi32, #tpu.memory_space<vmem>> -> memref<1x128xi32, #tpu.memory_space<vmem>>
      %dma_start3A_42 = tpu.memref_squeeze %dma_start3A_41 : memref<1x128xi32, #tpu.memory_space<vmem>> -> memref<128xi32, #tpu.memory_space<vmem>>
      %dma_start3A_43 = tpu.memref_slice %arg4[%mul3A_11] : memref<323584xi32, #tpu.memory_space<hbm>> -> memref<128xi32, #tpu.memory_space<hbm>>
      tpu.enqueue_dma source(%dma_start3A_43 : memref<128xi32, #tpu.memory_space<hbm>>) target(%dma_start3A_42 : memref<128xi32, #tpu.memory_space<vmem>>) target_semaphore(%run_scoped3A_35 : memref<!tpu.dma_semaphore, #tpu.memory_space<semaphore_mem>>)
      %dma_wait3A = arith.constant 0 : i32
      %dma_wait3A_44 = tpu.memref_slice %arg8[%run_scoped3A_14, %dma_wait3A] : memref<2x128xi32, #tpu.memory_space<vmem>> -> memref<1x128xi32, #tpu.memory_space<vmem>>
      %dma_wait3A_45 = tpu.memref_squeeze %dma_wait3A_44 : memref<1x128xi32, #tpu.memory_space<vmem>> -> memref<128xi32, #tpu.memory_space<vmem>>
      %dma_wait3A_46 = tpu.memref_slice %arg4[%mul3A_11] : memref<323584xi32, #tpu.memory_space<hbm>> -> memref<128xi32, #tpu.memory_space<hbm>>
      %dma_wait3A_47 = arith.constant 0 : i32
      %dma_wait3A_48 = tpu.memref_slice %arg8[%run_scoped3A_14, %dma_wait3A_47] : memref<2x128xi32, #tpu.memory_space<vmem>> -> memref<1x128xi32, #tpu.memory_space<vmem>>
      %dma_wait3A_49 = tpu.memref_squeeze %dma_wait3A_48 : memref<1x128xi32, #tpu.memory_space<vmem>> -> memref<128xi32, #tpu.memory_space<vmem>>
      %dma_wait3A_50 = tpu.memref_slice %arg4[%mul3A_11] : memref<323584xi32, #tpu.memory_space<hbm>> -> memref<128xi32, #tpu.memory_space<hbm>>
      tpu.wait_dma2 semaphore(%run_scoped3A_35 : memref<!tpu.dma_semaphore, #tpu.memory_space<semaphore_mem>>) src(%dma_wait3A_50 : memref<128xi32, #tpu.memory_space<hbm>>) dst(%dma_wait3A_49 : memref<128xi32, #tpu.memory_space<vmem>>)
      tpu.yield
    }) : () -> ()
    %dma_start3A = arith.constant 0 : i32
    %dma_start3A_15 = arith.constant 0 : i32
    %dma_start3A_16 = arith.constant 0 : i32
    %dma_start3A_17 = arith.constant 0 : i32
    %dma_start3A_18 = tpu.memref_slice %arg9[%dma_start3A_15, %dma_start3A_16, %dma_start3A_17] : memref<2x128x128xf32, #tpu.memory_space<vmem>> -> memref<1x128x128xf32, #tpu.memory_space<vmem>>
    %dma_start3A_19 = tpu.memref_squeeze %dma_start3A_18 : memref<1x128x128xf32, #tpu.memory_space<vmem>> -> memref<128x128xf32, #tpu.memory_space<vmem>>
    %dma_start3A_20 = arith.constant 0 : i32
    %dma_start3A_21 = tpu.memref_slice %arg7[%dma_start3A, %dma_start3A_20] : memref<2x128xi32, #tpu.memory_space<vmem>> -> memref<1x128xi32, #tpu.memory_space<vmem>>
    %dma_start3A_22 = tpu.memref_squeeze %dma_start3A_21 : memref<1x128xi32, #tpu.memory_space<vmem>> -> memref<128xi32, #tpu.memory_space<vmem>>
    %dma_start3A_23 = arith.constant 0 : i32
    %dma_start3A_24 = arith.constant 0 : i32
    %dma_start3A_25 = tpu.memref_slice %arg2[%dma_start3A_23, %dma_start3A_24] : memref<10240x128xf32, #tpu.memory_space<hbm>> -> memref<10240x128xf32, #tpu.memory_space<hbm>>
    tpu.enqueue_indirect_dma source(%dma_start3A_25 : memref<10240x128xf32, #tpu.memory_space<hbm>>) target(%dma_start3A_19 : memref<128x128xf32, #tpu.memory_space<vmem>>) offsets(%dma_start3A_22 : memref<128xi32, #tpu.memory_space<vmem>>) semaphore(%arg11 : memref<!tpu.dma_semaphore, #tpu.memory_space<semaphore_mem>>)
    %scan3A = arith.constant 0 : i32
    %scan3A_26 = arith.constant 50 : i32
    %scan3A_27 = arith.addi %scan3A, %scan3A_26 : i32
    %scan3A_28 = arith.constant 1 : i32
    scf.for %scan3A_35 = %scan3A to %scan3A_27 step %scan3A_28  : i32 {
      %mul3A_36 = arith.constant 2 : i32
      %mul3A_37 = arith.muli %scan3A_35, %mul3A_36 : i32
      %add3A_38 = arith.constant 0 : i32
      %add3A_39 = arith.addi %add3A_38, %mul3A_37 : i32
      %add3A_40 = arith.constant 0 : i32
      %add3A_41 = arith.addi %add3A_39, %add3A_40 : i32
      %lt3A = arith.cmpi slt, %add3A_41, %select_n3A_2 : i32
      %convert_element_type3A = arith.extui %lt3A : i1 to i32
      %cond3A = arith.constant 0 : i32
      %cond3A_42 = arith.cmpi ne, %convert_element_type3A, %cond3A : i32
      scf.if %cond3A_42 {
        %add3A_49 = arith.constant 0 : i32
        %add3A_50 = arith.addi %add3A_39, %add3A_49 : i32
        %dma_wait3A = arith.constant 0 : i32
        %dma_wait3A_51 = arith.constant 0 : i32
        %dma_wait3A_52 = arith.constant 0 : i32
        %dma_wait3A_53 = arith.constant 0 : i32
        %dma_wait3A_54 = tpu.memref_slice %arg9[%dma_wait3A_51, %dma_wait3A_52, %dma_wait3A_53] : memref<2x128x128xf32, #tpu.memory_space<vmem>> -> memref<1x128x128xf32, #tpu.memory_space<vmem>>
        %dma_wait3A_55 = tpu.memref_squeeze %dma_wait3A_54 : memref<1x128x128xf32, #tpu.memory_space<vmem>> -> memref<128x128xf32, #tpu.memory_space<vmem>>
        %dma_wait3A_56 = arith.constant 0 : i32
        %dma_wait3A_57 = tpu.memref_slice %arg7[%dma_wait3A, %dma_wait3A_56] : memref<2x128xi32, #tpu.memory_space<vmem>> -> memref<1x128xi32, #tpu.memory_space<vmem>>
        %dma_wait3A_58 = tpu.memref_squeeze %dma_wait3A_57 : memref<1x128xi32, #tpu.memory_space<vmem>> -> memref<128xi32, #tpu.memory_space<vmem>>
        %dma_wait3A_59 = arith.constant 0 : i32
        %dma_wait3A_60 = arith.constant 0 : i32
        %dma_wait3A_61 = tpu.memref_slice %arg2[%dma_wait3A_59, %dma_wait3A_60] : memref<10240x128xf32, #tpu.memory_space<hbm>> -> memref<10240x128xf32, #tpu.memory_space<hbm>>
        tpu.wait_indirect_dma semaphore(%arg11 : memref<!tpu.dma_semaphore, #tpu.memory_space<semaphore_mem>>) src(%dma_wait3A_61 : memref<10240x128xf32, #tpu.memory_space<hbm>>) dst(%dma_wait3A_55 : memref<128x128xf32, #tpu.memory_space<vmem>>)
        %add3A_62 = arith.constant 1 : i32
        %add3A_63 = arith.addi %add3A_50, %add3A_62 : i32
        %lt3A_64 = arith.cmpi slt, %add3A_63, %select_n3A_2 : i32
        %convert_element_type3A_65 = arith.extui %lt3A_64 : i1 to i32
        %cond3A_66 = arith.constant 0 : i32
        %cond3A_67 = arith.cmpi ne, %convert_element_type3A_65, %cond3A_66 : i32
        scf.if %cond3A_67 {
          %add3A_70 = arith.constant 1 : i32
          %add3A_71 = arith.addi %add3A_50, %add3A_70 : i32
          %mul3A_72 = arith.constant 128 : i32
          %mul3A_73 = arith.muli %add3A_71, %mul3A_72 : i32
          %add3A_74 = arith.addi %mul3A_11, %mul3A_73 : i32
          %run_scoped3A_75 = arith.constant 1 : i32
          "tpu.region"() ({
            %run_scoped3A_89 = tpu.sem_alloc : memref<!tpu.dma_semaphore, #tpu.memory_space<semaphore_mem>>
            %dma_start3A_90 = arith.constant 0 : i32
            %dma_start3A_91 = tpu.memref_slice %arg7[%run_scoped3A_75, %dma_start3A_90] : memref<2x128xi32, #tpu.memory_space<vmem>> -> memref<1x128xi32, #tpu.memory_space<vmem>>
            %dma_start3A_92 = tpu.memref_squeeze %dma_start3A_91 : memref<1x128xi32, #tpu.memory_space<vmem>> -> memref<128xi32, #tpu.memory_space<vmem>>
            %dma_start3A_93 = tpu.memref_slice %arg3[%add3A_74] : memref<323584xi32, #tpu.memory_space<hbm>> -> memref<128xi32, #tpu.memory_space<hbm>>
            %dma_start3A_94 = arith.constant 0 : i32
            %dma_start3A_95 = tpu.memref_slice %arg7[%run_scoped3A_75, %dma_start3A_94] : memref<2x128xi32, #tpu.memory_space<vmem>> -> memref<1x128xi32, #tpu.memory_space<vmem>>
            %dma_start3A_96 = tpu.memref_squeeze %dma_start3A_95 : memref<1x128xi32, #tpu.memory_space<vmem>> -> memref<128xi32, #tpu.memory_space<vmem>>
            %dma_start3A_97 = tpu.memref_slice %arg3[%add3A_74] : memref<323584xi32, #tpu.memory_space<hbm>> -> memref<128xi32, #tpu.memory_space<hbm>>
            tpu.enqueue_dma source(%dma_start3A_97 : memref<128xi32, #tpu.memory_space<hbm>>) target(%dma_start3A_96 : memref<128xi32, #tpu.memory_space<vmem>>) target_semaphore(%run_scoped3A_89 : memref<!tpu.dma_semaphore, #tpu.memory_space<semaphore_mem>>)
            %dma_wait3A_98 = arith.constant 0 : i32
            %dma_wait3A_99 = tpu.memref_slice %arg7[%run_scoped3A_75, %dma_wait3A_98] : memref<2x128xi32, #tpu.memory_space<vmem>> -> memref<1x128xi32, #tpu.memory_space<vmem>>
            %dma_wait3A_100 = tpu.memref_squeeze %dma_wait3A_99 : memref<1x128xi32, #tpu.memory_space<vmem>> -> memref<128xi32, #tpu.memory_space<vmem>>
            %dma_wait3A_101 = tpu.memref_slice %arg3[%add3A_74] : memref<323584xi32, #tpu.memory_space<hbm>> -> memref<128xi32, #tpu.memory_space<hbm>>
            %dma_wait3A_102 = arith.constant 0 : i32
            %dma_wait3A_103 = tpu.memref_slice %arg7[%run_scoped3A_75, %dma_wait3A_102] : memref<2x128xi32, #tpu.memory_space<vmem>> -> memref<1x128xi32, #tpu.memory_space<vmem>>
            %dma_wait3A_104 = tpu.memref_squeeze %dma_wait3A_103 : memref<1x128xi32, #tpu.memory_space<vmem>> -> memref<128xi32, #tpu.memory_space<vmem>>
            %dma_wait3A_105 = tpu.memref_slice %arg3[%add3A_74] : memref<323584xi32, #tpu.memory_space<hbm>> -> memref<128xi32, #tpu.memory_space<hbm>>
            tpu.wait_dma2 semaphore(%run_scoped3A_89 : memref<!tpu.dma_semaphore, #tpu.memory_space<semaphore_mem>>) src(%dma_wait3A_105 : memref<128xi32, #tpu.memory_space<hbm>>) dst(%dma_wait3A_104 : memref<128xi32, #tpu.memory_space<vmem>>)
            tpu.yield
          }) : () -> ()
          %run_scoped3A_76 = arith.constant 1 : i32
          "tpu.region"() ({
            %run_scoped3A_89 = tpu.sem_alloc : memref<!tpu.dma_semaphore, #tpu.memory_space<semaphore_mem>>
            %dma_start3A_90 = arith.constant 0 : i32
            %dma_start3A_91 = tpu.memref_slice %arg8[%run_scoped3A_76, %dma_start3A_90] : memref<2x128xi32, #tpu.memory_space<vmem>> -> memref<1x128xi32, #tpu.memory_space<vmem>>
            %dma_start3A_92 = tpu.memref_squeeze %dma_start3A_91 : memref<1x128xi32, #tpu.memory_space<vmem>> -> memref<128xi32, #tpu.memory_space<vmem>>
            %dma_start3A_93 = tpu.memref_slice %arg4[%add3A_74] : memref<323584xi32, #tpu.memory_space<hbm>> -> memref<128xi32, #tpu.memory_space<hbm>>
            %dma_start3A_94 = arith.constant 0 : i32
            %dma_start3A_95 = tpu.memref_slice %arg8[%run_scoped3A_76, %dma_start3A_94] : memref<2x128xi32, #tpu.memory_space<vmem>> -> memref<1x128xi32, #tpu.memory_space<vmem>>
            %dma_start3A_96 = tpu.memref_squeeze %dma_start3A_95 : memref<1x128xi32, #tpu.memory_space<vmem>> -> memref<128xi32, #tpu.memory_space<vmem>>
            %dma_start3A_97 = tpu.memref_slice %arg4[%add3A_74] : memref<323584xi32, #tpu.memory_space<hbm>> -> memref<128xi32, #tpu.memory_space<hbm>>
            tpu.enqueue_dma source(%dma_start3A_97 : memref<128xi32, #tpu.memory_space<hbm>>) target(%dma_start3A_96 : memref<128xi32, #tpu.memory_space<vmem>>) target_semaphore(%run_scoped3A_89 : memref<!tpu.dma_semaphore, #tpu.memory_space<semaphore_mem>>)
            %dma_wait3A_98 = arith.constant 0 : i32
            %dma_wait3A_99 = tpu.memref_slice %arg8[%run_scoped3A_76, %dma_wait3A_98] : memref<2x128xi32, #tpu.memory_space<vmem>> -> memref<1x128xi32, #tpu.memory_space<vmem>>
            %dma_wait3A_100 = tpu.memref_squeeze %dma_wait3A_99 : memref<1x128xi32, #tpu.memory_space<vmem>> -> memref<128xi32, #tpu.memory_space<vmem>>
            %dma_wait3A_101 = tpu.memref_slice %arg4[%add3A_74] : memref<323584xi32, #tpu.memory_space<hbm>> -> memref<128xi32, #tpu.memory_space<hbm>>
            %dma_wait3A_102 = arith.constant 0 : i32
            %dma_wait3A_103 = tpu.memref_slice %arg8[%run_scoped3A_76, %dma_wait3A_102] : memref<2x128xi32, #tpu.memory_space<vmem>> -> memref<1x128xi32, #tpu.memory_space<vmem>>
            %dma_wait3A_104 = tpu.memref_squeeze %dma_wait3A_103 : memref<1x128xi32, #tpu.memory_space<vmem>> -> memref<128xi32, #tpu.memory_space<vmem>>
            %dma_wait3A_105 = tpu.memref_slice %arg4[%add3A_74] : memref<323584xi32, #tpu.memory_space<hbm>> -> memref<128xi32, #tpu.memory_space<hbm>>
            tpu.wait_dma2 semaphore(%run_scoped3A_89 : memref<!tpu.dma_semaphore, #tpu.memory_space<semaphore_mem>>) src(%dma_wait3A_105 : memref<128xi32, #tpu.memory_space<hbm>>) dst(%dma_wait3A_104 : memref<128xi32, #tpu.memory_space<vmem>>)
            tpu.yield
          }) : () -> ()
          %dma_start3A_77 = arith.constant 1 : i32
          %dma_start3A_78 = arith.constant 1 : i32
          %dma_start3A_79 = arith.constant 0 : i32
          %dma_start3A_80 = arith.constant 0 : i32
          %dma_start3A_81 = tpu.memref_slice %arg9[%dma_start3A_78, %dma_start3A_79, %dma_start3A_80] : memref<2x128x128xf32, #tpu.memory_space<vmem>> -> memref<1x128x128xf32, #tpu.memory_space<vmem>>
          %dma_start3A_82 = tpu.memref_squeeze %dma_start3A_81 : memref<1x128x128xf32, #tpu.memory_space<vmem>> -> memref<128x128xf32, #tpu.memory_space<vmem>>
          %dma_start3A_83 = arith.constant 0 : i32
          %dma_start3A_84 = tpu.memref_slice %arg7[%dma_start3A_77, %dma_start3A_83] : memref<2x128xi32, #tpu.memory_space<vmem>> -> memref<1x128xi32, #tpu.memory_space<vmem>>
          %dma_start3A_85 = tpu.memref_squeeze %dma_start3A_84 : memref<1x128xi32, #tpu.memory_space<vmem>> -> memref<128xi32, #tpu.memory_space<vmem>>
          %dma_start3A_86 = arith.constant 0 : i32
          %dma_start3A_87 = arith.constant 0 : i32
          %dma_start3A_88 = tpu.memref_slice %arg2[%dma_start3A_86, %dma_start3A_87] : memref<10240x128xf32, #tpu.memory_space<hbm>> -> memref<10240x128xf32, #tpu.memory_space<hbm>>
          tpu.enqueue_indirect_dma source(%dma_start3A_88 : memref<10240x128xf32, #tpu.memory_space<hbm>>) target(%dma_start3A_82 : memref<128x128xf32, #tpu.memory_space<vmem>>) offsets(%dma_start3A_85 : memref<128xi32, #tpu.memory_space<vmem>>) semaphore(%arg12 : memref<!tpu.dma_semaphore, #tpu.memory_space<semaphore_mem>>)
        } else {
        }
        %run_scoped3A_68 = arith.constant 0 : i32
        %run_scoped3A_69 = arith.constant 0 : i32
        "tpu.region"() ({
          %run_scoped3A_70 = tpu.sem_alloc : memref<!tpu.dma_semaphore, #tpu.memory_space<semaphore_mem>>
          %dma_start3A_71 = arith.constant 0 : i32
          %dma_start3A_72 = arith.constant 0 : i32
          %dma_start3A_73 = tpu.memref_slice %arg9[%run_scoped3A_68, %dma_start3A_71, %dma_start3A_72] : memref<2x128x128xf32, #tpu.memory_space<vmem>> -> memref<1x128x128xf32, #tpu.memory_space<vmem>>
          %dma_start3A_74 = tpu.memref_squeeze %dma_start3A_73 : memref<1x128x128xf32, #tpu.memory_space<vmem>> -> memref<128x128xf32, #tpu.memory_space<vmem>>
          %dma_start3A_75 = arith.constant 0 : i32
          %dma_start3A_76 = tpu.memref_slice %arg8[%run_scoped3A_69, %dma_start3A_75] : memref<2x128xi32, #tpu.memory_space<vmem>> -> memref<1x128xi32, #tpu.memory_space<vmem>>
          %dma_start3A_77 = tpu.memref_squeeze %dma_start3A_76 : memref<1x128xi32, #tpu.memory_space<vmem>> -> memref<128xi32, #tpu.memory_space<vmem>>
          %dma_start3A_78 = arith.constant 0 : i32
          %dma_start3A_79 = arith.constant 0 : i32
          %dma_start3A_80 = tpu.memref_slice %arg10[%dma_start3A_78, %dma_start3A_79] : memref<10240x128xf32, #tpu.memory_space<vmem_shared>> -> memref<10240x128xf32, #tpu.memory_space<vmem_shared>>
          tpu.enqueue_indirect_dma source(%dma_start3A_74 : memref<128x128xf32, #tpu.memory_space<vmem>>) target(%dma_start3A_80 : memref<10240x128xf32, #tpu.memory_space<vmem_shared>>) offsets(%dma_start3A_77 : memref<128xi32, #tpu.memory_space<vmem>>) semaphore(%run_scoped3A_70 : memref<!tpu.dma_semaphore, #tpu.memory_space<semaphore_mem>>) {add = true}
          %dma_wait3A_81 = arith.constant 0 : i32
          %dma_wait3A_82 = arith.constant 0 : i32
          %dma_wait3A_83 = tpu.memref_slice %arg9[%run_scoped3A_68, %dma_wait3A_81, %dma_wait3A_82] : memref<2x128x128xf32, #tpu.memory_space<vmem>> -> memref<1x128x128xf32, #tpu.memory_space<vmem>>
          %dma_wait3A_84 = tpu.memref_squeeze %dma_wait3A_83 : memref<1x128x128xf32, #tpu.memory_space<vmem>> -> memref<128x128xf32, #tpu.memory_space<vmem>>
          %dma_wait3A_85 = arith.constant 0 : i32
          %dma_wait3A_86 = tpu.memref_slice %arg8[%run_scoped3A_69, %dma_wait3A_85] : memref<2x128xi32, #tpu.memory_space<vmem>> -> memref<1x128xi32, #tpu.memory_space<vmem>>
          %dma_wait3A_87 = tpu.memref_squeeze %dma_wait3A_86 : memref<1x128xi32, #tpu.memory_space<vmem>> -> memref<128xi32, #tpu.memory_space<vmem>>
          %dma_wait3A_88 = arith.constant 0 : i32
          %dma_wait3A_89 = arith.constant 0 : i32
          %dma_wait3A_90 = tpu.memref_slice %arg10[%dma_wait3A_88, %dma_wait3A_89] : memref<10240x128xf32, #tpu.memory_space<vmem_shared>> -> memref<10240x128xf32, #tpu.memory_space<vmem_shared>>
          tpu.wait_indirect_dma semaphore(%run_scoped3A_70 : memref<!tpu.dma_semaphore, #tpu.memory_space<semaphore_mem>>) src(%dma_wait3A_84 : memref<128x128xf32, #tpu.memory_space<vmem>>) dst(%dma_wait3A_90 : memref<10240x128xf32, #tpu.memory_space<vmem_shared>>)
          tpu.yield
        }) : () -> ()
      } else {
      }
      %add3A_43 = arith.constant 1 : i32
      %add3A_44 = arith.addi %add3A_39, %add3A_43 : i32
      %lt3A_45 = arith.cmpi slt, %add3A_44, %select_n3A_2 : i32
      %convert_element_type3A_46 = arith.extui %lt3A_45 : i1 to i32
      %cond3A_47 = arith.constant 0 : i32
      %cond3A_48 = arith.cmpi ne, %convert_element_type3A_46, %cond3A_47 : i32
      scf.if %cond3A_48 {
        %add3A_49 = arith.constant 1 : i32
        %add3A_50 = arith.addi %add3A_39, %add3A_49 : i32
        %dma_wait3A = arith.constant 1 : i32
        %dma_wait3A_51 = arith.constant 1 : i32
        %dma_wait3A_52 = arith.constant 0 : i32
        %dma_wait3A_53 = arith.constant 0 : i32
        %dma_wait3A_54 = tpu.memref_slice %arg9[%dma_wait3A_51, %dma_wait3A_52, %dma_wait3A_53] : memref<2x128x128xf32, #tpu.memory_space<vmem>> -> memref<1x128x128xf32, #tpu.memory_space<vmem>>
        %dma_wait3A_55 = tpu.memref_squeeze %dma_wait3A_54 : memref<1x128x128xf32, #tpu.memory_space<vmem>> -> memref<128x128xf32, #tpu.memory_space<vmem>>
        %dma_wait3A_56 = arith.constant 0 : i32
        %dma_wait3A_57 = tpu.memref_slice %arg7[%dma_wait3A, %dma_wait3A_56] : memref<2x128xi32, #tpu.memory_space<vmem>> -> memref<1x128xi32, #tpu.memory_space<vmem>>
        %dma_wait3A_58 = tpu.memref_squeeze %dma_wait3A_57 : memref<1x128xi32, #tpu.memory_space<vmem>> -> memref<128xi32, #tpu.memory_space<vmem>>
        %dma_wait3A_59 = arith.constant 0 : i32
        %dma_wait3A_60 = arith.constant 0 : i32
        %dma_wait3A_61 = tpu.memref_slice %arg2[%dma_wait3A_59, %dma_wait3A_60] : memref<10240x128xf32, #tpu.memory_space<hbm>> -> memref<10240x128xf32, #tpu.memory_space<hbm>>
        tpu.wait_indirect_dma semaphore(%arg12 : memref<!tpu.dma_semaphore, #tpu.memory_space<semaphore_mem>>) src(%dma_wait3A_61 : memref<10240x128xf32, #tpu.memory_space<hbm>>) dst(%dma_wait3A_55 : memref<128x128xf32, #tpu.memory_space<vmem>>)
        %add3A_62 = arith.constant 1 : i32
        %add3A_63 = arith.addi %add3A_50, %add3A_62 : i32
        %lt3A_64 = arith.cmpi slt, %add3A_63, %select_n3A_2 : i32
        %convert_element_type3A_65 = arith.extui %lt3A_64 : i1 to i32
        %cond3A_66 = arith.constant 0 : i32
        %cond3A_67 = arith.cmpi ne, %convert_element_type3A_65, %cond3A_66 : i32
        scf.if %cond3A_67 {
          %add3A_70 = arith.constant 1 : i32
          %add3A_71 = arith.addi %add3A_50, %add3A_70 : i32
          %mul3A_72 = arith.constant 128 : i32
          %mul3A_73 = arith.muli %add3A_71, %mul3A_72 : i32
          %add3A_74 = arith.addi %mul3A_11, %mul3A_73 : i32
          %run_scoped3A_75 = arith.constant 0 : i32
          "tpu.region"() ({
            %run_scoped3A_89 = tpu.sem_alloc : memref<!tpu.dma_semaphore, #tpu.memory_space<semaphore_mem>>
            %dma_start3A_90 = arith.constant 0 : i32
            %dma_start3A_91 = tpu.memref_slice %arg7[%run_scoped3A_75, %dma_start3A_90] : memref<2x128xi32, #tpu.memory_space<vmem>> -> memref<1x128xi32, #tpu.memory_space<vmem>>
            %dma_start3A_92 = tpu.memref_squeeze %dma_start3A_91 : memref<1x128xi32, #tpu.memory_space<vmem>> -> memref<128xi32, #tpu.memory_space<vmem>>
            %dma_start3A_93 = tpu.memref_slice %arg3[%add3A_74] : memref<323584xi32, #tpu.memory_space<hbm>> -> memref<128xi32, #tpu.memory_space<hbm>>
            %dma_start3A_94 = arith.constant 0 : i32
            %dma_start3A_95 = tpu.memref_slice %arg7[%run_scoped3A_75, %dma_start3A_94] : memref<2x128xi32, #tpu.memory_space<vmem>> -> memref<1x128xi32, #tpu.memory_space<vmem>>
            %dma_start3A_96 = tpu.memref_squeeze %dma_start3A_95 : memref<1x128xi32, #tpu.memory_space<vmem>> -> memref<128xi32, #tpu.memory_space<vmem>>
            %dma_start3A_97 = tpu.memref_slice %arg3[%add3A_74] : memref<323584xi32, #tpu.memory_space<hbm>> -> memref<128xi32, #tpu.memory_space<hbm>>
            tpu.enqueue_dma source(%dma_start3A_97 : memref<128xi32, #tpu.memory_space<hbm>>) target(%dma_start3A_96 : memref<128xi32, #tpu.memory_space<vmem>>) target_semaphore(%run_scoped3A_89 : memref<!tpu.dma_semaphore, #tpu.memory_space<semaphore_mem>>)
            %dma_wait3A_98 = arith.constant 0 : i32
            %dma_wait3A_99 = tpu.memref_slice %arg7[%run_scoped3A_75, %dma_wait3A_98] : memref<2x128xi32, #tpu.memory_space<vmem>> -> memref<1x128xi32, #tpu.memory_space<vmem>>
            %dma_wait3A_100 = tpu.memref_squeeze %dma_wait3A_99 : memref<1x128xi32, #tpu.memory_space<vmem>> -> memref<128xi32, #tpu.memory_space<vmem>>
            %dma_wait3A_101 = tpu.memref_slice %arg3[%add3A_74] : memref<323584xi32, #tpu.memory_space<hbm>> -> memref<128xi32, #tpu.memory_space<hbm>>
            %dma_wait3A_102 = arith.constant 0 : i32
            %dma_wait3A_103 = tpu.memref_slice %arg7[%run_scoped3A_75, %dma_wait3A_102] : memref<2x128xi32, #tpu.memory_space<vmem>> -> memref<1x128xi32, #tpu.memory_space<vmem>>
            %dma_wait3A_104 = tpu.memref_squeeze %dma_wait3A_103 : memref<1x128xi32, #tpu.memory_space<vmem>> -> memref<128xi32, #tpu.memory_space<vmem>>
            %dma_wait3A_105 = tpu.memref_slice %arg3[%add3A_74] : memref<323584xi32, #tpu.memory_space<hbm>> -> memref<128xi32, #tpu.memory_space<hbm>>
            tpu.wait_dma2 semaphore(%run_scoped3A_89 : memref<!tpu.dma_semaphore, #tpu.memory_space<semaphore_mem>>) src(%dma_wait3A_105 : memref<128xi32, #tpu.memory_space<hbm>>) dst(%dma_wait3A_104 : memref<128xi32, #tpu.memory_space<vmem>>)
            tpu.yield
          }) : () -> ()
          %run_scoped3A_76 = arith.constant 0 : i32
          "tpu.region"() ({
            %run_scoped3A_89 = tpu.sem_alloc : memref<!tpu.dma_semaphore, #tpu.memory_space<semaphore_mem>>
            %dma_start3A_90 = arith.constant 0 : i32
            %dma_start3A_91 = tpu.memref_slice %arg8[%run_scoped3A_76, %dma_start3A_90] : memref<2x128xi32, #tpu.memory_space<vmem>> -> memref<1x128xi32, #tpu.memory_space<vmem>>
            %dma_start3A_92 = tpu.memref_squeeze %dma_start3A_91 : memref<1x128xi32, #tpu.memory_space<vmem>> -> memref<128xi32, #tpu.memory_space<vmem>>
            %dma_start3A_93 = tpu.memref_slice %arg4[%add3A_74] : memref<323584xi32, #tpu.memory_space<hbm>> -> memref<128xi32, #tpu.memory_space<hbm>>
            %dma_start3A_94 = arith.constant 0 : i32
            %dma_start3A_95 = tpu.memref_slice %arg8[%run_scoped3A_76, %dma_start3A_94] : memref<2x128xi32, #tpu.memory_space<vmem>> -> memref<1x128xi32, #tpu.memory_space<vmem>>
            %dma_start3A_96 = tpu.memref_squeeze %dma_start3A_95 : memref<1x128xi32, #tpu.memory_space<vmem>> -> memref<128xi32, #tpu.memory_space<vmem>>
            %dma_start3A_97 = tpu.memref_slice %arg4[%add3A_74] : memref<323584xi32, #tpu.memory_space<hbm>> -> memref<128xi32, #tpu.memory_space<hbm>>
            tpu.enqueue_dma source(%dma_start3A_97 : memref<128xi32, #tpu.memory_space<hbm>>) target(%dma_start3A_96 : memref<128xi32, #tpu.memory_space<vmem>>) target_semaphore(%run_scoped3A_89 : memref<!tpu.dma_semaphore, #tpu.memory_space<semaphore_mem>>)
            %dma_wait3A_98 = arith.constant 0 : i32
            %dma_wait3A_99 = tpu.memref_slice %arg8[%run_scoped3A_76, %dma_wait3A_98] : memref<2x128xi32, #tpu.memory_space<vmem>> -> memref<1x128xi32, #tpu.memory_space<vmem>>
            %dma_wait3A_100 = tpu.memref_squeeze %dma_wait3A_99 : memref<1x128xi32, #tpu.memory_space<vmem>> -> memref<128xi32, #tpu.memory_space<vmem>>
            %dma_wait3A_101 = tpu.memref_slice %arg4[%add3A_74] : memref<323584xi32, #tpu.memory_space<hbm>> -> memref<128xi32, #tpu.memory_space<hbm>>
            %dma_wait3A_102 = arith.constant 0 : i32
            %dma_wait3A_103 = tpu.memref_slice %arg8[%run_scoped3A_76, %dma_wait3A_102] : memref<2x128xi32, #tpu.memory_space<vmem>> -> memref<1x128xi32, #tpu.memory_space<vmem>>
            %dma_wait3A_104 = tpu.memref_squeeze %dma_wait3A_103 : memref<1x128xi32, #tpu.memory_space<vmem>> -> memref<128xi32, #tpu.memory_space<vmem>>
            %dma_wait3A_105 = tpu.memref_slice %arg4[%add3A_74] : memref<323584xi32, #tpu.memory_space<hbm>> -> memref<128xi32, #tpu.memory_space<hbm>>
            tpu.wait_dma2 semaphore(%run_scoped3A_89 : memref<!tpu.dma_semaphore, #tpu.memory_space<semaphore_mem>>) src(%dma_wait3A_105 : memref<128xi32, #tpu.memory_space<hbm>>) dst(%dma_wait3A_104 : memref<128xi32, #tpu.memory_space<vmem>>)
            tpu.yield
          }) : () -> ()
          %dma_start3A_77 = arith.constant 0 : i32
          %dma_start3A_78 = arith.constant 0 : i32
          %dma_start3A_79 = arith.constant 0 : i32
          %dma_start3A_80 = arith.constant 0 : i32
          %dma_start3A_81 = tpu.memref_slice %arg9[%dma_start3A_78, %dma_start3A_79, %dma_start3A_80] : memref<2x128x128xf32, #tpu.memory_space<vmem>> -> memref<1x128x128xf32, #tpu.memory_space<vmem>>
          %dma_start3A_82 = tpu.memref_squeeze %dma_start3A_81 : memref<1x128x128xf32, #tpu.memory_space<vmem>> -> memref<128x128xf32, #tpu.memory_space<vmem>>
          %dma_start3A_83 = arith.constant 0 : i32
          %dma_start3A_84 = tpu.memref_slice %arg7[%dma_start3A_77, %dma_start3A_83] : memref<2x128xi32, #tpu.memory_space<vmem>> -> memref<1x128xi32, #tpu.memory_space<vmem>>
          %dma_start3A_85 = tpu.memref_squeeze %dma_start3A_84 : memref<1x128xi32, #tpu.memory_space<vmem>> -> memref<128xi32, #tpu.memory_space<vmem>>
          %dma_start3A_86 = arith.constant 0 : i32
          %dma_start3A_87 = arith.constant 0 : i32
          %dma_start3A_88 = tpu.memref_slice %arg2[%dma_start3A_86, %dma_start3A_87] : memref<10240x128xf32, #tpu.memory_space<hbm>> -> memref<10240x128xf32, #tpu.memory_space<hbm>>
          tpu.enqueue_indirect_dma source(%dma_start3A_88 : memref<10240x128xf32, #tpu.memory_space<hbm>>) target(%dma_start3A_82 : memref<128x128xf32, #tpu.memory_space<vmem>>) offsets(%dma_start3A_85 : memref<128xi32, #tpu.memory_space<vmem>>) semaphore(%arg11 : memref<!tpu.dma_semaphore, #tpu.memory_space<semaphore_mem>>)
        } else {
        }
        %run_scoped3A_68 = arith.constant 1 : i32
        %run_scoped3A_69 = arith.constant 1 : i32
        "tpu.region"() ({
          %run_scoped3A_70 = tpu.sem_alloc : memref<!tpu.dma_semaphore, #tpu.memory_space<semaphore_mem>>
          %dma_start3A_71 = arith.constant 0 : i32
          %dma_start3A_72 = arith.constant 0 : i32
          %dma_start3A_73 = tpu.memref_slice %arg9[%run_scoped3A_68, %dma_start3A_71, %dma_start3A_72] : memref<2x128x128xf32, #tpu.memory_space<vmem>> -> memref<1x128x128xf32, #tpu.memory_space<vmem>>
          %dma_start3A_74 = tpu.memref_squeeze %dma_start3A_73 : memref<1x128x128xf32, #tpu.memory_space<vmem>> -> memref<128x128xf32, #tpu.memory_space<vmem>>
          %dma_start3A_75 = arith.constant 0 : i32
          %dma_start3A_76 = tpu.memref_slice %arg8[%run_scoped3A_69, %dma_start3A_75] : memref<2x128xi32, #tpu.memory_space<vmem>> -> memref<1x128xi32, #tpu.memory_space<vmem>>
          %dma_start3A_77 = tpu.memref_squeeze %dma_start3A_76 : memref<1x128xi32, #tpu.memory_space<vmem>> -> memref<128xi32, #tpu.memory_space<vmem>>
          %dma_start3A_78 = arith.constant 0 : i32
          %dma_start3A_79 = arith.constant 0 : i32
          %dma_start3A_80 = tpu.memref_slice %arg10[%dma_start3A_78, %dma_start3A_79] : memref<10240x128xf32, #tpu.memory_space<vmem_shared>> -> memref<10240x128xf32, #tpu.memory_space<vmem_shared>>
          tpu.enqueue_indirect_dma source(%dma_start3A_74 : memref<128x128xf32, #tpu.memory_space<vmem>>) target(%dma_start3A_80 : memref<10240x128xf32, #tpu.memory_space<vmem_shared>>) offsets(%dma_start3A_77 : memref<128xi32, #tpu.memory_space<vmem>>) semaphore(%run_scoped3A_70 : memref<!tpu.dma_semaphore, #tpu.memory_space<semaphore_mem>>) {add = true}
          %dma_wait3A_81 = arith.constant 0 : i32
          %dma_wait3A_82 = arith.constant 0 : i32
          %dma_wait3A_83 = tpu.memref_slice %arg9[%run_scoped3A_68, %dma_wait3A_81, %dma_wait3A_82] : memref<2x128x128xf32, #tpu.memory_space<vmem>> -> memref<1x128x128xf32, #tpu.memory_space<vmem>>
          %dma_wait3A_84 = tpu.memref_squeeze %dma_wait3A_83 : memref<1x128x128xf32, #tpu.memory_space<vmem>> -> memref<128x128xf32, #tpu.memory_space<vmem>>
          %dma_wait3A_85 = arith.constant 0 : i32
          %dma_wait3A_86 = tpu.memref_slice %arg8[%run_scoped3A_69, %dma_wait3A_85] : memref<2x128xi32, #tpu.memory_space<vmem>> -> memref<1x128xi32, #tpu.memory_space<vmem>>
          %dma_wait3A_87 = tpu.memref_squeeze %dma_wait3A_86 : memref<1x128xi32, #tpu.memory_space<vmem>> -> memref<128xi32, #tpu.memory_space<vmem>>
          %dma_wait3A_88 = arith.constant 0 : i32
          %dma_wait3A_89 = arith.constant 0 : i32
          %dma_wait3A_90 = tpu.memref_slice %arg10[%dma_wait3A_88, %dma_wait3A_89] : memref<10240x128xf32, #tpu.memory_space<vmem_shared>> -> memref<10240x128xf32, #tpu.memory_space<vmem_shared>>
          tpu.wait_indirect_dma semaphore(%run_scoped3A_70 : memref<!tpu.dma_semaphore, #tpu.memory_space<semaphore_mem>>) src(%dma_wait3A_84 : memref<128x128xf32, #tpu.memory_space<vmem>>) dst(%dma_wait3A_90 : memref<10240x128xf32, #tpu.memory_space<vmem_shared>>)
          tpu.yield
        }) : () -> ()
      } else {
      }
    }
    %scan3A_29 = arith.constant 50 : i32
    %barrier3A_30 = arith.constant 0 : index
    tpu.barrier barrier_id(%barrier3A_30)
    %mul3A_31 = arith.constant 640 : i32
    %mul3A_32 = arith.muli %arg1, %mul3A_31 : i32
    %mul3A_33 = arith.constant 640 : i32
    %mul3A_34 = arith.muli %arg1, %mul3A_33 : i32
    "tpu.region"() ({
      %run_scoped3A_35 = tpu.sem_alloc : memref<!tpu.dma_semaphore, #tpu.memory_space<semaphore_mem>>
      %dma_start3A_36 = arith.constant 0 : i32
      %dma_start3A_37 = tpu.memref_slice %arg6[%arg0, %mul3A_34, %dma_start3A_36] : memref<2x10240x128xf32, #tpu.memory_space<hbm>> -> memref<1x640x128xf32, #tpu.memory_space<hbm>>
      %dma_start3A_38 = tpu.memref_squeeze %dma_start3A_37 : memref<1x640x128xf32, #tpu.memory_space<hbm>> -> memref<640x128xf32, #tpu.memory_space<hbm>>
      %dma_start3A_39 = arith.constant 0 : i32
      %dma_start3A_40 = tpu.memref_slice %arg10[%mul3A_32, %dma_start3A_39] : memref<10240x128xf32, #tpu.memory_space<vmem_shared>> -> memref<640x128xf32, #tpu.memory_space<vmem_shared>>
      tpu.enqueue_dma source(%dma_start3A_40 : memref<640x128xf32, #tpu.memory_space<vmem_shared>>) target(%dma_start3A_38 : memref<640x128xf32, #tpu.memory_space<hbm>>) target_semaphore(%run_scoped3A_35 : memref<!tpu.dma_semaphore, #tpu.memory_space<semaphore_mem>>)
      %dma_wait3A = arith.constant 0 : i32
      %dma_wait3A_41 = tpu.memref_slice %arg6[%arg0, %mul3A_34, %dma_wait3A] : memref<2x10240x128xf32, #tpu.memory_space<hbm>> -> memref<1x640x128xf32, #tpu.memory_space<hbm>>
      %dma_wait3A_42 = tpu.memref_squeeze %dma_wait3A_41 : memref<1x640x128xf32, #tpu.memory_space<hbm>> -> memref<640x128xf32, #tpu.memory_space<hbm>>
      %dma_wait3A_43 = arith.constant 0 : i32
      %dma_wait3A_44 = tpu.memref_slice %arg10[%mul3A_32, %dma_wait3A_43] : memref<10240x128xf32, #tpu.memory_space<vmem_shared>> -> memref<640x128xf32, #tpu.memory_space<vmem_shared>>
      tpu.wait_dma2 semaphore(%run_scoped3A_35 : memref<!tpu.dma_semaphore, #tpu.memory_space<semaphore_mem>>) src(%dma_wait3A_44 : memref<640x128xf32, #tpu.memory_space<vmem_shared>>) dst(%dma_wait3A_42 : memref<640x128xf32, #tpu.memory_space<hbm>>)
      tpu.yield
    }) : () -> ()
    return
  }
}

#map = affine_map<(d0, d1) -> (0, 0)>
#map1 = affine_map<(d0, d1) -> (0)>
module attributes {stable_mosaic.version = 14 : i64} {
  func.func @k(%arg0: i32, %arg1: i32, %arg2: memref<10240x128xf32, #tpu.memory_space<hbm>>, %arg3: memref<10240x128xf32, #tpu.memory_space<hbm>>, %arg4: memref<323584xi32, #tpu.memory_space<hbm>>, %arg5: memref<323584xi32, #tpu.memory_space<hbm>>, %arg6: memref<323584x128xf32, #tpu.memory_space<hbm>>, %arg7: memref<323584x128xf32, #tpu.memory_space<hbm>>, %arg8: memref<2x128xi32, #tpu.memory_space<vmem>>, %arg9: memref<2x128xi32, #tpu.memory_space<vmem>>, %arg10: memref<2x128x128xf32, #tpu.memory_space<vmem>>, %arg11: memref<2x128x128xf32, #tpu.memory_space<vmem>>, %arg12: memref<!tpu.dma_semaphore, #tpu.memory_space<semaphore_mem>>, %arg13: memref<!tpu.dma_semaphore, #tpu.memory_space<semaphore_mem>>, %arg14: memref<!tpu.dma_semaphore, #tpu.memory_space<semaphore_mem>>, %arg15: memref<!tpu.dma_semaphore, #tpu.memory_space<semaphore_mem>>) attributes {dimension_semantics = [#tpu.dimension_semantics<core_parallel>, #tpu.dimension_semantics<subcore_parallel>], iteration_bounds = array<i64: 2, 16>, scalar_prefetch = 0 : i64, scratch_operands = 8 : i64, tpu.core_type = #tpu.core_type<sc_vector_subcore>, window_params = [{transform_indices = #map}, {transform_indices = #map}, {transform_indices = #map1}, {transform_indices = #map1}, {transform_indices = #map}, {transform_indices = #map}]} {
    %eq3A = arith.constant 0 : i32
    %eq3A_0 = arith.cmpi eq, %arg0, %eq3A : i32
    %select_n3A = arith.constant 58 : i32
    %select_n3A_1 = arith.constant 100 : i32
    %select_n3A_2 = arith.select %eq3A_0, %select_n3A_1, %select_n3A : i32
    %eq3A_3 = arith.constant 0 : i32
    %eq3A_4 = arith.cmpi eq, %arg0, %eq3A_3 : i32
    %mul3A = arith.constant 100 : i32
    %mul3A_5 = arith.muli %arg1, %mul3A : i32
    %mul3A_6 = arith.constant 58 : i32
    %mul3A_7 = arith.muli %arg1, %mul3A_6 : i32
    %add3A = arith.constant 1600 : i32
    %add3A_8 = arith.addi %add3A, %mul3A_7 : i32
    %select_n3A_9 = arith.select %eq3A_4, %mul3A_5, %add3A_8 : i32
    %mul3A_10 = arith.constant 128 : i32
    %mul3A_11 = arith.muli %select_n3A_9, %mul3A_10 : i32
    %run_scoped3A = arith.constant 0 : i32
    "tpu.region"() ({
      %run_scoped3A_100 = tpu.sem_alloc : memref<!tpu.dma_semaphore, #tpu.memory_space<semaphore_mem>>
      %dma_start3A_101 = arith.constant 0 : i32
      %dma_start3A_102 = tpu.memref_slice %arg8[%run_scoped3A, %dma_start3A_101] : memref<2x128xi32, #tpu.memory_space<vmem>> -> memref<1x128xi32, #tpu.memory_space<vmem>>
      %dma_start3A_103 = tpu.memref_squeeze %dma_start3A_102 : memref<1x128xi32, #tpu.memory_space<vmem>> -> memref<128xi32, #tpu.memory_space<vmem>>
      %dma_start3A_104 = tpu.memref_slice %arg4[%mul3A_11] : memref<323584xi32, #tpu.memory_space<hbm>> -> memref<128xi32, #tpu.memory_space<hbm>>
      %dma_start3A_105 = arith.constant 0 : i32
      %dma_start3A_106 = tpu.memref_slice %arg8[%run_scoped3A, %dma_start3A_105] : memref<2x128xi32, #tpu.memory_space<vmem>> -> memref<1x128xi32, #tpu.memory_space<vmem>>
      %dma_start3A_107 = tpu.memref_squeeze %dma_start3A_106 : memref<1x128xi32, #tpu.memory_space<vmem>> -> memref<128xi32, #tpu.memory_space<vmem>>
      %dma_start3A_108 = tpu.memref_slice %arg4[%mul3A_11] : memref<323584xi32, #tpu.memory_space<hbm>> -> memref<128xi32, #tpu.memory_space<hbm>>
      tpu.enqueue_dma source(%dma_start3A_108 : memref<128xi32, #tpu.memory_space<hbm>>) target(%dma_start3A_107 : memref<128xi32, #tpu.memory_space<vmem>>) target_semaphore(%run_scoped3A_100 : memref<!tpu.dma_semaphore, #tpu.memory_space<semaphore_mem>>)
      %dma_wait3A_109 = arith.constant 0 : i32
      %dma_wait3A_110 = tpu.memref_slice %arg8[%run_scoped3A, %dma_wait3A_109] : memref<2x128xi32, #tpu.memory_space<vmem>> -> memref<1x128xi32, #tpu.memory_space<vmem>>
      %dma_wait3A_111 = tpu.memref_squeeze %dma_wait3A_110 : memref<1x128xi32, #tpu.memory_space<vmem>> -> memref<128xi32, #tpu.memory_space<vmem>>
      %dma_wait3A_112 = tpu.memref_slice %arg4[%mul3A_11] : memref<323584xi32, #tpu.memory_space<hbm>> -> memref<128xi32, #tpu.memory_space<hbm>>
      %dma_wait3A_113 = arith.constant 0 : i32
      %dma_wait3A_114 = tpu.memref_slice %arg8[%run_scoped3A, %dma_wait3A_113] : memref<2x128xi32, #tpu.memory_space<vmem>> -> memref<1x128xi32, #tpu.memory_space<vmem>>
      %dma_wait3A_115 = tpu.memref_squeeze %dma_wait3A_114 : memref<1x128xi32, #tpu.memory_space<vmem>> -> memref<128xi32, #tpu.memory_space<vmem>>
      %dma_wait3A_116 = tpu.memref_slice %arg4[%mul3A_11] : memref<323584xi32, #tpu.memory_space<hbm>> -> memref<128xi32, #tpu.memory_space<hbm>>
      tpu.wait_dma2 semaphore(%run_scoped3A_100 : memref<!tpu.dma_semaphore, #tpu.memory_space<semaphore_mem>>) src(%dma_wait3A_116 : memref<128xi32, #tpu.memory_space<hbm>>) dst(%dma_wait3A_115 : memref<128xi32, #tpu.memory_space<vmem>>)
      tpu.yield
    }) : () -> ()
    %run_scoped3A_12 = arith.constant 0 : i32
    "tpu.region"() ({
      %run_scoped3A_100 = tpu.sem_alloc : memref<!tpu.dma_semaphore, #tpu.memory_space<semaphore_mem>>
      %dma_start3A_101 = arith.constant 0 : i32
      %dma_start3A_102 = tpu.memref_slice %arg9[%run_scoped3A_12, %dma_start3A_101] : memref<2x128xi32, #tpu.memory_space<vmem>> -> memref<1x128xi32, #tpu.memory_space<vmem>>
      %dma_start3A_103 = tpu.memref_squeeze %dma_start3A_102 : memref<1x128xi32, #tpu.memory_space<vmem>> -> memref<128xi32, #tpu.memory_space<vmem>>
      %dma_start3A_104 = tpu.memref_slice %arg5[%mul3A_11] : memref<323584xi32, #tpu.memory_space<hbm>> -> memref<128xi32, #tpu.memory_space<hbm>>
      %dma_start3A_105 = arith.constant 0 : i32
      %dma_start3A_106 = tpu.memref_slice %arg9[%run_scoped3A_12, %dma_start3A_105] : memref<2x128xi32, #tpu.memory_space<vmem>> -> memref<1x128xi32, #tpu.memory_space<vmem>>
      %dma_start3A_107 = tpu.memref_squeeze %dma_start3A_106 : memref<1x128xi32, #tpu.memory_space<vmem>> -> memref<128xi32, #tpu.memory_space<vmem>>
      %dma_start3A_108 = tpu.memref_slice %arg5[%mul3A_11] : memref<323584xi32, #tpu.memory_space<hbm>> -> memref<128xi32, #tpu.memory_space<hbm>>
      tpu.enqueue_dma source(%dma_start3A_108 : memref<128xi32, #tpu.memory_space<hbm>>) target(%dma_start3A_107 : memref<128xi32, #tpu.memory_space<vmem>>) target_semaphore(%run_scoped3A_100 : memref<!tpu.dma_semaphore, #tpu.memory_space<semaphore_mem>>)
      %dma_wait3A_109 = arith.constant 0 : i32
      %dma_wait3A_110 = tpu.memref_slice %arg9[%run_scoped3A_12, %dma_wait3A_109] : memref<2x128xi32, #tpu.memory_space<vmem>> -> memref<1x128xi32, #tpu.memory_space<vmem>>
      %dma_wait3A_111 = tpu.memref_squeeze %dma_wait3A_110 : memref<1x128xi32, #tpu.memory_space<vmem>> -> memref<128xi32, #tpu.memory_space<vmem>>
      %dma_wait3A_112 = tpu.memref_slice %arg5[%mul3A_11] : memref<323584xi32, #tpu.memory_space<hbm>> -> memref<128xi32, #tpu.memory_space<hbm>>
      %dma_wait3A_113 = arith.constant 0 : i32
      %dma_wait3A_114 = tpu.memref_slice %arg9[%run_scoped3A_12, %dma_wait3A_113] : memref<2x128xi32, #tpu.memory_space<vmem>> -> memref<1x128xi32, #tpu.memory_space<vmem>>
      %dma_wait3A_115 = tpu.memref_squeeze %dma_wait3A_114 : memref<1x128xi32, #tpu.memory_space<vmem>> -> memref<128xi32, #tpu.memory_space<vmem>>
      %dma_wait3A_116 = tpu.memref_slice %arg5[%mul3A_11] : memref<323584xi32, #tpu.memory_space<hbm>> -> memref<128xi32, #tpu.memory_space<hbm>>
      tpu.wait_dma2 semaphore(%run_scoped3A_100 : memref<!tpu.dma_semaphore, #tpu.memory_space<semaphore_mem>>) src(%dma_wait3A_116 : memref<128xi32, #tpu.memory_space<hbm>>) dst(%dma_wait3A_115 : memref<128xi32, #tpu.memory_space<vmem>>)
      tpu.yield
    }) : () -> ()
    %dma_start3A = arith.constant 0 : i32
    %dma_start3A_13 = arith.constant 0 : i32
    %dma_start3A_14 = arith.constant 0 : i32
    %dma_start3A_15 = arith.constant 0 : i32
    %dma_start3A_16 = tpu.memref_slice %arg10[%dma_start3A_13, %dma_start3A_14, %dma_start3A_15] : memref<2x128x128xf32, #tpu.memory_space<vmem>> -> memref<1x128x128xf32, #tpu.memory_space<vmem>>
    %dma_start3A_17 = tpu.memref_squeeze %dma_start3A_16 : memref<1x128x128xf32, #tpu.memory_space<vmem>> -> memref<128x128xf32, #tpu.memory_space<vmem>>
    %dma_start3A_18 = arith.constant 0 : i32
    %dma_start3A_19 = tpu.memref_slice %arg8[%dma_start3A, %dma_start3A_18] : memref<2x128xi32, #tpu.memory_space<vmem>> -> memref<1x128xi32, #tpu.memory_space<vmem>>
    %dma_start3A_20 = tpu.memref_squeeze %dma_start3A_19 : memref<1x128xi32, #tpu.memory_space<vmem>> -> memref<128xi32, #tpu.memory_space<vmem>>
    %dma_start3A_21 = arith.constant 0 : i32
    %dma_start3A_22 = arith.constant 0 : i32
    %dma_start3A_23 = tpu.memref_slice %arg2[%dma_start3A_21, %dma_start3A_22] : memref<10240x128xf32, #tpu.memory_space<hbm>> -> memref<10240x128xf32, #tpu.memory_space<hbm>>
    tpu.enqueue_indirect_dma source(%dma_start3A_23 : memref<10240x128xf32, #tpu.memory_space<hbm>>) target(%dma_start3A_17 : memref<128x128xf32, #tpu.memory_space<vmem>>) offsets(%dma_start3A_20 : memref<128xi32, #tpu.memory_space<vmem>>) semaphore(%arg12 : memref<!tpu.dma_semaphore, #tpu.memory_space<semaphore_mem>>)
    %dma_start3A_24 = arith.constant 0 : i32
    %dma_start3A_25 = arith.constant 0 : i32
    %dma_start3A_26 = arith.constant 0 : i32
    %dma_start3A_27 = arith.constant 0 : i32
    %dma_start3A_28 = tpu.memref_slice %arg11[%dma_start3A_25, %dma_start3A_26, %dma_start3A_27] : memref<2x128x128xf32, #tpu.memory_space<vmem>> -> memref<1x128x128xf32, #tpu.memory_space<vmem>>
    %dma_start3A_29 = tpu.memref_squeeze %dma_start3A_28 : memref<1x128x128xf32, #tpu.memory_space<vmem>> -> memref<128x128xf32, #tpu.memory_space<vmem>>
    %dma_start3A_30 = arith.constant 0 : i32
    %dma_start3A_31 = tpu.memref_slice %arg9[%dma_start3A_24, %dma_start3A_30] : memref<2x128xi32, #tpu.memory_space<vmem>> -> memref<1x128xi32, #tpu.memory_space<vmem>>
    %dma_start3A_32 = tpu.memref_squeeze %dma_start3A_31 : memref<1x128xi32, #tpu.memory_space<vmem>> -> memref<128xi32, #tpu.memory_space<vmem>>
    %dma_start3A_33 = arith.constant 0 : i32
    %dma_start3A_34 = arith.constant 0 : i32
    %dma_start3A_35 = tpu.memref_slice %arg3[%dma_start3A_33, %dma_start3A_34] : memref<10240x128xf32, #tpu.memory_space<hbm>> -> memref<10240x128xf32, #tpu.memory_space<hbm>>
    tpu.enqueue_indirect_dma source(%dma_start3A_35 : memref<10240x128xf32, #tpu.memory_space<hbm>>) target(%dma_start3A_29 : memref<128x128xf32, #tpu.memory_space<vmem>>) offsets(%dma_start3A_32 : memref<128xi32, #tpu.memory_space<vmem>>) semaphore(%arg12 : memref<!tpu.dma_semaphore, #tpu.memory_space<semaphore_mem>>)
    %scan3A = arith.constant 0 : i32
    %scan3A_36 = arith.constant 50 : i32
    %scan3A_37 = arith.addi %scan3A, %scan3A_36 : i32
    %scan3A_38 = arith.constant 1 : i32
    scf.for %scan3A_100 = %scan3A to %scan3A_37 step %scan3A_38  : i32 {
      %mul3A_101 = arith.constant 2 : i32
      %mul3A_102 = arith.muli %scan3A_100, %mul3A_101 : i32
      %add3A_103 = arith.constant 0 : i32
      %add3A_104 = arith.addi %add3A_103, %mul3A_102 : i32
      %add3A_105 = arith.constant 0 : i32
      %add3A_106 = arith.addi %add3A_104, %add3A_105 : i32
      %lt3A = arith.cmpi slt, %add3A_106, %select_n3A_2 : i32
      %convert_element_type3A = arith.extui %lt3A : i1 to i32
      %cond3A = arith.constant 0 : i32
      %cond3A_107 = arith.cmpi ne, %convert_element_type3A, %cond3A : i32
      scf.if %cond3A_107 {
        %add3A_114 = arith.constant 0 : i32
        %add3A_115 = arith.addi %add3A_104, %add3A_114 : i32
        %dma_wait3A_116 = arith.constant 0 : i32
        %dma_wait3A_117 = arith.constant 0 : i32
        %dma_wait3A_118 = arith.constant 0 : i32
        %dma_wait3A_119 = arith.constant 0 : i32
        %dma_wait3A_120 = tpu.memref_slice %arg10[%dma_wait3A_117, %dma_wait3A_118, %dma_wait3A_119] : memref<2x128x128xf32, #tpu.memory_space<vmem>> -> memref<1x128x128xf32, #tpu.memory_space<vmem>>
        %dma_wait3A_121 = tpu.memref_squeeze %dma_wait3A_120 : memref<1x128x128xf32, #tpu.memory_space<vmem>> -> memref<128x128xf32, #tpu.memory_space<vmem>>
        %dma_wait3A_122 = arith.constant 0 : i32
        %dma_wait3A_123 = tpu.memref_slice %arg8[%dma_wait3A_116, %dma_wait3A_122] : memref<2x128xi32, #tpu.memory_space<vmem>> -> memref<1x128xi32, #tpu.memory_space<vmem>>
        %dma_wait3A_124 = tpu.memref_squeeze %dma_wait3A_123 : memref<1x128xi32, #tpu.memory_space<vmem>> -> memref<128xi32, #tpu.memory_space<vmem>>
        %dma_wait3A_125 = arith.constant 0 : i32
        %dma_wait3A_126 = arith.constant 0 : i32
        %dma_wait3A_127 = tpu.memref_slice %arg2[%dma_wait3A_125, %dma_wait3A_126] : memref<10240x128xf32, #tpu.memory_space<hbm>> -> memref<10240x128xf32, #tpu.memory_space<hbm>>
        tpu.wait_indirect_dma semaphore(%arg12 : memref<!tpu.dma_semaphore, #tpu.memory_space<semaphore_mem>>) src(%dma_wait3A_127 : memref<10240x128xf32, #tpu.memory_space<hbm>>) dst(%dma_wait3A_121 : memref<128x128xf32, #tpu.memory_space<vmem>>)
        %dma_wait3A_128 = arith.constant 0 : i32
        %dma_wait3A_129 = arith.constant 0 : i32
        %dma_wait3A_130 = arith.constant 0 : i32
        %dma_wait3A_131 = arith.constant 0 : i32
        %dma_wait3A_132 = tpu.memref_slice %arg11[%dma_wait3A_129, %dma_wait3A_130, %dma_wait3A_131] : memref<2x128x128xf32, #tpu.memory_space<vmem>> -> memref<1x128x128xf32, #tpu.memory_space<vmem>>
        %dma_wait3A_133 = tpu.memref_squeeze %dma_wait3A_132 : memref<1x128x128xf32, #tpu.memory_space<vmem>> -> memref<128x128xf32, #tpu.memory_space<vmem>>
        %dma_wait3A_134 = arith.constant 0 : i32
        %dma_wait3A_135 = tpu.memref_slice %arg9[%dma_wait3A_128, %dma_wait3A_134] : memref<2x128xi32, #tpu.memory_space<vmem>> -> memref<1x128xi32, #tpu.memory_space<vmem>>
        %dma_wait3A_136 = tpu.memref_squeeze %dma_wait3A_135 : memref<1x128xi32, #tpu.memory_space<vmem>> -> memref<128xi32, #tpu.memory_space<vmem>>
        %dma_wait3A_137 = arith.constant 0 : i32
        %dma_wait3A_138 = arith.constant 0 : i32
        %dma_wait3A_139 = tpu.memref_slice %arg3[%dma_wait3A_137, %dma_wait3A_138] : memref<10240x128xf32, #tpu.memory_space<hbm>> -> memref<10240x128xf32, #tpu.memory_space<hbm>>
        tpu.wait_indirect_dma semaphore(%arg12 : memref<!tpu.dma_semaphore, #tpu.memory_space<semaphore_mem>>) src(%dma_wait3A_139 : memref<10240x128xf32, #tpu.memory_space<hbm>>) dst(%dma_wait3A_133 : memref<128x128xf32, #tpu.memory_space<vmem>>)
        %add3A_140 = arith.constant 1 : i32
        %add3A_141 = arith.addi %add3A_115, %add3A_140 : i32
        %lt3A_142 = arith.cmpi slt, %add3A_141, %select_n3A_2 : i32
        %convert_element_type3A_143 = arith.extui %lt3A_142 : i1 to i32
        %cond3A_144 = arith.constant 0 : i32
        %cond3A_145 = arith.cmpi ne, %convert_element_type3A_143, %cond3A_144 : i32
        scf.if %cond3A_145 {
          %add3A_175 = arith.constant 1 : i32
          %add3A_176 = arith.addi %add3A_115, %add3A_175 : i32
          %mul3A_177 = arith.constant 128 : i32
          %mul3A_178 = arith.muli %add3A_176, %mul3A_177 : i32
          %add3A_179 = arith.addi %mul3A_11, %mul3A_178 : i32
          %run_scoped3A_180 = arith.constant 1 : i32
          "tpu.region"() ({
            %run_scoped3A_210 = tpu.sem_alloc : memref<!tpu.dma_semaphore, #tpu.memory_space<semaphore_mem>>
            %dma_start3A_211 = arith.constant 0 : i32
            %dma_start3A_212 = tpu.memref_slice %arg8[%run_scoped3A_180, %dma_start3A_211] : memref<2x128xi32, #tpu.memory_space<vmem>> -> memref<1x128xi32, #tpu.memory_space<vmem>>
            %dma_start3A_213 = tpu.memref_squeeze %dma_start3A_212 : memref<1x128xi32, #tpu.memory_space<vmem>> -> memref<128xi32, #tpu.memory_space<vmem>>
            %dma_start3A_214 = tpu.memref_slice %arg4[%add3A_179] : memref<323584xi32, #tpu.memory_space<hbm>> -> memref<128xi32, #tpu.memory_space<hbm>>
            %dma_start3A_215 = arith.constant 0 : i32
            %dma_start3A_216 = tpu.memref_slice %arg8[%run_scoped3A_180, %dma_start3A_215] : memref<2x128xi32, #tpu.memory_space<vmem>> -> memref<1x128xi32, #tpu.memory_space<vmem>>
            %dma_start3A_217 = tpu.memref_squeeze %dma_start3A_216 : memref<1x128xi32, #tpu.memory_space<vmem>> -> memref<128xi32, #tpu.memory_space<vmem>>
            %dma_start3A_218 = tpu.memref_slice %arg4[%add3A_179] : memref<323584xi32, #tpu.memory_space<hbm>> -> memref<128xi32, #tpu.memory_space<hbm>>
            tpu.enqueue_dma source(%dma_start3A_218 : memref<128xi32, #tpu.memory_space<hbm>>) target(%dma_start3A_217 : memref<128xi32, #tpu.memory_space<vmem>>) target_semaphore(%run_scoped3A_210 : memref<!tpu.dma_semaphore, #tpu.memory_space<semaphore_mem>>)
            %dma_wait3A_219 = arith.constant 0 : i32
            %dma_wait3A_220 = tpu.memref_slice %arg8[%run_scoped3A_180, %dma_wait3A_219] : memref<2x128xi32, #tpu.memory_space<vmem>> -> memref<1x128xi32, #tpu.memory_space<vmem>>
            %dma_wait3A_221 = tpu.memref_squeeze %dma_wait3A_220 : memref<1x128xi32, #tpu.memory_space<vmem>> -> memref<128xi32, #tpu.memory_space<vmem>>
            %dma_wait3A_222 = tpu.memref_slice %arg4[%add3A_179] : memref<323584xi32, #tpu.memory_space<hbm>> -> memref<128xi32, #tpu.memory_space<hbm>>
            %dma_wait3A_223 = arith.constant 0 : i32
            %dma_wait3A_224 = tpu.memref_slice %arg8[%run_scoped3A_180, %dma_wait3A_223] : memref<2x128xi32, #tpu.memory_space<vmem>> -> memref<1x128xi32, #tpu.memory_space<vmem>>
            %dma_wait3A_225 = tpu.memref_squeeze %dma_wait3A_224 : memref<1x128xi32, #tpu.memory_space<vmem>> -> memref<128xi32, #tpu.memory_space<vmem>>
            %dma_wait3A_226 = tpu.memref_slice %arg4[%add3A_179] : memref<323584xi32, #tpu.memory_space<hbm>> -> memref<128xi32, #tpu.memory_space<hbm>>
            tpu.wait_dma2 semaphore(%run_scoped3A_210 : memref<!tpu.dma_semaphore, #tpu.memory_space<semaphore_mem>>) src(%dma_wait3A_226 : memref<128xi32, #tpu.memory_space<hbm>>) dst(%dma_wait3A_225 : memref<128xi32, #tpu.memory_space<vmem>>)
            tpu.yield
          }) : () -> ()
          %run_scoped3A_181 = arith.constant 1 : i32
          "tpu.region"() ({
            %run_scoped3A_210 = tpu.sem_alloc : memref<!tpu.dma_semaphore, #tpu.memory_space<semaphore_mem>>
            %dma_start3A_211 = arith.constant 0 : i32
            %dma_start3A_212 = tpu.memref_slice %arg9[%run_scoped3A_181, %dma_start3A_211] : memref<2x128xi32, #tpu.memory_space<vmem>> -> memref<1x128xi32, #tpu.memory_space<vmem>>
            %dma_start3A_213 = tpu.memref_squeeze %dma_start3A_212 : memref<1x128xi32, #tpu.memory_space<vmem>> -> memref<128xi32, #tpu.memory_space<vmem>>
            %dma_start3A_214 = tpu.memref_slice %arg5[%add3A_179] : memref<323584xi32, #tpu.memory_space<hbm>> -> memref<128xi32, #tpu.memory_space<hbm>>
            %dma_start3A_215 = arith.constant 0 : i32
            %dma_start3A_216 = tpu.memref_slice %arg9[%run_scoped3A_181, %dma_start3A_215] : memref<2x128xi32, #tpu.memory_space<vmem>> -> memref<1x128xi32, #tpu.memory_space<vmem>>
            %dma_start3A_217 = tpu.memref_squeeze %dma_start3A_216 : memref<1x128xi32, #tpu.memory_space<vmem>> -> memref<128xi32, #tpu.memory_space<vmem>>
            %dma_start3A_218 = tpu.memref_slice %arg5[%add3A_179] : memref<323584xi32, #tpu.memory_space<hbm>> -> memref<128xi32, #tpu.memory_space<hbm>>
            tpu.enqueue_dma source(%dma_start3A_218 : memref<128xi32, #tpu.memory_space<hbm>>) target(%dma_start3A_217 : memref<128xi32, #tpu.memory_space<vmem>>) target_semaphore(%run_scoped3A_210 : memref<!tpu.dma_semaphore, #tpu.memory_space<semaphore_mem>>)
            %dma_wait3A_219 = arith.constant 0 : i32
            %dma_wait3A_220 = tpu.memref_slice %arg9[%run_scoped3A_181, %dma_wait3A_219] : memref<2x128xi32, #tpu.memory_space<vmem>> -> memref<1x128xi32, #tpu.memory_space<vmem>>
            %dma_wait3A_221 = tpu.memref_squeeze %dma_wait3A_220 : memref<1x128xi32, #tpu.memory_space<vmem>> -> memref<128xi32, #tpu.memory_space<vmem>>
            %dma_wait3A_222 = tpu.memref_slice %arg5[%add3A_179] : memref<323584xi32, #tpu.memory_space<hbm>> -> memref<128xi32, #tpu.memory_space<hbm>>
            %dma_wait3A_223 = arith.constant 0 : i32
            %dma_wait3A_224 = tpu.memref_slice %arg9[%run_scoped3A_181, %dma_wait3A_223] : memref<2x128xi32, #tpu.memory_space<vmem>> -> memref<1x128xi32, #tpu.memory_space<vmem>>
            %dma_wait3A_225 = tpu.memref_squeeze %dma_wait3A_224 : memref<1x128xi32, #tpu.memory_space<vmem>> -> memref<128xi32, #tpu.memory_space<vmem>>
            %dma_wait3A_226 = tpu.memref_slice %arg5[%add3A_179] : memref<323584xi32, #tpu.memory_space<hbm>> -> memref<128xi32, #tpu.memory_space<hbm>>
            tpu.wait_dma2 semaphore(%run_scoped3A_210 : memref<!tpu.dma_semaphore, #tpu.memory_space<semaphore_mem>>) src(%dma_wait3A_226 : memref<128xi32, #tpu.memory_space<hbm>>) dst(%dma_wait3A_225 : memref<128xi32, #tpu.memory_space<vmem>>)
            tpu.yield
          }) : () -> ()
          %ge3A = arith.constant 1 : i32
          %ge3A_182 = arith.cmpi sge, %add3A_115, %ge3A : i32
          %convert_element_type3A_183 = arith.extui %ge3A_182 : i1 to i32
          %cond3A_184 = arith.constant 0 : i32
          %cond3A_185 = arith.cmpi ne, %convert_element_type3A_183, %cond3A_184 : i32
          scf.if %cond3A_185 {
            %sub3A_210 = arith.constant 1 : i32
            %sub3A_211 = arith.subi %add3A_115, %sub3A_210 : i32
            %mul3A_212 = arith.constant 128 : i32
            %mul3A_213 = arith.muli %sub3A_211, %mul3A_212 : i32
            %add3A_214 = arith.addi %mul3A_11, %mul3A_213 : i32
            %dma_wait3A_215 = arith.constant 1 : i32
            %dma_wait3A_216 = arith.constant 0 : i32
            %dma_wait3A_217 = arith.constant 0 : i32
            %dma_wait3A_218 = tpu.memref_slice %arg10[%dma_wait3A_215, %dma_wait3A_216, %dma_wait3A_217] : memref<2x128x128xf32, #tpu.memory_space<vmem>> -> memref<1x128x128xf32, #tpu.memory_space<vmem>>
            %dma_wait3A_219 = tpu.memref_squeeze %dma_wait3A_218 : memref<1x128x128xf32, #tpu.memory_space<vmem>> -> memref<128x128xf32, #tpu.memory_space<vmem>>
            %dma_wait3A_220 = arith.constant 0 : i32
            %dma_wait3A_221 = tpu.memref_slice %arg6[%add3A_214, %dma_wait3A_220] : memref<323584x128xf32, #tpu.memory_space<hbm>> -> memref<128x128xf32, #tpu.memory_space<hbm>>
            %dma_wait3A_222 = arith.constant 0 : i32
            %dma_wait3A_223 = tpu.memref_slice %arg6[%add3A_214, %dma_wait3A_222] : memref<323584x128xf32, #tpu.memory_space<hbm>> -> memref<128x128xf32, #tpu.memory_space<hbm>>
            %dma_wait3A_224 = arith.constant 0 : i32
            %dma_wait3A_225 = arith.constant 0 : i32
            %dma_wait3A_226 = tpu.memref_slice %arg10[%dma_wait3A_215, %dma_wait3A_224, %dma_wait3A_225] : memref<2x128x128xf32, #tpu.memory_space<vmem>> -> memref<1x128x128xf32, #tpu.memory_space<vmem>>
            %dma_wait3A_227 = tpu.memref_squeeze %dma_wait3A_226 : memref<1x128x128xf32, #tpu.memory_space<vmem>> -> memref<128x128xf32, #tpu.memory_space<vmem>>
            tpu.wait_dma2 semaphore(%arg15 : memref<!tpu.dma_semaphore, #tpu.memory_space<semaphore_mem>>) src(%dma_wait3A_227 : memref<128x128xf32, #tpu.memory_space<vmem>>) dst(%dma_wait3A_223 : memref<128x128xf32, #tpu.memory_space<hbm>>)
            %dma_wait3A_228 = arith.constant 1 : i32
            %dma_wait3A_229 = arith.constant 0 : i32
            %dma_wait3A_230 = arith.constant 0 : i32
            %dma_wait3A_231 = tpu.memref_slice %arg11[%dma_wait3A_228, %dma_wait3A_229, %dma_wait3A_230] : memref<2x128x128xf32, #tpu.memory_space<vmem>> -> memref<1x128x128xf32, #tpu.memory_space<vmem>>
            %dma_wait3A_232 = tpu.memref_squeeze %dma_wait3A_231 : memref<1x128x128xf32, #tpu.memory_space<vmem>> -> memref<128x128xf32, #tpu.memory_space<vmem>>
            %dma_wait3A_233 = arith.constant 0 : i32
            %dma_wait3A_234 = tpu.memref_slice %arg7[%add3A_214, %dma_wait3A_233] : memref<323584x128xf32, #tpu.memory_space<hbm>> -> memref<128x128xf32, #tpu.memory_space<hbm>>
            %dma_wait3A_235 = arith.constant 0 : i32
            %dma_wait3A_236 = tpu.memref_slice %arg7[%add3A_214, %dma_wait3A_235] : memref<323584x128xf32, #tpu.memory_space<hbm>> -> memref<128x128xf32, #tpu.memory_space<hbm>>
            %dma_wait3A_237 = arith.constant 0 : i32
            %dma_wait3A_238 = arith.constant 0 : i32
            %dma_wait3A_239 = tpu.memref_slice %arg11[%dma_wait3A_228, %dma_wait3A_237, %dma_wait3A_238] : memref<2x128x128xf32, #tpu.memory_space<vmem>> -> memref<1x128x128xf32, #tpu.memory_space<vmem>>
            %dma_wait3A_240 = tpu.memref_squeeze %dma_wait3A_239 : memref<1x128x128xf32, #tpu.memory_space<vmem>> -> memref<128x128xf32, #tpu.memory_space<vmem>>
            tpu.wait_dma2 semaphore(%arg15 : memref<!tpu.dma_semaphore, #tpu.memory_space<semaphore_mem>>) src(%dma_wait3A_240 : memref<128x128xf32, #tpu.memory_space<vmem>>) dst(%dma_wait3A_236 : memref<128x128xf32, #tpu.memory_space<hbm>>)
          } else {
          }
          %dma_start3A_186 = arith.constant 1 : i32
          %dma_start3A_187 = arith.constant 1 : i32
          %dma_start3A_188 = arith.constant 0 : i32
          %dma_start3A_189 = arith.constant 0 : i32
          %dma_start3A_190 = tpu.memref_slice %arg10[%dma_start3A_187, %dma_start3A_188, %dma_start3A_189] : memref<2x128x128xf32, #tpu.memory_space<vmem>> -> memref<1x128x128xf32, #tpu.memory_space<vmem>>
          %dma_start3A_191 = tpu.memref_squeeze %dma_start3A_190 : memref<1x128x128xf32, #tpu.memory_space<vmem>> -> memref<128x128xf32, #tpu.memory_space<vmem>>
          %dma_start3A_192 = arith.constant 0 : i32
          %dma_start3A_193 = tpu.memref_slice %arg8[%dma_start3A_186, %dma_start3A_192] : memref<2x128xi32, #tpu.memory_space<vmem>> -> memref<1x128xi32, #tpu.memory_space<vmem>>
          %dma_start3A_194 = tpu.memref_squeeze %dma_start3A_193 : memref<1x128xi32, #tpu.memory_space<vmem>> -> memref<128xi32, #tpu.memory_space<vmem>>
          %dma_start3A_195 = arith.constant 0 : i32
          %dma_start3A_196 = arith.constant 0 : i32
          %dma_start3A_197 = tpu.memref_slice %arg2[%dma_start3A_195, %dma_start3A_196] : memref<10240x128xf32, #tpu.memory_space<hbm>> -> memref<10240x128xf32, #tpu.memory_space<hbm>>
          tpu.enqueue_indirect_dma source(%dma_start3A_197 : memref<10240x128xf32, #tpu.memory_space<hbm>>) target(%dma_start3A_191 : memref<128x128xf32, #tpu.memory_space<vmem>>) offsets(%dma_start3A_194 : memref<128xi32, #tpu.memory_space<vmem>>) semaphore(%arg13 : memref<!tpu.dma_semaphore, #tpu.memory_space<semaphore_mem>>)
          %dma_start3A_198 = arith.constant 1 : i32
          %dma_start3A_199 = arith.constant 1 : i32
          %dma_start3A_200 = arith.constant 0 : i32
          %dma_start3A_201 = arith.constant 0 : i32
          %dma_start3A_202 = tpu.memref_slice %arg11[%dma_start3A_199, %dma_start3A_200, %dma_start3A_201] : memref<2x128x128xf32, #tpu.memory_space<vmem>> -> memref<1x128x128xf32, #tpu.memory_space<vmem>>
          %dma_start3A_203 = tpu.memref_squeeze %dma_start3A_202 : memref<1x128x128xf32, #tpu.memory_space<vmem>> -> memref<128x128xf32, #tpu.memory_space<vmem>>
          %dma_start3A_204 = arith.constant 0 : i32
          %dma_start3A_205 = tpu.memref_slice %arg9[%dma_start3A_198, %dma_start3A_204] : memref<2x128xi32, #tpu.memory_space<vmem>> -> memref<1x128xi32, #tpu.memory_space<vmem>>
          %dma_start3A_206 = tpu.memref_squeeze %dma_start3A_205 : memref<1x128xi32, #tpu.memory_space<vmem>> -> memref<128xi32, #tpu.memory_space<vmem>>
          %dma_start3A_207 = arith.constant 0 : i32
          %dma_start3A_208 = arith.constant 0 : i32
          %dma_start3A_209 = tpu.memref_slice %arg3[%dma_start3A_207, %dma_start3A_208] : memref<10240x128xf32, #tpu.memory_space<hbm>> -> memref<10240x128xf32, #tpu.memory_space<hbm>>
          tpu.enqueue_indirect_dma source(%dma_start3A_209 : memref<10240x128xf32, #tpu.memory_space<hbm>>) target(%dma_start3A_203 : memref<128x128xf32, #tpu.memory_space<vmem>>) offsets(%dma_start3A_206 : memref<128xi32, #tpu.memory_space<vmem>>) semaphore(%arg13 : memref<!tpu.dma_semaphore, #tpu.memory_space<semaphore_mem>>)
        } else {
        }
        %mul3A_146 = arith.constant 128 : i32
        %mul3A_147 = arith.muli %add3A_115, %mul3A_146 : i32
        %add3A_148 = arith.addi %mul3A_11, %mul3A_147 : i32
        %dma_start3A_149 = arith.constant 0 : i32
        %dma_start3A_150 = arith.constant 0 : i32
        %dma_start3A_151 = arith.constant 0 : i32
        %dma_start3A_152 = tpu.memref_slice %arg10[%dma_start3A_149, %dma_start3A_150, %dma_start3A_151] : memref<2x128x128xf32, #tpu.memory_space<vmem>> -> memref<1x128x128xf32, #tpu.memory_space<vmem>>
        %dma_start3A_153 = tpu.memref_squeeze %dma_start3A_152 : memref<1x128x128xf32, #tpu.memory_space<vmem>> -> memref<128x128xf32, #tpu.memory_space<vmem>>
        %dma_start3A_154 = arith.constant 0 : i32
        %dma_start3A_155 = tpu.memref_slice %arg6[%add3A_148, %dma_start3A_154] : memref<323584x128xf32, #tpu.memory_space<hbm>> -> memref<128x128xf32, #tpu.memory_space<hbm>>
        %dma_start3A_156 = arith.constant 0 : i32
        %dma_start3A_157 = tpu.memref_slice %arg6[%add3A_148, %dma_start3A_156] : memref<323584x128xf32, #tpu.memory_space<hbm>> -> memref<128x128xf32, #tpu.memory_space<hbm>>
        %dma_start3A_158 = arith.constant 0 : i32
        %dma_start3A_159 = arith.constant 0 : i32
        %dma_start3A_160 = tpu.memref_slice %arg10[%dma_start3A_149, %dma_start3A_158, %dma_start3A_159] : memref<2x128x128xf32, #tpu.memory_space<vmem>> -> memref<1x128x128xf32, #tpu.memory_space<vmem>>
        %dma_start3A_161 = tpu.memref_squeeze %dma_start3A_160 : memref<1x128x128xf32, #tpu.memory_space<vmem>> -> memref<128x128xf32, #tpu.memory_space<vmem>>
        tpu.enqueue_dma source(%dma_start3A_161 : memref<128x128xf32, #tpu.memory_space<vmem>>) target(%dma_start3A_157 : memref<128x128xf32, #tpu.memory_space<hbm>>) target_semaphore(%arg14 : memref<!tpu.dma_semaphore, #tpu.memory_space<semaphore_mem>>)
        %dma_start3A_162 = arith.constant 0 : i32
        %dma_start3A_163 = arith.constant 0 : i32
        %dma_start3A_164 = arith.constant 0 : i32
        %dma_start3A_165 = tpu.memref_slice %arg11[%dma_start3A_162, %dma_start3A_163, %dma_start3A_164] : memref<2x128x128xf32, #tpu.memory_space<vmem>> -> memref<1x128x128xf32, #tpu.memory_space<vmem>>
        %dma_start3A_166 = tpu.memref_squeeze %dma_start3A_165 : memref<1x128x128xf32, #tpu.memory_space<vmem>> -> memref<128x128xf32, #tpu.memory_space<vmem>>
        %dma_start3A_167 = arith.constant 0 : i32
        %dma_start3A_168 = tpu.memref_slice %arg7[%add3A_148, %dma_start3A_167] : memref<323584x128xf32, #tpu.memory_space<hbm>> -> memref<128x128xf32, #tpu.memory_space<hbm>>
        %dma_start3A_169 = arith.constant 0 : i32
        %dma_start3A_170 = tpu.memref_slice %arg7[%add3A_148, %dma_start3A_169] : memref<323584x128xf32, #tpu.memory_space<hbm>> -> memref<128x128xf32, #tpu.memory_space<hbm>>
        %dma_start3A_171 = arith.constant 0 : i32
        %dma_start3A_172 = arith.constant 0 : i32
        %dma_start3A_173 = tpu.memref_slice %arg11[%dma_start3A_162, %dma_start3A_171, %dma_start3A_172] : memref<2x128x128xf32, #tpu.memory_space<vmem>> -> memref<1x128x128xf32, #tpu.memory_space<vmem>>
        %dma_start3A_174 = tpu.memref_squeeze %dma_start3A_173 : memref<1x128x128xf32, #tpu.memory_space<vmem>> -> memref<128x128xf32, #tpu.memory_space<vmem>>
        tpu.enqueue_dma source(%dma_start3A_174 : memref<128x128xf32, #tpu.memory_space<vmem>>) target(%dma_start3A_170 : memref<128x128xf32, #tpu.memory_space<hbm>>) target_semaphore(%arg14 : memref<!tpu.dma_semaphore, #tpu.memory_space<semaphore_mem>>)
      } else {
      }
      %add3A_108 = arith.constant 1 : i32
      %add3A_109 = arith.addi %add3A_104, %add3A_108 : i32
      %lt3A_110 = arith.cmpi slt, %add3A_109, %select_n3A_2 : i32
      %convert_element_type3A_111 = arith.extui %lt3A_110 : i1 to i32
      %cond3A_112 = arith.constant 0 : i32
      %cond3A_113 = arith.cmpi ne, %convert_element_type3A_111, %cond3A_112 : i32
      scf.if %cond3A_113 {
        %add3A_114 = arith.constant 1 : i32
        %add3A_115 = arith.addi %add3A_104, %add3A_114 : i32
        %dma_wait3A_116 = arith.constant 1 : i32
        %dma_wait3A_117 = arith.constant 1 : i32
        %dma_wait3A_118 = arith.constant 0 : i32
        %dma_wait3A_119 = arith.constant 0 : i32
        %dma_wait3A_120 = tpu.memref_slice %arg10[%dma_wait3A_117, %dma_wait3A_118, %dma_wait3A_119] : memref<2x128x128xf32, #tpu.memory_space<vmem>> -> memref<1x128x128xf32, #tpu.memory_space<vmem>>
        %dma_wait3A_121 = tpu.memref_squeeze %dma_wait3A_120 : memref<1x128x128xf32, #tpu.memory_space<vmem>> -> memref<128x128xf32, #tpu.memory_space<vmem>>
        %dma_wait3A_122 = arith.constant 0 : i32
        %dma_wait3A_123 = tpu.memref_slice %arg8[%dma_wait3A_116, %dma_wait3A_122] : memref<2x128xi32, #tpu.memory_space<vmem>> -> memref<1x128xi32, #tpu.memory_space<vmem>>
        %dma_wait3A_124 = tpu.memref_squeeze %dma_wait3A_123 : memref<1x128xi32, #tpu.memory_space<vmem>> -> memref<128xi32, #tpu.memory_space<vmem>>
        %dma_wait3A_125 = arith.constant 0 : i32
        %dma_wait3A_126 = arith.constant 0 : i32
        %dma_wait3A_127 = tpu.memref_slice %arg2[%dma_wait3A_125, %dma_wait3A_126] : memref<10240x128xf32, #tpu.memory_space<hbm>> -> memref<10240x128xf32, #tpu.memory_space<hbm>>
        tpu.wait_indirect_dma semaphore(%arg13 : memref<!tpu.dma_semaphore, #tpu.memory_space<semaphore_mem>>) src(%dma_wait3A_127 : memref<10240x128xf32, #tpu.memory_space<hbm>>) dst(%dma_wait3A_121 : memref<128x128xf32, #tpu.memory_space<vmem>>)
        %dma_wait3A_128 = arith.constant 1 : i32
        %dma_wait3A_129 = arith.constant 1 : i32
        %dma_wait3A_130 = arith.constant 0 : i32
        %dma_wait3A_131 = arith.constant 0 : i32
        %dma_wait3A_132 = tpu.memref_slice %arg11[%dma_wait3A_129, %dma_wait3A_130, %dma_wait3A_131] : memref<2x128x128xf32, #tpu.memory_space<vmem>> -> memref<1x128x128xf32, #tpu.memory_space<vmem>>
        %dma_wait3A_133 = tpu.memref_squeeze %dma_wait3A_132 : memref<1x128x128xf32, #tpu.memory_space<vmem>> -> memref<128x128xf32, #tpu.memory_space<vmem>>
        %dma_wait3A_134 = arith.constant 0 : i32
        %dma_wait3A_135 = tpu.memref_slice %arg9[%dma_wait3A_128, %dma_wait3A_134] : memref<2x128xi32, #tpu.memory_space<vmem>> -> memref<1x128xi32, #tpu.memory_space<vmem>>
        %dma_wait3A_136 = tpu.memref_squeeze %dma_wait3A_135 : memref<1x128xi32, #tpu.memory_space<vmem>> -> memref<128xi32, #tpu.memory_space<vmem>>
        %dma_wait3A_137 = arith.constant 0 : i32
        %dma_wait3A_138 = arith.constant 0 : i32
        %dma_wait3A_139 = tpu.memref_slice %arg3[%dma_wait3A_137, %dma_wait3A_138] : memref<10240x128xf32, #tpu.memory_space<hbm>> -> memref<10240x128xf32, #tpu.memory_space<hbm>>
        tpu.wait_indirect_dma semaphore(%arg13 : memref<!tpu.dma_semaphore, #tpu.memory_space<semaphore_mem>>) src(%dma_wait3A_139 : memref<10240x128xf32, #tpu.memory_space<hbm>>) dst(%dma_wait3A_133 : memref<128x128xf32, #tpu.memory_space<vmem>>)
        %add3A_140 = arith.constant 1 : i32
        %add3A_141 = arith.addi %add3A_115, %add3A_140 : i32
        %lt3A_142 = arith.cmpi slt, %add3A_141, %select_n3A_2 : i32
        %convert_element_type3A_143 = arith.extui %lt3A_142 : i1 to i32
        %cond3A_144 = arith.constant 0 : i32
        %cond3A_145 = arith.cmpi ne, %convert_element_type3A_143, %cond3A_144 : i32
        scf.if %cond3A_145 {
          %add3A_175 = arith.constant 1 : i32
          %add3A_176 = arith.addi %add3A_115, %add3A_175 : i32
          %mul3A_177 = arith.constant 128 : i32
          %mul3A_178 = arith.muli %add3A_176, %mul3A_177 : i32
          %add3A_179 = arith.addi %mul3A_11, %mul3A_178 : i32
          %run_scoped3A_180 = arith.constant 0 : i32
          "tpu.region"() ({
            %run_scoped3A_210 = tpu.sem_alloc : memref<!tpu.dma_semaphore, #tpu.memory_space<semaphore_mem>>
            %dma_start3A_211 = arith.constant 0 : i32
            %dma_start3A_212 = tpu.memref_slice %arg8[%run_scoped3A_180, %dma_start3A_211] : memref<2x128xi32, #tpu.memory_space<vmem>> -> memref<1x128xi32, #tpu.memory_space<vmem>>
            %dma_start3A_213 = tpu.memref_squeeze %dma_start3A_212 : memref<1x128xi32, #tpu.memory_space<vmem>> -> memref<128xi32, #tpu.memory_space<vmem>>
            %dma_start3A_214 = tpu.memref_slice %arg4[%add3A_179] : memref<323584xi32, #tpu.memory_space<hbm>> -> memref<128xi32, #tpu.memory_space<hbm>>
            %dma_start3A_215 = arith.constant 0 : i32
            %dma_start3A_216 = tpu.memref_slice %arg8[%run_scoped3A_180, %dma_start3A_215] : memref<2x128xi32, #tpu.memory_space<vmem>> -> memref<1x128xi32, #tpu.memory_space<vmem>>
            %dma_start3A_217 = tpu.memref_squeeze %dma_start3A_216 : memref<1x128xi32, #tpu.memory_space<vmem>> -> memref<128xi32, #tpu.memory_space<vmem>>
            %dma_start3A_218 = tpu.memref_slice %arg4[%add3A_179] : memref<323584xi32, #tpu.memory_space<hbm>> -> memref<128xi32, #tpu.memory_space<hbm>>
            tpu.enqueue_dma source(%dma_start3A_218 : memref<128xi32, #tpu.memory_space<hbm>>) target(%dma_start3A_217 : memref<128xi32, #tpu.memory_space<vmem>>) target_semaphore(%run_scoped3A_210 : memref<!tpu.dma_semaphore, #tpu.memory_space<semaphore_mem>>)
            %dma_wait3A_219 = arith.constant 0 : i32
            %dma_wait3A_220 = tpu.memref_slice %arg8[%run_scoped3A_180, %dma_wait3A_219] : memref<2x128xi32, #tpu.memory_space<vmem>> -> memref<1x128xi32, #tpu.memory_space<vmem>>
            %dma_wait3A_221 = tpu.memref_squeeze %dma_wait3A_220 : memref<1x128xi32, #tpu.memory_space<vmem>> -> memref<128xi32, #tpu.memory_space<vmem>>
            %dma_wait3A_222 = tpu.memref_slice %arg4[%add3A_179] : memref<323584xi32, #tpu.memory_space<hbm>> -> memref<128xi32, #tpu.memory_space<hbm>>
            %dma_wait3A_223 = arith.constant 0 : i32
            %dma_wait3A_224 = tpu.memref_slice %arg8[%run_scoped3A_180, %dma_wait3A_223] : memref<2x128xi32, #tpu.memory_space<vmem>> -> memref<1x128xi32, #tpu.memory_space<vmem>>
            %dma_wait3A_225 = tpu.memref_squeeze %dma_wait3A_224 : memref<1x128xi32, #tpu.memory_space<vmem>> -> memref<128xi32, #tpu.memory_space<vmem>>
            %dma_wait3A_226 = tpu.memref_slice %arg4[%add3A_179] : memref<323584xi32, #tpu.memory_space<hbm>> -> memref<128xi32, #tpu.memory_space<hbm>>
            tpu.wait_dma2 semaphore(%run_scoped3A_210 : memref<!tpu.dma_semaphore, #tpu.memory_space<semaphore_mem>>) src(%dma_wait3A_226 : memref<128xi32, #tpu.memory_space<hbm>>) dst(%dma_wait3A_225 : memref<128xi32, #tpu.memory_space<vmem>>)
            tpu.yield
          }) : () -> ()
          %run_scoped3A_181 = arith.constant 0 : i32
          "tpu.region"() ({
            %run_scoped3A_210 = tpu.sem_alloc : memref<!tpu.dma_semaphore, #tpu.memory_space<semaphore_mem>>
            %dma_start3A_211 = arith.constant 0 : i32
            %dma_start3A_212 = tpu.memref_slice %arg9[%run_scoped3A_181, %dma_start3A_211] : memref<2x128xi32, #tpu.memory_space<vmem>> -> memref<1x128xi32, #tpu.memory_space<vmem>>
            %dma_start3A_213 = tpu.memref_squeeze %dma_start3A_212 : memref<1x128xi32, #tpu.memory_space<vmem>> -> memref<128xi32, #tpu.memory_space<vmem>>
            %dma_start3A_214 = tpu.memref_slice %arg5[%add3A_179] : memref<323584xi32, #tpu.memory_space<hbm>> -> memref<128xi32, #tpu.memory_space<hbm>>
            %dma_start3A_215 = arith.constant 0 : i32
            %dma_start3A_216 = tpu.memref_slice %arg9[%run_scoped3A_181, %dma_start3A_215] : memref<2x128xi32, #tpu.memory_space<vmem>> -> memref<1x128xi32, #tpu.memory_space<vmem>>
            %dma_start3A_217 = tpu.memref_squeeze %dma_start3A_216 : memref<1x128xi32, #tpu.memory_space<vmem>> -> memref<128xi32, #tpu.memory_space<vmem>>
            %dma_start3A_218 = tpu.memref_slice %arg5[%add3A_179] : memref<323584xi32, #tpu.memory_space<hbm>> -> memref<128xi32, #tpu.memory_space<hbm>>
            tpu.enqueue_dma source(%dma_start3A_218 : memref<128xi32, #tpu.memory_space<hbm>>) target(%dma_start3A_217 : memref<128xi32, #tpu.memory_space<vmem>>) target_semaphore(%run_scoped3A_210 : memref<!tpu.dma_semaphore, #tpu.memory_space<semaphore_mem>>)
            %dma_wait3A_219 = arith.constant 0 : i32
            %dma_wait3A_220 = tpu.memref_slice %arg9[%run_scoped3A_181, %dma_wait3A_219] : memref<2x128xi32, #tpu.memory_space<vmem>> -> memref<1x128xi32, #tpu.memory_space<vmem>>
            %dma_wait3A_221 = tpu.memref_squeeze %dma_wait3A_220 : memref<1x128xi32, #tpu.memory_space<vmem>> -> memref<128xi32, #tpu.memory_space<vmem>>
            %dma_wait3A_222 = tpu.memref_slice %arg5[%add3A_179] : memref<323584xi32, #tpu.memory_space<hbm>> -> memref<128xi32, #tpu.memory_space<hbm>>
            %dma_wait3A_223 = arith.constant 0 : i32
            %dma_wait3A_224 = tpu.memref_slice %arg9[%run_scoped3A_181, %dma_wait3A_223] : memref<2x128xi32, #tpu.memory_space<vmem>> -> memref<1x128xi32, #tpu.memory_space<vmem>>
            %dma_wait3A_225 = tpu.memref_squeeze %dma_wait3A_224 : memref<1x128xi32, #tpu.memory_space<vmem>> -> memref<128xi32, #tpu.memory_space<vmem>>
            %dma_wait3A_226 = tpu.memref_slice %arg5[%add3A_179] : memref<323584xi32, #tpu.memory_space<hbm>> -> memref<128xi32, #tpu.memory_space<hbm>>
            tpu.wait_dma2 semaphore(%run_scoped3A_210 : memref<!tpu.dma_semaphore, #tpu.memory_space<semaphore_mem>>) src(%dma_wait3A_226 : memref<128xi32, #tpu.memory_space<hbm>>) dst(%dma_wait3A_225 : memref<128xi32, #tpu.memory_space<vmem>>)
            tpu.yield
          }) : () -> ()
          %ge3A = arith.constant 1 : i32
          %ge3A_182 = arith.cmpi sge, %add3A_115, %ge3A : i32
          %convert_element_type3A_183 = arith.extui %ge3A_182 : i1 to i32
          %cond3A_184 = arith.constant 0 : i32
          %cond3A_185 = arith.cmpi ne, %convert_element_type3A_183, %cond3A_184 : i32
          scf.if %cond3A_185 {
            %sub3A_210 = arith.constant 1 : i32
            %sub3A_211 = arith.subi %add3A_115, %sub3A_210 : i32
            %mul3A_212 = arith.constant 128 : i32
            %mul3A_213 = arith.muli %sub3A_211, %mul3A_212 : i32
            %add3A_214 = arith.addi %mul3A_11, %mul3A_213 : i32
            %dma_wait3A_215 = arith.constant 0 : i32
            %dma_wait3A_216 = arith.constant 0 : i32
            %dma_wait3A_217 = arith.constant 0 : i32
            %dma_wait3A_218 = tpu.memref_slice %arg10[%dma_wait3A_215, %dma_wait3A_216, %dma_wait3A_217] : memref<2x128x128xf32, #tpu.memory_space<vmem>> -> memref<1x128x128xf32, #tpu.memory_space<vmem>>
            %dma_wait3A_219 = tpu.memref_squeeze %dma_wait3A_218 : memref<1x128x128xf32, #tpu.memory_space<vmem>> -> memref<128x128xf32, #tpu.memory_space<vmem>>
            %dma_wait3A_220 = arith.constant 0 : i32
            %dma_wait3A_221 = tpu.memref_slice %arg6[%add3A_214, %dma_wait3A_220] : memref<323584x128xf32, #tpu.memory_space<hbm>> -> memref<128x128xf32, #tpu.memory_space<hbm>>
            %dma_wait3A_222 = arith.constant 0 : i32
            %dma_wait3A_223 = tpu.memref_slice %arg6[%add3A_214, %dma_wait3A_222] : memref<323584x128xf32, #tpu.memory_space<hbm>> -> memref<128x128xf32, #tpu.memory_space<hbm>>
            %dma_wait3A_224 = arith.constant 0 : i32
            %dma_wait3A_225 = arith.constant 0 : i32
            %dma_wait3A_226 = tpu.memref_slice %arg10[%dma_wait3A_215, %dma_wait3A_224, %dma_wait3A_225] : memref<2x128x128xf32, #tpu.memory_space<vmem>> -> memref<1x128x128xf32, #tpu.memory_space<vmem>>
            %dma_wait3A_227 = tpu.memref_squeeze %dma_wait3A_226 : memref<1x128x128xf32, #tpu.memory_space<vmem>> -> memref<128x128xf32, #tpu.memory_space<vmem>>
            tpu.wait_dma2 semaphore(%arg14 : memref<!tpu.dma_semaphore, #tpu.memory_space<semaphore_mem>>) src(%dma_wait3A_227 : memref<128x128xf32, #tpu.memory_space<vmem>>) dst(%dma_wait3A_223 : memref<128x128xf32, #tpu.memory_space<hbm>>)
            %dma_wait3A_228 = arith.constant 0 : i32
            %dma_wait3A_229 = arith.constant 0 : i32
            %dma_wait3A_230 = arith.constant 0 : i32
            %dma_wait3A_231 = tpu.memref_slice %arg11[%dma_wait3A_228, %dma_wait3A_229, %dma_wait3A_230] : memref<2x128x128xf32, #tpu.memory_space<vmem>> -> memref<1x128x128xf32, #tpu.memory_space<vmem>>
            %dma_wait3A_232 = tpu.memref_squeeze %dma_wait3A_231 : memref<1x128x128xf32, #tpu.memory_space<vmem>> -> memref<128x128xf32, #tpu.memory_space<vmem>>
            %dma_wait3A_233 = arith.constant 0 : i32
            %dma_wait3A_234 = tpu.memref_slice %arg7[%add3A_214, %dma_wait3A_233] : memref<323584x128xf32, #tpu.memory_space<hbm>> -> memref<128x128xf32, #tpu.memory_space<hbm>>
            %dma_wait3A_235 = arith.constant 0 : i32
            %dma_wait3A_236 = tpu.memref_slice %arg7[%add3A_214, %dma_wait3A_235] : memref<323584x128xf32, #tpu.memory_space<hbm>> -> memref<128x128xf32, #tpu.memory_space<hbm>>
            %dma_wait3A_237 = arith.constant 0 : i32
            %dma_wait3A_238 = arith.constant 0 : i32
            %dma_wait3A_239 = tpu.memref_slice %arg11[%dma_wait3A_228, %dma_wait3A_237, %dma_wait3A_238] : memref<2x128x128xf32, #tpu.memory_space<vmem>> -> memref<1x128x128xf32, #tpu.memory_space<vmem>>
            %dma_wait3A_240 = tpu.memref_squeeze %dma_wait3A_239 : memref<1x128x128xf32, #tpu.memory_space<vmem>> -> memref<128x128xf32, #tpu.memory_space<vmem>>
            tpu.wait_dma2 semaphore(%arg14 : memref<!tpu.dma_semaphore, #tpu.memory_space<semaphore_mem>>) src(%dma_wait3A_240 : memref<128x128xf32, #tpu.memory_space<vmem>>) dst(%dma_wait3A_236 : memref<128x128xf32, #tpu.memory_space<hbm>>)
          } else {
          }
          %dma_start3A_186 = arith.constant 0 : i32
          %dma_start3A_187 = arith.constant 0 : i32
          %dma_start3A_188 = arith.constant 0 : i32
          %dma_start3A_189 = arith.constant 0 : i32
          %dma_start3A_190 = tpu.memref_slice %arg10[%dma_start3A_187, %dma_start3A_188, %dma_start3A_189] : memref<2x128x128xf32, #tpu.memory_space<vmem>> -> memref<1x128x128xf32, #tpu.memory_space<vmem>>
          %dma_start3A_191 = tpu.memref_squeeze %dma_start3A_190 : memref<1x128x128xf32, #tpu.memory_space<vmem>> -> memref<128x128xf32, #tpu.memory_space<vmem>>
          %dma_start3A_192 = arith.constant 0 : i32
          %dma_start3A_193 = tpu.memref_slice %arg8[%dma_start3A_186, %dma_start3A_192] : memref<2x128xi32, #tpu.memory_space<vmem>> -> memref<1x128xi32, #tpu.memory_space<vmem>>
          %dma_start3A_194 = tpu.memref_squeeze %dma_start3A_193 : memref<1x128xi32, #tpu.memory_space<vmem>> -> memref<128xi32, #tpu.memory_space<vmem>>
          %dma_start3A_195 = arith.constant 0 : i32
          %dma_start3A_196 = arith.constant 0 : i32
          %dma_start3A_197 = tpu.memref_slice %arg2[%dma_start3A_195, %dma_start3A_196] : memref<10240x128xf32, #tpu.memory_space<hbm>> -> memref<10240x128xf32, #tpu.memory_space<hbm>>
          tpu.enqueue_indirect_dma source(%dma_start3A_197 : memref<10240x128xf32, #tpu.memory_space<hbm>>) target(%dma_start3A_191 : memref<128x128xf32, #tpu.memory_space<vmem>>) offsets(%dma_start3A_194 : memref<128xi32, #tpu.memory_space<vmem>>) semaphore(%arg12 : memref<!tpu.dma_semaphore, #tpu.memory_space<semaphore_mem>>)
          %dma_start3A_198 = arith.constant 0 : i32
          %dma_start3A_199 = arith.constant 0 : i32
          %dma_start3A_200 = arith.constant 0 : i32
          %dma_start3A_201 = arith.constant 0 : i32
          %dma_start3A_202 = tpu.memref_slice %arg11[%dma_start3A_199, %dma_start3A_200, %dma_start3A_201] : memref<2x128x128xf32, #tpu.memory_space<vmem>> -> memref<1x128x128xf32, #tpu.memory_space<vmem>>
          %dma_start3A_203 = tpu.memref_squeeze %dma_start3A_202 : memref<1x128x128xf32, #tpu.memory_space<vmem>> -> memref<128x128xf32, #tpu.memory_space<vmem>>
          %dma_start3A_204 = arith.constant 0 : i32
          %dma_start3A_205 = tpu.memref_slice %arg9[%dma_start3A_198, %dma_start3A_204] : memref<2x128xi32, #tpu.memory_space<vmem>> -> memref<1x128xi32, #tpu.memory_space<vmem>>
          %dma_start3A_206 = tpu.memref_squeeze %dma_start3A_205 : memref<1x128xi32, #tpu.memory_space<vmem>> -> memref<128xi32, #tpu.memory_space<vmem>>
          %dma_start3A_207 = arith.constant 0 : i32
          %dma_start3A_208 = arith.constant 0 : i32
          %dma_start3A_209 = tpu.memref_slice %arg3[%dma_start3A_207, %dma_start3A_208] : memref<10240x128xf32, #tpu.memory_space<hbm>> -> memref<10240x128xf32, #tpu.memory_space<hbm>>
          tpu.enqueue_indirect_dma source(%dma_start3A_209 : memref<10240x128xf32, #tpu.memory_space<hbm>>) target(%dma_start3A_203 : memref<128x128xf32, #tpu.memory_space<vmem>>) offsets(%dma_start3A_206 : memref<128xi32, #tpu.memory_space<vmem>>) semaphore(%arg12 : memref<!tpu.dma_semaphore, #tpu.memory_space<semaphore_mem>>)
        } else {
        }
        %mul3A_146 = arith.constant 128 : i32
        %mul3A_147 = arith.muli %add3A_115, %mul3A_146 : i32
        %add3A_148 = arith.addi %mul3A_11, %mul3A_147 : i32
        %dma_start3A_149 = arith.constant 1 : i32
        %dma_start3A_150 = arith.constant 0 : i32
        %dma_start3A_151 = arith.constant 0 : i32
        %dma_start3A_152 = tpu.memref_slice %arg10[%dma_start3A_149, %dma_start3A_150, %dma_start3A_151] : memref<2x128x128xf32, #tpu.memory_space<vmem>> -> memref<1x128x128xf32, #tpu.memory_space<vmem>>
        %dma_start3A_153 = tpu.memref_squeeze %dma_start3A_152 : memref<1x128x128xf32, #tpu.memory_space<vmem>> -> memref<128x128xf32, #tpu.memory_space<vmem>>
        %dma_start3A_154 = arith.constant 0 : i32
        %dma_start3A_155 = tpu.memref_slice %arg6[%add3A_148, %dma_start3A_154] : memref<323584x128xf32, #tpu.memory_space<hbm>> -> memref<128x128xf32, #tpu.memory_space<hbm>>
        %dma_start3A_156 = arith.constant 0 : i32
        %dma_start3A_157 = tpu.memref_slice %arg6[%add3A_148, %dma_start3A_156] : memref<323584x128xf32, #tpu.memory_space<hbm>> -> memref<128x128xf32, #tpu.memory_space<hbm>>
        %dma_start3A_158 = arith.constant 0 : i32
        %dma_start3A_159 = arith.constant 0 : i32
        %dma_start3A_160 = tpu.memref_slice %arg10[%dma_start3A_149, %dma_start3A_158, %dma_start3A_159] : memref<2x128x128xf32, #tpu.memory_space<vmem>> -> memref<1x128x128xf32, #tpu.memory_space<vmem>>
        %dma_start3A_161 = tpu.memref_squeeze %dma_start3A_160 : memref<1x128x128xf32, #tpu.memory_space<vmem>> -> memref<128x128xf32, #tpu.memory_space<vmem>>
        tpu.enqueue_dma source(%dma_start3A_161 : memref<128x128xf32, #tpu.memory_space<vmem>>) target(%dma_start3A_157 : memref<128x128xf32, #tpu.memory_space<hbm>>) target_semaphore(%arg15 : memref<!tpu.dma_semaphore, #tpu.memory_space<semaphore_mem>>)
        %dma_start3A_162 = arith.constant 1 : i32
        %dma_start3A_163 = arith.constant 0 : i32
        %dma_start3A_164 = arith.constant 0 : i32
        %dma_start3A_165 = tpu.memref_slice %arg11[%dma_start3A_162, %dma_start3A_163, %dma_start3A_164] : memref<2x128x128xf32, #tpu.memory_space<vmem>> -> memref<1x128x128xf32, #tpu.memory_space<vmem>>
        %dma_start3A_166 = tpu.memref_squeeze %dma_start3A_165 : memref<1x128x128xf32, #tpu.memory_space<vmem>> -> memref<128x128xf32, #tpu.memory_space<vmem>>
        %dma_start3A_167 = arith.constant 0 : i32
        %dma_start3A_168 = tpu.memref_slice %arg7[%add3A_148, %dma_start3A_167] : memref<323584x128xf32, #tpu.memory_space<hbm>> -> memref<128x128xf32, #tpu.memory_space<hbm>>
        %dma_start3A_169 = arith.constant 0 : i32
        %dma_start3A_170 = tpu.memref_slice %arg7[%add3A_148, %dma_start3A_169] : memref<323584x128xf32, #tpu.memory_space<hbm>> -> memref<128x128xf32, #tpu.memory_space<hbm>>
        %dma_start3A_171 = arith.constant 0 : i32
        %dma_start3A_172 = arith.constant 0 : i32
        %dma_start3A_173 = tpu.memref_slice %arg11[%dma_start3A_162, %dma_start3A_171, %dma_start3A_172] : memref<2x128x128xf32, #tpu.memory_space<vmem>> -> memref<1x128x128xf32, #tpu.memory_space<vmem>>
        %dma_start3A_174 = tpu.memref_squeeze %dma_start3A_173 : memref<1x128x128xf32, #tpu.memory_space<vmem>> -> memref<128x128xf32, #tpu.memory_space<vmem>>
        tpu.enqueue_dma source(%dma_start3A_174 : memref<128x128xf32, #tpu.memory_space<vmem>>) target(%dma_start3A_170 : memref<128x128xf32, #tpu.memory_space<hbm>>) target_semaphore(%arg15 : memref<!tpu.dma_semaphore, #tpu.memory_space<semaphore_mem>>)
      } else {
      }
    }
    %scan3A_39 = arith.constant 50 : i32
    %sub3A = arith.constant 1 : i32
    %sub3A_40 = arith.subi %select_n3A_2, %sub3A : i32
    %mul3A_41 = arith.constant 128 : i32
    %mul3A_42 = arith.muli %sub3A_40, %mul3A_41 : i32
    %add3A_43 = arith.addi %mul3A_11, %mul3A_42 : i32
    %sub3A_44 = arith.constant 2 : i32
    %sub3A_45 = arith.subi %select_n3A_2, %sub3A_44 : i32
    %mul3A_46 = arith.constant 128 : i32
    %mul3A_47 = arith.muli %sub3A_45, %mul3A_46 : i32
    %add3A_48 = arith.addi %mul3A_11, %mul3A_47 : i32
    %dma_wait3A = arith.constant 0 : i32
    %dma_wait3A_49 = arith.constant 0 : i32
    %dma_wait3A_50 = arith.constant 0 : i32
    %dma_wait3A_51 = tpu.memref_slice %arg10[%dma_wait3A, %dma_wait3A_49, %dma_wait3A_50] : memref<2x128x128xf32, #tpu.memory_space<vmem>> -> memref<1x128x128xf32, #tpu.memory_space<vmem>>
    %dma_wait3A_52 = tpu.memref_squeeze %dma_wait3A_51 : memref<1x128x128xf32, #tpu.memory_space<vmem>> -> memref<128x128xf32, #tpu.memory_space<vmem>>
    %dma_wait3A_53 = arith.constant 0 : i32
    %dma_wait3A_54 = tpu.memref_slice %arg6[%add3A_48, %dma_wait3A_53] : memref<323584x128xf32, #tpu.memory_space<hbm>> -> memref<128x128xf32, #tpu.memory_space<hbm>>
    %dma_wait3A_55 = arith.constant 0 : i32
    %dma_wait3A_56 = tpu.memref_slice %arg6[%add3A_48, %dma_wait3A_55] : memref<323584x128xf32, #tpu.memory_space<hbm>> -> memref<128x128xf32, #tpu.memory_space<hbm>>
    %dma_wait3A_57 = arith.constant 0 : i32
    %dma_wait3A_58 = arith.constant 0 : i32
    %dma_wait3A_59 = tpu.memref_slice %arg10[%dma_wait3A, %dma_wait3A_57, %dma_wait3A_58] : memref<2x128x128xf32, #tpu.memory_space<vmem>> -> memref<1x128x128xf32, #tpu.memory_space<vmem>>
    %dma_wait3A_60 = tpu.memref_squeeze %dma_wait3A_59 : memref<1x128x128xf32, #tpu.memory_space<vmem>> -> memref<128x128xf32, #tpu.memory_space<vmem>>
    tpu.wait_dma2 semaphore(%arg14 : memref<!tpu.dma_semaphore, #tpu.memory_space<semaphore_mem>>) src(%dma_wait3A_60 : memref<128x128xf32, #tpu.memory_space<vmem>>) dst(%dma_wait3A_56 : memref<128x128xf32, #tpu.memory_space<hbm>>)
    %dma_wait3A_61 = arith.constant 0 : i32
    %dma_wait3A_62 = arith.constant 0 : i32
    %dma_wait3A_63 = arith.constant 0 : i32
    %dma_wait3A_64 = tpu.memref_slice %arg11[%dma_wait3A_61, %dma_wait3A_62, %dma_wait3A_63] : memref<2x128x128xf32, #tpu.memory_space<vmem>> -> memref<1x128x128xf32, #tpu.memory_space<vmem>>
    %dma_wait3A_65 = tpu.memref_squeeze %dma_wait3A_64 : memref<1x128x128xf32, #tpu.memory_space<vmem>> -> memref<128x128xf32, #tpu.memory_space<vmem>>
    %dma_wait3A_66 = arith.constant 0 : i32
    %dma_wait3A_67 = tpu.memref_slice %arg7[%add3A_48, %dma_wait3A_66] : memref<323584x128xf32, #tpu.memory_space<hbm>> -> memref<128x128xf32, #tpu.memory_space<hbm>>
    %dma_wait3A_68 = arith.constant 0 : i32
    %dma_wait3A_69 = tpu.memref_slice %arg7[%add3A_48, %dma_wait3A_68] : memref<323584x128xf32, #tpu.memory_space<hbm>> -> memref<128x128xf32, #tpu.memory_space<hbm>>
    %dma_wait3A_70 = arith.constant 0 : i32
    %dma_wait3A_71 = arith.constant 0 : i32
    %dma_wait3A_72 = tpu.memref_slice %arg11[%dma_wait3A_61, %dma_wait3A_70, %dma_wait3A_71] : memref<2x128x128xf32, #tpu.memory_space<vmem>> -> memref<1x128x128xf32, #tpu.memory_space<vmem>>
    %dma_wait3A_73 = tpu.memref_squeeze %dma_wait3A_72 : memref<1x128x128xf32, #tpu.memory_space<vmem>> -> memref<128x128xf32, #tpu.memory_space<vmem>>
    tpu.wait_dma2 semaphore(%arg14 : memref<!tpu.dma_semaphore, #tpu.memory_space<semaphore_mem>>) src(%dma_wait3A_73 : memref<128x128xf32, #tpu.memory_space<vmem>>) dst(%dma_wait3A_69 : memref<128x128xf32, #tpu.memory_space<hbm>>)
    %dma_wait3A_74 = arith.constant 1 : i32
    %dma_wait3A_75 = arith.constant 0 : i32
    %dma_wait3A_76 = arith.constant 0 : i32
    %dma_wait3A_77 = tpu.memref_slice %arg10[%dma_wait3A_74, %dma_wait3A_75, %dma_wait3A_76] : memref<2x128x128xf32, #tpu.memory_space<vmem>> -> memref<1x128x128xf32, #tpu.memory_space<vmem>>
    %dma_wait3A_78 = tpu.memref_squeeze %dma_wait3A_77 : memref<1x128x128xf32, #tpu.memory_space<vmem>> -> memref<128x128xf32, #tpu.memory_space<vmem>>
    %dma_wait3A_79 = arith.constant 0 : i32
    %dma_wait3A_80 = tpu.memref_slice %arg6[%add3A_43, %dma_wait3A_79] : memref<323584x128xf32, #tpu.memory_space<hbm>> -> memref<128x128xf32, #tpu.memory_space<hbm>>
    %dma_wait3A_81 = arith.constant 0 : i32
    %dma_wait3A_82 = tpu.memref_slice %arg6[%add3A_43, %dma_wait3A_81] : memref<323584x128xf32, #tpu.memory_space<hbm>> -> memref<128x128xf32, #tpu.memory_space<hbm>>
    %dma_wait3A_83 = arith.constant 0 : i32
    %dma_wait3A_84 = arith.constant 0 : i32
    %dma_wait3A_85 = tpu.memref_slice %arg10[%dma_wait3A_74, %dma_wait3A_83, %dma_wait3A_84] : memref<2x128x128xf32, #tpu.memory_space<vmem>> -> memref<1x128x128xf32, #tpu.memory_space<vmem>>
    %dma_wait3A_86 = tpu.memref_squeeze %dma_wait3A_85 : memref<1x128x128xf32, #tpu.memory_space<vmem>> -> memref<128x128xf32, #tpu.memory_space<vmem>>
    tpu.wait_dma2 semaphore(%arg15 : memref<!tpu.dma_semaphore, #tpu.memory_space<semaphore_mem>>) src(%dma_wait3A_86 : memref<128x128xf32, #tpu.memory_space<vmem>>) dst(%dma_wait3A_82 : memref<128x128xf32, #tpu.memory_space<hbm>>)
    %dma_wait3A_87 = arith.constant 1 : i32
    %dma_wait3A_88 = arith.constant 0 : i32
    %dma_wait3A_89 = arith.constant 0 : i32
    %dma_wait3A_90 = tpu.memref_slice %arg11[%dma_wait3A_87, %dma_wait3A_88, %dma_wait3A_89] : memref<2x128x128xf32, #tpu.memory_space<vmem>> -> memref<1x128x128xf32, #tpu.memory_space<vmem>>
    %dma_wait3A_91 = tpu.memref_squeeze %dma_wait3A_90 : memref<1x128x128xf32, #tpu.memory_space<vmem>> -> memref<128x128xf32, #tpu.memory_space<vmem>>
    %dma_wait3A_92 = arith.constant 0 : i32
    %dma_wait3A_93 = tpu.memref_slice %arg7[%add3A_43, %dma_wait3A_92] : memref<323584x128xf32, #tpu.memory_space<hbm>> -> memref<128x128xf32, #tpu.memory_space<hbm>>
    %dma_wait3A_94 = arith.constant 0 : i32
    %dma_wait3A_95 = tpu.memref_slice %arg7[%add3A_43, %dma_wait3A_94] : memref<323584x128xf32, #tpu.memory_space<hbm>> -> memref<128x128xf32, #tpu.memory_space<hbm>>
    %dma_wait3A_96 = arith.constant 0 : i32
    %dma_wait3A_97 = arith.constant 0 : i32
    %dma_wait3A_98 = tpu.memref_slice %arg11[%dma_wait3A_87, %dma_wait3A_96, %dma_wait3A_97] : memref<2x128x128xf32, #tpu.memory_space<vmem>> -> memref<1x128x128xf32, #tpu.memory_space<vmem>>
    %dma_wait3A_99 = tpu.memref_squeeze %dma_wait3A_98 : memref<1x128x128xf32, #tpu.memory_space<vmem>> -> memref<128x128xf32, #tpu.memory_space<vmem>>
    tpu.wait_dma2 semaphore(%arg15 : memref<!tpu.dma_semaphore, #tpu.memory_space<semaphore_mem>>) src(%dma_wait3A_99 : memref<128x128xf32, #tpu.memory_space<vmem>>) dst(%dma_wait3A_95 : memref<128x128xf32, #tpu.memory_space<hbm>>)
    return
  }
}

#map = affine_map<(d0, d1) -> (0)>
#map1 = affine_map<(d0, d1) -> (0, 0)>
module attributes {stable_mosaic.version = 14 : i64} {
  func.func @k(%arg0: i32, %arg1: i32, %arg2: memref<323584xi32, #tpu.memory_space<hbm>>, %arg3: memref<128xf32, #tpu.memory_space<hbm>>, %arg4: memref<640xf32, #tpu.memory_space<hbm>>, %arg5: memref<2x10240xf32, #tpu.memory_space<hbm>>, %arg6: memref<128xi32, #tpu.memory_space<vmem>>, %arg7: memref<128xf32, #tpu.memory_space<vmem>>, %arg8: memref<10240xf32, #tpu.memory_space<vmem_shared>>, %arg9: memref<!tpu.dma_semaphore, #tpu.memory_space<semaphore_mem>>) attributes {dimension_semantics = [#tpu.dimension_semantics<core_parallel>, #tpu.dimension_semantics<subcore_parallel>], iteration_bounds = array<i64: 2, 16>, scalar_prefetch = 0 : i64, scratch_operands = 4 : i64, tpu.core_type = #tpu.core_type<sc_vector_subcore>, window_params = [{transform_indices = #map}, {transform_indices = #map}, {transform_indices = #map}, {transform_indices = #map1}]} {
    %eq3A = arith.constant 0 : i32
    %eq3A_0 = arith.cmpi eq, %arg0, %eq3A : i32
    %select_n3A = arith.constant 58 : i32
    %select_n3A_1 = arith.constant 100 : i32
    %select_n3A_2 = arith.select %eq3A_0, %select_n3A_1, %select_n3A : i32
    %eq3A_3 = arith.constant 0 : i32
    %eq3A_4 = arith.cmpi eq, %arg0, %eq3A_3 : i32
    %mul3A = arith.constant 100 : i32
    %mul3A_5 = arith.muli %arg1, %mul3A : i32
    %mul3A_6 = arith.constant 58 : i32
    %mul3A_7 = arith.muli %arg1, %mul3A_6 : i32
    %add3A = arith.constant 1600 : i32
    %add3A_8 = arith.addi %add3A, %mul3A_7 : i32
    %select_n3A_9 = arith.select %eq3A_4, %mul3A_5, %add3A_8 : i32
    %mul3A_10 = arith.constant 128 : i32
    %mul3A_11 = arith.muli %select_n3A_9, %mul3A_10 : i32
    %mul3A_12 = arith.constant 640 : i32
    %mul3A_13 = arith.muli %arg1, %mul3A_12 : i32
    "tpu.region"() ({
      %run_scoped3A = tpu.sem_alloc : memref<!tpu.dma_semaphore, #tpu.memory_space<semaphore_mem>>
      %dma_start3A = tpu.memref_slice %arg8[%mul3A_13] : memref<10240xf32, #tpu.memory_space<vmem_shared>> -> memref<640xf32, #tpu.memory_space<vmem_shared>>
      tpu.enqueue_dma source(%arg4 : memref<640xf32, #tpu.memory_space<hbm>>) target(%dma_start3A : memref<640xf32, #tpu.memory_space<vmem_shared>>) target_semaphore(%run_scoped3A : memref<!tpu.dma_semaphore, #tpu.memory_space<semaphore_mem>>)
      %dma_wait3A = tpu.memref_slice %arg8[%mul3A_13] : memref<10240xf32, #tpu.memory_space<vmem_shared>> -> memref<640xf32, #tpu.memory_space<vmem_shared>>
      tpu.wait_dma2 semaphore(%run_scoped3A : memref<!tpu.dma_semaphore, #tpu.memory_space<semaphore_mem>>) src(%arg4 : memref<640xf32, #tpu.memory_space<hbm>>) dst(%dma_wait3A : memref<640xf32, #tpu.memory_space<vmem_shared>>)
      tpu.yield
    }) : () -> ()
    "tpu.region"() ({
      %run_scoped3A = tpu.sem_alloc : memref<!tpu.dma_semaphore, #tpu.memory_space<semaphore_mem>>
      tpu.enqueue_dma source(%arg3 : memref<128xf32, #tpu.memory_space<hbm>>) target(%arg7 : memref<128xf32, #tpu.memory_space<vmem>>) target_semaphore(%run_scoped3A : memref<!tpu.dma_semaphore, #tpu.memory_space<semaphore_mem>>)
      tpu.wait_dma2 semaphore(%run_scoped3A : memref<!tpu.dma_semaphore, #tpu.memory_space<semaphore_mem>>) src(%arg3 : memref<128xf32, #tpu.memory_space<hbm>>) dst(%arg7 : memref<128xf32, #tpu.memory_space<vmem>>)
      tpu.yield
    }) : () -> ()
    %barrier3A = arith.constant 0 : index
    tpu.barrier barrier_id(%barrier3A)
    %scan3A = arith.constant 0 : i32
    %scan3A_14 = arith.constant 100 : i32
    %scan3A_15 = arith.addi %scan3A, %scan3A_14 : i32
    %scan3A_16 = arith.constant 1 : i32
    scf.for %scan3A_23 = %scan3A to %scan3A_15 step %scan3A_16  : i32 {
      %mul3A_24 = arith.constant 1 : i32
      %mul3A_25 = arith.muli %scan3A_23, %mul3A_24 : i32
      %add3A_26 = arith.constant 0 : i32
      %add3A_27 = arith.addi %add3A_26, %mul3A_25 : i32
      %lt3A = arith.cmpi slt, %add3A_27, %select_n3A_2 : i32
      %convert_element_type3A = arith.extui %lt3A : i1 to i32
      %cond3A = arith.constant 0 : i32
      %cond3A_28 = arith.cmpi ne, %convert_element_type3A, %cond3A : i32
      scf.if %cond3A_28 {
        %mul3A_29 = arith.constant 128 : i32
        %mul3A_30 = arith.muli %add3A_27, %mul3A_29 : i32
        %add3A_31 = arith.addi %mul3A_11, %mul3A_30 : i32
        "tpu.region"() ({
          %run_scoped3A = tpu.sem_alloc : memref<!tpu.dma_semaphore, #tpu.memory_space<semaphore_mem>>
          %dma_start3A = tpu.memref_slice %arg2[%add3A_31] : memref<323584xi32, #tpu.memory_space<hbm>> -> memref<128xi32, #tpu.memory_space<hbm>>
          %dma_start3A_32 = tpu.memref_slice %arg2[%add3A_31] : memref<323584xi32, #tpu.memory_space<hbm>> -> memref<128xi32, #tpu.memory_space<hbm>>
          tpu.enqueue_dma source(%dma_start3A_32 : memref<128xi32, #tpu.memory_space<hbm>>) target(%arg6 : memref<128xi32, #tpu.memory_space<vmem>>) target_semaphore(%run_scoped3A : memref<!tpu.dma_semaphore, #tpu.memory_space<semaphore_mem>>)
          %dma_wait3A = tpu.memref_slice %arg2[%add3A_31] : memref<323584xi32, #tpu.memory_space<hbm>> -> memref<128xi32, #tpu.memory_space<hbm>>
          %dma_wait3A_33 = tpu.memref_slice %arg2[%add3A_31] : memref<323584xi32, #tpu.memory_space<hbm>> -> memref<128xi32, #tpu.memory_space<hbm>>
          tpu.wait_dma2 semaphore(%run_scoped3A : memref<!tpu.dma_semaphore, #tpu.memory_space<semaphore_mem>>) src(%dma_wait3A_33 : memref<128xi32, #tpu.memory_space<hbm>>) dst(%arg6 : memref<128xi32, #tpu.memory_space<vmem>>)
          tpu.yield
        }) : () -> ()
        "tpu.region"() ({
          %run_scoped3A = tpu.sem_alloc : memref<!tpu.dma_semaphore, #tpu.memory_space<semaphore_mem>>
          %dma_start3A = arith.constant 0 : i32
          %dma_start3A_32 = tpu.memref_slice %arg8[%dma_start3A] : memref<10240xf32, #tpu.memory_space<vmem_shared>> -> memref<10240xf32, #tpu.memory_space<vmem_shared>>
          tpu.enqueue_indirect_dma source(%arg7 : memref<128xf32, #tpu.memory_space<vmem>>) target(%dma_start3A_32 : memref<10240xf32, #tpu.memory_space<vmem_shared>>) offsets(%arg6 : memref<128xi32, #tpu.memory_space<vmem>>) semaphore(%run_scoped3A : memref<!tpu.dma_semaphore, #tpu.memory_space<semaphore_mem>>) {add = true}
          %dma_wait3A = arith.constant 0 : i32
          %dma_wait3A_33 = tpu.memref_slice %arg8[%dma_wait3A] : memref<10240xf32, #tpu.memory_space<vmem_shared>> -> memref<10240xf32, #tpu.memory_space<vmem_shared>>
          tpu.wait_indirect_dma semaphore(%run_scoped3A : memref<!tpu.dma_semaphore, #tpu.memory_space<semaphore_mem>>) src(%arg7 : memref<128xf32, #tpu.memory_space<vmem>>) dst(%dma_wait3A_33 : memref<10240xf32, #tpu.memory_space<vmem_shared>>)
          tpu.yield
        }) : () -> ()
      } else {
      }
    }
    %scan3A_17 = arith.constant 100 : i32
    %barrier3A_18 = arith.constant 0 : index
    tpu.barrier barrier_id(%barrier3A_18)
    %mul3A_19 = arith.constant 640 : i32
    %mul3A_20 = arith.muli %arg1, %mul3A_19 : i32
    %mul3A_21 = arith.constant 640 : i32
    %mul3A_22 = arith.muli %arg1, %mul3A_21 : i32
    "tpu.region"() ({
      %run_scoped3A = tpu.sem_alloc : memref<!tpu.dma_semaphore, #tpu.memory_space<semaphore_mem>>
      %dma_start3A = tpu.memref_slice %arg5[%arg0, %mul3A_22] : memref<2x10240xf32, #tpu.memory_space<hbm>> -> memref<1x640xf32, #tpu.memory_space<hbm>>
      %dma_start3A_23 = tpu.memref_squeeze %dma_start3A : memref<1x640xf32, #tpu.memory_space<hbm>> -> memref<640xf32, #tpu.memory_space<hbm>>
      %dma_start3A_24 = tpu.memref_slice %arg8[%mul3A_20] : memref<10240xf32, #tpu.memory_space<vmem_shared>> -> memref<640xf32, #tpu.memory_space<vmem_shared>>
      tpu.enqueue_dma source(%dma_start3A_24 : memref<640xf32, #tpu.memory_space<vmem_shared>>) target(%dma_start3A_23 : memref<640xf32, #tpu.memory_space<hbm>>) target_semaphore(%run_scoped3A : memref<!tpu.dma_semaphore, #tpu.memory_space<semaphore_mem>>)
      %dma_wait3A = tpu.memref_slice %arg5[%arg0, %mul3A_22] : memref<2x10240xf32, #tpu.memory_space<hbm>> -> memref<1x640xf32, #tpu.memory_space<hbm>>
      %dma_wait3A_25 = tpu.memref_squeeze %dma_wait3A : memref<1x640xf32, #tpu.memory_space<hbm>> -> memref<640xf32, #tpu.memory_space<hbm>>
      %dma_wait3A_26 = tpu.memref_slice %arg8[%mul3A_20] : memref<10240xf32, #tpu.memory_space<vmem_shared>> -> memref<640xf32, #tpu.memory_space<vmem_shared>>
      tpu.wait_dma2 semaphore(%run_scoped3A : memref<!tpu.dma_semaphore, #tpu.memory_space<semaphore_mem>>) src(%dma_wait3A_26 : memref<640xf32, #tpu.memory_space<vmem_shared>>) dst(%dma_wait3A_25 : memref<640xf32, #tpu.memory_space<hbm>>)
      tpu.yield
    }) : () -> ()
    return
  }
}

#map = affine_map<(d0, d1) -> (0, 0)>
#map1 = affine_map<(d0, d1) -> (0)>
#map2 = affine_map<(d0, d1) -> (0, 0, 0)>
module attributes {stable_mosaic.version = 14 : i64} {
  func.func @k(%arg0: i32, %arg1: i32, %arg2: memref<10240x128xf32, #tpu.memory_space<hbm>>, %arg3: memref<323584xi32, #tpu.memory_space<hbm>>, %arg4: memref<323584xi32, #tpu.memory_space<hbm>>, %arg5: memref<640x128xf32, #tpu.memory_space<hbm>>, %arg6: memref<2x10240x128xf32, #tpu.memory_space<hbm>>, %arg7: memref<2x128xi32, #tpu.memory_space<vmem>>, %arg8: memref<2x128xi32, #tpu.memory_space<vmem>>, %arg9: memref<2x128x128xf32, #tpu.memory_space<vmem>>, %arg10: memref<10240x128xf32, #tpu.memory_space<vmem_shared>>, %arg11: memref<!tpu.dma_semaphore, #tpu.memory_space<semaphore_mem>>, %arg12: memref<!tpu.dma_semaphore, #tpu.memory_space<semaphore_mem>>) attributes {dimension_semantics = [#tpu.dimension_semantics<core_parallel>, #tpu.dimension_semantics<subcore_parallel>], iteration_bounds = array<i64: 2, 16>, scalar_prefetch = 0 : i64, scratch_operands = 6 : i64, tpu.core_type = #tpu.core_type<sc_vector_subcore>, window_params = [{transform_indices = #map}, {transform_indices = #map1}, {transform_indices = #map1}, {transform_indices = #map}, {transform_indices = #map2}]} {
    %eq3A = arith.constant 0 : i32
    %eq3A_0 = arith.cmpi eq, %arg0, %eq3A : i32
    %select_n3A = arith.constant 58 : i32
    %select_n3A_1 = arith.constant 100 : i32
    %select_n3A_2 = arith.select %eq3A_0, %select_n3A_1, %select_n3A : i32
    %eq3A_3 = arith.constant 0 : i32
    %eq3A_4 = arith.cmpi eq, %arg0, %eq3A_3 : i32
    %mul3A = arith.constant 100 : i32
    %mul3A_5 = arith.muli %arg1, %mul3A : i32
    %mul3A_6 = arith.constant 58 : i32
    %mul3A_7 = arith.muli %arg1, %mul3A_6 : i32
    %add3A = arith.constant 1600 : i32
    %add3A_8 = arith.addi %add3A, %mul3A_7 : i32
    %select_n3A_9 = arith.select %eq3A_4, %mul3A_5, %add3A_8 : i32
    %mul3A_10 = arith.constant 128 : i32
    %mul3A_11 = arith.muli %select_n3A_9, %mul3A_10 : i32
    %mul3A_12 = arith.constant 640 : i32
    %mul3A_13 = arith.muli %arg1, %mul3A_12 : i32
    "tpu.region"() ({
      %run_scoped3A_35 = tpu.sem_alloc : memref<!tpu.dma_semaphore, #tpu.memory_space<semaphore_mem>>
      %dma_start3A_36 = arith.constant 0 : i32
      %dma_start3A_37 = tpu.memref_slice %arg10[%mul3A_13, %dma_start3A_36] : memref<10240x128xf32, #tpu.memory_space<vmem_shared>> -> memref<640x128xf32, #tpu.memory_space<vmem_shared>>
      tpu.enqueue_dma source(%arg5 : memref<640x128xf32, #tpu.memory_space<hbm>>) target(%dma_start3A_37 : memref<640x128xf32, #tpu.memory_space<vmem_shared>>) target_semaphore(%run_scoped3A_35 : memref<!tpu.dma_semaphore, #tpu.memory_space<semaphore_mem>>)
      %dma_wait3A = arith.constant 0 : i32
      %dma_wait3A_38 = tpu.memref_slice %arg10[%mul3A_13, %dma_wait3A] : memref<10240x128xf32, #tpu.memory_space<vmem_shared>> -> memref<640x128xf32, #tpu.memory_space<vmem_shared>>
      tpu.wait_dma2 semaphore(%run_scoped3A_35 : memref<!tpu.dma_semaphore, #tpu.memory_space<semaphore_mem>>) src(%arg5 : memref<640x128xf32, #tpu.memory_space<hbm>>) dst(%dma_wait3A_38 : memref<640x128xf32, #tpu.memory_space<vmem_shared>>)
      tpu.yield
    }) : () -> ()
    %barrier3A = arith.constant 0 : index
    tpu.barrier barrier_id(%barrier3A)
    %run_scoped3A = arith.constant 0 : i32
    "tpu.region"() ({
      %run_scoped3A_35 = tpu.sem_alloc : memref<!tpu.dma_semaphore, #tpu.memory_space<semaphore_mem>>
      %dma_start3A_36 = arith.constant 0 : i32
      %dma_start3A_37 = tpu.memref_slice %arg7[%run_scoped3A, %dma_start3A_36] : memref<2x128xi32, #tpu.memory_space<vmem>> -> memref<1x128xi32, #tpu.memory_space<vmem>>
      %dma_start3A_38 = tpu.memref_squeeze %dma_start3A_37 : memref<1x128xi32, #tpu.memory_space<vmem>> -> memref<128xi32, #tpu.memory_space<vmem>>
      %dma_start3A_39 = tpu.memref_slice %arg3[%mul3A_11] : memref<323584xi32, #tpu.memory_space<hbm>> -> memref<128xi32, #tpu.memory_space<hbm>>
      %dma_start3A_40 = arith.constant 0 : i32
      %dma_start3A_41 = tpu.memref_slice %arg7[%run_scoped3A, %dma_start3A_40] : memref<2x128xi32, #tpu.memory_space<vmem>> -> memref<1x128xi32, #tpu.memory_space<vmem>>
      %dma_start3A_42 = tpu.memref_squeeze %dma_start3A_41 : memref<1x128xi32, #tpu.memory_space<vmem>> -> memref<128xi32, #tpu.memory_space<vmem>>
      %dma_start3A_43 = tpu.memref_slice %arg3[%mul3A_11] : memref<323584xi32, #tpu.memory_space<hbm>> -> memref<128xi32, #tpu.memory_space<hbm>>
      tpu.enqueue_dma source(%dma_start3A_43 : memref<128xi32, #tpu.memory_space<hbm>>) target(%dma_start3A_42 : memref<128xi32, #tpu.memory_space<vmem>>) target_semaphore(%run_scoped3A_35 : memref<!tpu.dma_semaphore, #tpu.memory_space<semaphore_mem>>)
      %dma_wait3A = arith.constant 0 : i32
      %dma_wait3A_44 = tpu.memref_slice %arg7[%run_scoped3A, %dma_wait3A] : memref<2x128xi32, #tpu.memory_space<vmem>> -> memref<1x128xi32, #tpu.memory_space<vmem>>
      %dma_wait3A_45 = tpu.memref_squeeze %dma_wait3A_44 : memref<1x128xi32, #tpu.memory_space<vmem>> -> memref<128xi32, #tpu.memory_space<vmem>>
      %dma_wait3A_46 = tpu.memref_slice %arg3[%mul3A_11] : memref<323584xi32, #tpu.memory_space<hbm>> -> memref<128xi32, #tpu.memory_space<hbm>>
      %dma_wait3A_47 = arith.constant 0 : i32
      %dma_wait3A_48 = tpu.memref_slice %arg7[%run_scoped3A, %dma_wait3A_47] : memref<2x128xi32, #tpu.memory_space<vmem>> -> memref<1x128xi32, #tpu.memory_space<vmem>>
      %dma_wait3A_49 = tpu.memref_squeeze %dma_wait3A_48 : memref<1x128xi32, #tpu.memory_space<vmem>> -> memref<128xi32, #tpu.memory_space<vmem>>
      %dma_wait3A_50 = tpu.memref_slice %arg3[%mul3A_11] : memref<323584xi32, #tpu.memory_space<hbm>> -> memref<128xi32, #tpu.memory_space<hbm>>
      tpu.wait_dma2 semaphore(%run_scoped3A_35 : memref<!tpu.dma_semaphore, #tpu.memory_space<semaphore_mem>>) src(%dma_wait3A_50 : memref<128xi32, #tpu.memory_space<hbm>>) dst(%dma_wait3A_49 : memref<128xi32, #tpu.memory_space<vmem>>)
      tpu.yield
    }) : () -> ()
    %run_scoped3A_14 = arith.constant 0 : i32
    "tpu.region"() ({
      %run_scoped3A_35 = tpu.sem_alloc : memref<!tpu.dma_semaphore, #tpu.memory_space<semaphore_mem>>
      %dma_start3A_36 = arith.constant 0 : i32
      %dma_start3A_37 = tpu.memref_slice %arg8[%run_scoped3A_14, %dma_start3A_36] : memref<2x128xi32, #tpu.memory_space<vmem>> -> memref<1x128xi32, #tpu.memory_space<vmem>>
      %dma_start3A_38 = tpu.memref_squeeze %dma_start3A_37 : memref<1x128xi32, #tpu.memory_space<vmem>> -> memref<128xi32, #tpu.memory_space<vmem>>
      %dma_start3A_39 = tpu.memref_slice %arg4[%mul3A_11] : memref<323584xi32, #tpu.memory_space<hbm>> -> memref<128xi32, #tpu.memory_space<hbm>>
      %dma_start3A_40 = arith.constant 0 : i32
      %dma_start3A_41 = tpu.memref_slice %arg8[%run_scoped3A_14, %dma_start3A_40] : memref<2x128xi32, #tpu.memory_space<vmem>> -> memref<1x128xi32, #tpu.memory_space<vmem>>
      %dma_start3A_42 = tpu.memref_squeeze %dma_start3A_41 : memref<1x128xi32, #tpu.memory_space<vmem>> -> memref<128xi32, #tpu.memory_space<vmem>>
      %dma_start3A_43 = tpu.memref_slice %arg4[%mul3A_11] : memref<323584xi32, #tpu.memory_space<hbm>> -> memref<128xi32, #tpu.memory_space<hbm>>
      tpu.enqueue_dma source(%dma_start3A_43 : memref<128xi32, #tpu.memory_space<hbm>>) target(%dma_start3A_42 : memref<128xi32, #tpu.memory_space<vmem>>) target_semaphore(%run_scoped3A_35 : memref<!tpu.dma_semaphore, #tpu.memory_space<semaphore_mem>>)
      %dma_wait3A = arith.constant 0 : i32
      %dma_wait3A_44 = tpu.memref_slice %arg8[%run_scoped3A_14, %dma_wait3A] : memref<2x128xi32, #tpu.memory_space<vmem>> -> memref<1x128xi32, #tpu.memory_space<vmem>>
      %dma_wait3A_45 = tpu.memref_squeeze %dma_wait3A_44 : memref<1x128xi32, #tpu.memory_space<vmem>> -> memref<128xi32, #tpu.memory_space<vmem>>
      %dma_wait3A_46 = tpu.memref_slice %arg4[%mul3A_11] : memref<323584xi32, #tpu.memory_space<hbm>> -> memref<128xi32, #tpu.memory_space<hbm>>
      %dma_wait3A_47 = arith.constant 0 : i32
      %dma_wait3A_48 = tpu.memref_slice %arg8[%run_scoped3A_14, %dma_wait3A_47] : memref<2x128xi32, #tpu.memory_space<vmem>> -> memref<1x128xi32, #tpu.memory_space<vmem>>
      %dma_wait3A_49 = tpu.memref_squeeze %dma_wait3A_48 : memref<1x128xi32, #tpu.memory_space<vmem>> -> memref<128xi32, #tpu.memory_space<vmem>>
      %dma_wait3A_50 = tpu.memref_slice %arg4[%mul3A_11] : memref<323584xi32, #tpu.memory_space<hbm>> -> memref<128xi32, #tpu.memory_space<hbm>>
      tpu.wait_dma2 semaphore(%run_scoped3A_35 : memref<!tpu.dma_semaphore, #tpu.memory_space<semaphore_mem>>) src(%dma_wait3A_50 : memref<128xi32, #tpu.memory_space<hbm>>) dst(%dma_wait3A_49 : memref<128xi32, #tpu.memory_space<vmem>>)
      tpu.yield
    }) : () -> ()
    %dma_start3A = arith.constant 0 : i32
    %dma_start3A_15 = arith.constant 0 : i32
    %dma_start3A_16 = arith.constant 0 : i32
    %dma_start3A_17 = arith.constant 0 : i32
    %dma_start3A_18 = tpu.memref_slice %arg9[%dma_start3A_15, %dma_start3A_16, %dma_start3A_17] : memref<2x128x128xf32, #tpu.memory_space<vmem>> -> memref<1x128x128xf32, #tpu.memory_space<vmem>>
    %dma_start3A_19 = tpu.memref_squeeze %dma_start3A_18 : memref<1x128x128xf32, #tpu.memory_space<vmem>> -> memref<128x128xf32, #tpu.memory_space<vmem>>
    %dma_start3A_20 = arith.constant 0 : i32
    %dma_start3A_21 = tpu.memref_slice %arg7[%dma_start3A, %dma_start3A_20] : memref<2x128xi32, #tpu.memory_space<vmem>> -> memref<1x128xi32, #tpu.memory_space<vmem>>
    %dma_start3A_22 = tpu.memref_squeeze %dma_start3A_21 : memref<1x128xi32, #tpu.memory_space<vmem>> -> memref<128xi32, #tpu.memory_space<vmem>>
    %dma_start3A_23 = arith.constant 0 : i32
    %dma_start3A_24 = arith.constant 0 : i32
    %dma_start3A_25 = tpu.memref_slice %arg2[%dma_start3A_23, %dma_start3A_24] : memref<10240x128xf32, #tpu.memory_space<hbm>> -> memref<10240x128xf32, #tpu.memory_space<hbm>>
    tpu.enqueue_indirect_dma source(%dma_start3A_25 : memref<10240x128xf32, #tpu.memory_space<hbm>>) target(%dma_start3A_19 : memref<128x128xf32, #tpu.memory_space<vmem>>) offsets(%dma_start3A_22 : memref<128xi32, #tpu.memory_space<vmem>>) semaphore(%arg11 : memref<!tpu.dma_semaphore, #tpu.memory_space<semaphore_mem>>)
    %scan3A = arith.constant 0 : i32
    %scan3A_26 = arith.constant 50 : i32
    %scan3A_27 = arith.addi %scan3A, %scan3A_26 : i32
    %scan3A_28 = arith.constant 1 : i32
    scf.for %scan3A_35 = %scan3A to %scan3A_27 step %scan3A_28  : i32 {
      %mul3A_36 = arith.constant 2 : i32
      %mul3A_37 = arith.muli %scan3A_35, %mul3A_36 : i32
      %add3A_38 = arith.constant 0 : i32
      %add3A_39 = arith.addi %add3A_38, %mul3A_37 : i32
      %add3A_40 = arith.constant 0 : i32
      %add3A_41 = arith.addi %add3A_39, %add3A_40 : i32
      %lt3A = arith.cmpi slt, %add3A_41, %select_n3A_2 : i32
      %convert_element_type3A = arith.extui %lt3A : i1 to i32
      %cond3A = arith.constant 0 : i32
      %cond3A_42 = arith.cmpi ne, %convert_element_type3A, %cond3A : i32
      scf.if %cond3A_42 {
        %add3A_49 = arith.constant 0 : i32
        %add3A_50 = arith.addi %add3A_39, %add3A_49 : i32
        %dma_wait3A = arith.constant 0 : i32
        %dma_wait3A_51 = arith.constant 0 : i32
        %dma_wait3A_52 = arith.constant 0 : i32
        %dma_wait3A_53 = arith.constant 0 : i32
        %dma_wait3A_54 = tpu.memref_slice %arg9[%dma_wait3A_51, %dma_wait3A_52, %dma_wait3A_53] : memref<2x128x128xf32, #tpu.memory_space<vmem>> -> memref<1x128x128xf32, #tpu.memory_space<vmem>>
        %dma_wait3A_55 = tpu.memref_squeeze %dma_wait3A_54 : memref<1x128x128xf32, #tpu.memory_space<vmem>> -> memref<128x128xf32, #tpu.memory_space<vmem>>
        %dma_wait3A_56 = arith.constant 0 : i32
        %dma_wait3A_57 = tpu.memref_slice %arg7[%dma_wait3A, %dma_wait3A_56] : memref<2x128xi32, #tpu.memory_space<vmem>> -> memref<1x128xi32, #tpu.memory_space<vmem>>
        %dma_wait3A_58 = tpu.memref_squeeze %dma_wait3A_57 : memref<1x128xi32, #tpu.memory_space<vmem>> -> memref<128xi32, #tpu.memory_space<vmem>>
        %dma_wait3A_59 = arith.constant 0 : i32
        %dma_wait3A_60 = arith.constant 0 : i32
        %dma_wait3A_61 = tpu.memref_slice %arg2[%dma_wait3A_59, %dma_wait3A_60] : memref<10240x128xf32, #tpu.memory_space<hbm>> -> memref<10240x128xf32, #tpu.memory_space<hbm>>
        tpu.wait_indirect_dma semaphore(%arg11 : memref<!tpu.dma_semaphore, #tpu.memory_space<semaphore_mem>>) src(%dma_wait3A_61 : memref<10240x128xf32, #tpu.memory_space<hbm>>) dst(%dma_wait3A_55 : memref<128x128xf32, #tpu.memory_space<vmem>>)
        %add3A_62 = arith.constant 1 : i32
        %add3A_63 = arith.addi %add3A_50, %add3A_62 : i32
        %lt3A_64 = arith.cmpi slt, %add3A_63, %select_n3A_2 : i32
        %convert_element_type3A_65 = arith.extui %lt3A_64 : i1 to i32
        %cond3A_66 = arith.constant 0 : i32
        %cond3A_67 = arith.cmpi ne, %convert_element_type3A_65, %cond3A_66 : i32
        scf.if %cond3A_67 {
          %add3A_70 = arith.constant 1 : i32
          %add3A_71 = arith.addi %add3A_50, %add3A_70 : i32
          %mul3A_72 = arith.constant 128 : i32
          %mul3A_73 = arith.muli %add3A_71, %mul3A_72 : i32
          %add3A_74 = arith.addi %mul3A_11, %mul3A_73 : i32
          %run_scoped3A_75 = arith.constant 1 : i32
          "tpu.region"() ({
            %run_scoped3A_89 = tpu.sem_alloc : memref<!tpu.dma_semaphore, #tpu.memory_space<semaphore_mem>>
            %dma_start3A_90 = arith.constant 0 : i32
            %dma_start3A_91 = tpu.memref_slice %arg7[%run_scoped3A_75, %dma_start3A_90] : memref<2x128xi32, #tpu.memory_space<vmem>> -> memref<1x128xi32, #tpu.memory_space<vmem>>
            %dma_start3A_92 = tpu.memref_squeeze %dma_start3A_91 : memref<1x128xi32, #tpu.memory_space<vmem>> -> memref<128xi32, #tpu.memory_space<vmem>>
            %dma_start3A_93 = tpu.memref_slice %arg3[%add3A_74] : memref<323584xi32, #tpu.memory_space<hbm>> -> memref<128xi32, #tpu.memory_space<hbm>>
            %dma_start3A_94 = arith.constant 0 : i32
            %dma_start3A_95 = tpu.memref_slice %arg7[%run_scoped3A_75, %dma_start3A_94] : memref<2x128xi32, #tpu.memory_space<vmem>> -> memref<1x128xi32, #tpu.memory_space<vmem>>
            %dma_start3A_96 = tpu.memref_squeeze %dma_start3A_95 : memref<1x128xi32, #tpu.memory_space<vmem>> -> memref<128xi32, #tpu.memory_space<vmem>>
            %dma_start3A_97 = tpu.memref_slice %arg3[%add3A_74] : memref<323584xi32, #tpu.memory_space<hbm>> -> memref<128xi32, #tpu.memory_space<hbm>>
            tpu.enqueue_dma source(%dma_start3A_97 : memref<128xi32, #tpu.memory_space<hbm>>) target(%dma_start3A_96 : memref<128xi32, #tpu.memory_space<vmem>>) target_semaphore(%run_scoped3A_89 : memref<!tpu.dma_semaphore, #tpu.memory_space<semaphore_mem>>)
            %dma_wait3A_98 = arith.constant 0 : i32
            %dma_wait3A_99 = tpu.memref_slice %arg7[%run_scoped3A_75, %dma_wait3A_98] : memref<2x128xi32, #tpu.memory_space<vmem>> -> memref<1x128xi32, #tpu.memory_space<vmem>>
            %dma_wait3A_100 = tpu.memref_squeeze %dma_wait3A_99 : memref<1x128xi32, #tpu.memory_space<vmem>> -> memref<128xi32, #tpu.memory_space<vmem>>
            %dma_wait3A_101 = tpu.memref_slice %arg3[%add3A_74] : memref<323584xi32, #tpu.memory_space<hbm>> -> memref<128xi32, #tpu.memory_space<hbm>>
            %dma_wait3A_102 = arith.constant 0 : i32
            %dma_wait3A_103 = tpu.memref_slice %arg7[%run_scoped3A_75, %dma_wait3A_102] : memref<2x128xi32, #tpu.memory_space<vmem>> -> memref<1x128xi32, #tpu.memory_space<vmem>>
            %dma_wait3A_104 = tpu.memref_squeeze %dma_wait3A_103 : memref<1x128xi32, #tpu.memory_space<vmem>> -> memref<128xi32, #tpu.memory_space<vmem>>
            %dma_wait3A_105 = tpu.memref_slice %arg3[%add3A_74] : memref<323584xi32, #tpu.memory_space<hbm>> -> memref<128xi32, #tpu.memory_space<hbm>>
            tpu.wait_dma2 semaphore(%run_scoped3A_89 : memref<!tpu.dma_semaphore, #tpu.memory_space<semaphore_mem>>) src(%dma_wait3A_105 : memref<128xi32, #tpu.memory_space<hbm>>) dst(%dma_wait3A_104 : memref<128xi32, #tpu.memory_space<vmem>>)
            tpu.yield
          }) : () -> ()
          %run_scoped3A_76 = arith.constant 1 : i32
          "tpu.region"() ({
            %run_scoped3A_89 = tpu.sem_alloc : memref<!tpu.dma_semaphore, #tpu.memory_space<semaphore_mem>>
            %dma_start3A_90 = arith.constant 0 : i32
            %dma_start3A_91 = tpu.memref_slice %arg8[%run_scoped3A_76, %dma_start3A_90] : memref<2x128xi32, #tpu.memory_space<vmem>> -> memref<1x128xi32, #tpu.memory_space<vmem>>
            %dma_start3A_92 = tpu.memref_squeeze %dma_start3A_91 : memref<1x128xi32, #tpu.memory_space<vmem>> -> memref<128xi32, #tpu.memory_space<vmem>>
            %dma_start3A_93 = tpu.memref_slice %arg4[%add3A_74] : memref<323584xi32, #tpu.memory_space<hbm>> -> memref<128xi32, #tpu.memory_space<hbm>>
            %dma_start3A_94 = arith.constant 0 : i32
            %dma_start3A_95 = tpu.memref_slice %arg8[%run_scoped3A_76, %dma_start3A_94] : memref<2x128xi32, #tpu.memory_space<vmem>> -> memref<1x128xi32, #tpu.memory_space<vmem>>
            %dma_start3A_96 = tpu.memref_squeeze %dma_start3A_95 : memref<1x128xi32, #tpu.memory_space<vmem>> -> memref<128xi32, #tpu.memory_space<vmem>>
            %dma_start3A_97 = tpu.memref_slice %arg4[%add3A_74] : memref<323584xi32, #tpu.memory_space<hbm>> -> memref<128xi32, #tpu.memory_space<hbm>>
            tpu.enqueue_dma source(%dma_start3A_97 : memref<128xi32, #tpu.memory_space<hbm>>) target(%dma_start3A_96 : memref<128xi32, #tpu.memory_space<vmem>>) target_semaphore(%run_scoped3A_89 : memref<!tpu.dma_semaphore, #tpu.memory_space<semaphore_mem>>)
            %dma_wait3A_98 = arith.constant 0 : i32
            %dma_wait3A_99 = tpu.memref_slice %arg8[%run_scoped3A_76, %dma_wait3A_98] : memref<2x128xi32, #tpu.memory_space<vmem>> -> memref<1x128xi32, #tpu.memory_space<vmem>>
            %dma_wait3A_100 = tpu.memref_squeeze %dma_wait3A_99 : memref<1x128xi32, #tpu.memory_space<vmem>> -> memref<128xi32, #tpu.memory_space<vmem>>
            %dma_wait3A_101 = tpu.memref_slice %arg4[%add3A_74] : memref<323584xi32, #tpu.memory_space<hbm>> -> memref<128xi32, #tpu.memory_space<hbm>>
            %dma_wait3A_102 = arith.constant 0 : i32
            %dma_wait3A_103 = tpu.memref_slice %arg8[%run_scoped3A_76, %dma_wait3A_102] : memref<2x128xi32, #tpu.memory_space<vmem>> -> memref<1x128xi32, #tpu.memory_space<vmem>>
            %dma_wait3A_104 = tpu.memref_squeeze %dma_wait3A_103 : memref<1x128xi32, #tpu.memory_space<vmem>> -> memref<128xi32, #tpu.memory_space<vmem>>
            %dma_wait3A_105 = tpu.memref_slice %arg4[%add3A_74] : memref<323584xi32, #tpu.memory_space<hbm>> -> memref<128xi32, #tpu.memory_space<hbm>>
            tpu.wait_dma2 semaphore(%run_scoped3A_89 : memref<!tpu.dma_semaphore, #tpu.memory_space<semaphore_mem>>) src(%dma_wait3A_105 : memref<128xi32, #tpu.memory_space<hbm>>) dst(%dma_wait3A_104 : memref<128xi32, #tpu.memory_space<vmem>>)
            tpu.yield
          }) : () -> ()
          %dma_start3A_77 = arith.constant 1 : i32
          %dma_start3A_78 = arith.constant 1 : i32
          %dma_start3A_79 = arith.constant 0 : i32
          %dma_start3A_80 = arith.constant 0 : i32
          %dma_start3A_81 = tpu.memref_slice %arg9[%dma_start3A_78, %dma_start3A_79, %dma_start3A_80] : memref<2x128x128xf32, #tpu.memory_space<vmem>> -> memref<1x128x128xf32, #tpu.memory_space<vmem>>
          %dma_start3A_82 = tpu.memref_squeeze %dma_start3A_81 : memref<1x128x128xf32, #tpu.memory_space<vmem>> -> memref<128x128xf32, #tpu.memory_space<vmem>>
          %dma_start3A_83 = arith.constant 0 : i32
          %dma_start3A_84 = tpu.memref_slice %arg7[%dma_start3A_77, %dma_start3A_83] : memref<2x128xi32, #tpu.memory_space<vmem>> -> memref<1x128xi32, #tpu.memory_space<vmem>>
          %dma_start3A_85 = tpu.memref_squeeze %dma_start3A_84 : memref<1x128xi32, #tpu.memory_space<vmem>> -> memref<128xi32, #tpu.memory_space<vmem>>
          %dma_start3A_86 = arith.constant 0 : i32
          %dma_start3A_87 = arith.constant 0 : i32
          %dma_start3A_88 = tpu.memref_slice %arg2[%dma_start3A_86, %dma_start3A_87] : memref<10240x128xf32, #tpu.memory_space<hbm>> -> memref<10240x128xf32, #tpu.memory_space<hbm>>
          tpu.enqueue_indirect_dma source(%dma_start3A_88 : memref<10240x128xf32, #tpu.memory_space<hbm>>) target(%dma_start3A_82 : memref<128x128xf32, #tpu.memory_space<vmem>>) offsets(%dma_start3A_85 : memref<128xi32, #tpu.memory_space<vmem>>) semaphore(%arg12 : memref<!tpu.dma_semaphore, #tpu.memory_space<semaphore_mem>>)
        } else {
        }
        %run_scoped3A_68 = arith.constant 0 : i32
        %run_scoped3A_69 = arith.constant 0 : i32
        "tpu.region"() ({
          %run_scoped3A_70 = tpu.sem_alloc : memref<!tpu.dma_semaphore, #tpu.memory_space<semaphore_mem>>
          %dma_start3A_71 = arith.constant 0 : i32
          %dma_start3A_72 = arith.constant 0 : i32
          %dma_start3A_73 = tpu.memref_slice %arg9[%run_scoped3A_68, %dma_start3A_71, %dma_start3A_72] : memref<2x128x128xf32, #tpu.memory_space<vmem>> -> memref<1x128x128xf32, #tpu.memory_space<vmem>>
          %dma_start3A_74 = tpu.memref_squeeze %dma_start3A_73 : memref<1x128x128xf32, #tpu.memory_space<vmem>> -> memref<128x128xf32, #tpu.memory_space<vmem>>
          %dma_start3A_75 = arith.constant 0 : i32
          %dma_start3A_76 = tpu.memref_slice %arg8[%run_scoped3A_69, %dma_start3A_75] : memref<2x128xi32, #tpu.memory_space<vmem>> -> memref<1x128xi32, #tpu.memory_space<vmem>>
          %dma_start3A_77 = tpu.memref_squeeze %dma_start3A_76 : memref<1x128xi32, #tpu.memory_space<vmem>> -> memref<128xi32, #tpu.memory_space<vmem>>
          %dma_start3A_78 = arith.constant 0 : i32
          %dma_start3A_79 = arith.constant 0 : i32
          %dma_start3A_80 = tpu.memref_slice %arg10[%dma_start3A_78, %dma_start3A_79] : memref<10240x128xf32, #tpu.memory_space<vmem_shared>> -> memref<10240x128xf32, #tpu.memory_space<vmem_shared>>
          tpu.enqueue_indirect_dma source(%dma_start3A_74 : memref<128x128xf32, #tpu.memory_space<vmem>>) target(%dma_start3A_80 : memref<10240x128xf32, #tpu.memory_space<vmem_shared>>) offsets(%dma_start3A_77 : memref<128xi32, #tpu.memory_space<vmem>>) semaphore(%run_scoped3A_70 : memref<!tpu.dma_semaphore, #tpu.memory_space<semaphore_mem>>) {add = true}
          %dma_wait3A_81 = arith.constant 0 : i32
          %dma_wait3A_82 = arith.constant 0 : i32
          %dma_wait3A_83 = tpu.memref_slice %arg9[%run_scoped3A_68, %dma_wait3A_81, %dma_wait3A_82] : memref<2x128x128xf32, #tpu.memory_space<vmem>> -> memref<1x128x128xf32, #tpu.memory_space<vmem>>
          %dma_wait3A_84 = tpu.memref_squeeze %dma_wait3A_83 : memref<1x128x128xf32, #tpu.memory_space<vmem>> -> memref<128x128xf32, #tpu.memory_space<vmem>>
          %dma_wait3A_85 = arith.constant 0 : i32
          %dma_wait3A_86 = tpu.memref_slice %arg8[%run_scoped3A_69, %dma_wait3A_85] : memref<2x128xi32, #tpu.memory_space<vmem>> -> memref<1x128xi32, #tpu.memory_space<vmem>>
          %dma_wait3A_87 = tpu.memref_squeeze %dma_wait3A_86 : memref<1x128xi32, #tpu.memory_space<vmem>> -> memref<128xi32, #tpu.memory_space<vmem>>
          %dma_wait3A_88 = arith.constant 0 : i32
          %dma_wait3A_89 = arith.constant 0 : i32
          %dma_wait3A_90 = tpu.memref_slice %arg10[%dma_wait3A_88, %dma_wait3A_89] : memref<10240x128xf32, #tpu.memory_space<vmem_shared>> -> memref<10240x128xf32, #tpu.memory_space<vmem_shared>>
          tpu.wait_indirect_dma semaphore(%run_scoped3A_70 : memref<!tpu.dma_semaphore, #tpu.memory_space<semaphore_mem>>) src(%dma_wait3A_84 : memref<128x128xf32, #tpu.memory_space<vmem>>) dst(%dma_wait3A_90 : memref<10240x128xf32, #tpu.memory_space<vmem_shared>>)
          tpu.yield
        }) : () -> ()
      } else {
      }
      %add3A_43 = arith.constant 1 : i32
      %add3A_44 = arith.addi %add3A_39, %add3A_43 : i32
      %lt3A_45 = arith.cmpi slt, %add3A_44, %select_n3A_2 : i32
      %convert_element_type3A_46 = arith.extui %lt3A_45 : i1 to i32
      %cond3A_47 = arith.constant 0 : i32
      %cond3A_48 = arith.cmpi ne, %convert_element_type3A_46, %cond3A_47 : i32
      scf.if %cond3A_48 {
        %add3A_49 = arith.constant 1 : i32
        %add3A_50 = arith.addi %add3A_39, %add3A_49 : i32
        %dma_wait3A = arith.constant 1 : i32
        %dma_wait3A_51 = arith.constant 1 : i32
        %dma_wait3A_52 = arith.constant 0 : i32
        %dma_wait3A_53 = arith.constant 0 : i32
        %dma_wait3A_54 = tpu.memref_slice %arg9[%dma_wait3A_51, %dma_wait3A_52, %dma_wait3A_53] : memref<2x128x128xf32, #tpu.memory_space<vmem>> -> memref<1x128x128xf32, #tpu.memory_space<vmem>>
        %dma_wait3A_55 = tpu.memref_squeeze %dma_wait3A_54 : memref<1x128x128xf32, #tpu.memory_space<vmem>> -> memref<128x128xf32, #tpu.memory_space<vmem>>
        %dma_wait3A_56 = arith.constant 0 : i32
        %dma_wait3A_57 = tpu.memref_slice %arg7[%dma_wait3A, %dma_wait3A_56] : memref<2x128xi32, #tpu.memory_space<vmem>> -> memref<1x128xi32, #tpu.memory_space<vmem>>
        %dma_wait3A_58 = tpu.memref_squeeze %dma_wait3A_57 : memref<1x128xi32, #tpu.memory_space<vmem>> -> memref<128xi32, #tpu.memory_space<vmem>>
        %dma_wait3A_59 = arith.constant 0 : i32
        %dma_wait3A_60 = arith.constant 0 : i32
        %dma_wait3A_61 = tpu.memref_slice %arg2[%dma_wait3A_59, %dma_wait3A_60] : memref<10240x128xf32, #tpu.memory_space<hbm>> -> memref<10240x128xf32, #tpu.memory_space<hbm>>
        tpu.wait_indirect_dma semaphore(%arg12 : memref<!tpu.dma_semaphore, #tpu.memory_space<semaphore_mem>>) src(%dma_wait3A_61 : memref<10240x128xf32, #tpu.memory_space<hbm>>) dst(%dma_wait3A_55 : memref<128x128xf32, #tpu.memory_space<vmem>>)
        %add3A_62 = arith.constant 1 : i32
        %add3A_63 = arith.addi %add3A_50, %add3A_62 : i32
        %lt3A_64 = arith.cmpi slt, %add3A_63, %select_n3A_2 : i32
        %convert_element_type3A_65 = arith.extui %lt3A_64 : i1 to i32
        %cond3A_66 = arith.constant 0 : i32
        %cond3A_67 = arith.cmpi ne, %convert_element_type3A_65, %cond3A_66 : i32
        scf.if %cond3A_67 {
          %add3A_70 = arith.constant 1 : i32
          %add3A_71 = arith.addi %add3A_50, %add3A_70 : i32
          %mul3A_72 = arith.constant 128 : i32
          %mul3A_73 = arith.muli %add3A_71, %mul3A_72 : i32
          %add3A_74 = arith.addi %mul3A_11, %mul3A_73 : i32
          %run_scoped3A_75 = arith.constant 0 : i32
          "tpu.region"() ({
            %run_scoped3A_89 = tpu.sem_alloc : memref<!tpu.dma_semaphore, #tpu.memory_space<semaphore_mem>>
            %dma_start3A_90 = arith.constant 0 : i32
            %dma_start3A_91 = tpu.memref_slice %arg7[%run_scoped3A_75, %dma_start3A_90] : memref<2x128xi32, #tpu.memory_space<vmem>> -> memref<1x128xi32, #tpu.memory_space<vmem>>
            %dma_start3A_92 = tpu.memref_squeeze %dma_start3A_91 : memref<1x128xi32, #tpu.memory_space<vmem>> -> memref<128xi32, #tpu.memory_space<vmem>>
            %dma_start3A_93 = tpu.memref_slice %arg3[%add3A_74] : memref<323584xi32, #tpu.memory_space<hbm>> -> memref<128xi32, #tpu.memory_space<hbm>>
            %dma_start3A_94 = arith.constant 0 : i32
            %dma_start3A_95 = tpu.memref_slice %arg7[%run_scoped3A_75, %dma_start3A_94] : memref<2x128xi32, #tpu.memory_space<vmem>> -> memref<1x128xi32, #tpu.memory_space<vmem>>
            %dma_start3A_96 = tpu.memref_squeeze %dma_start3A_95 : memref<1x128xi32, #tpu.memory_space<vmem>> -> memref<128xi32, #tpu.memory_space<vmem>>
            %dma_start3A_97 = tpu.memref_slice %arg3[%add3A_74] : memref<323584xi32, #tpu.memory_space<hbm>> -> memref<128xi32, #tpu.memory_space<hbm>>
            tpu.enqueue_dma source(%dma_start3A_97 : memref<128xi32, #tpu.memory_space<hbm>>) target(%dma_start3A_96 : memref<128xi32, #tpu.memory_space<vmem>>) target_semaphore(%run_scoped3A_89 : memref<!tpu.dma_semaphore, #tpu.memory_space<semaphore_mem>>)
            %dma_wait3A_98 = arith.constant 0 : i32
            %dma_wait3A_99 = tpu.memref_slice %arg7[%run_scoped3A_75, %dma_wait3A_98] : memref<2x128xi32, #tpu.memory_space<vmem>> -> memref<1x128xi32, #tpu.memory_space<vmem>>
            %dma_wait3A_100 = tpu.memref_squeeze %dma_wait3A_99 : memref<1x128xi32, #tpu.memory_space<vmem>> -> memref<128xi32, #tpu.memory_space<vmem>>
            %dma_wait3A_101 = tpu.memref_slice %arg3[%add3A_74] : memref<323584xi32, #tpu.memory_space<hbm>> -> memref<128xi32, #tpu.memory_space<hbm>>
            %dma_wait3A_102 = arith.constant 0 : i32
            %dma_wait3A_103 = tpu.memref_slice %arg7[%run_scoped3A_75, %dma_wait3A_102] : memref<2x128xi32, #tpu.memory_space<vmem>> -> memref<1x128xi32, #tpu.memory_space<vmem>>
            %dma_wait3A_104 = tpu.memref_squeeze %dma_wait3A_103 : memref<1x128xi32, #tpu.memory_space<vmem>> -> memref<128xi32, #tpu.memory_space<vmem>>
            %dma_wait3A_105 = tpu.memref_slice %arg3[%add3A_74] : memref<323584xi32, #tpu.memory_space<hbm>> -> memref<128xi32, #tpu.memory_space<hbm>>
            tpu.wait_dma2 semaphore(%run_scoped3A_89 : memref<!tpu.dma_semaphore, #tpu.memory_space<semaphore_mem>>) src(%dma_wait3A_105 : memref<128xi32, #tpu.memory_space<hbm>>) dst(%dma_wait3A_104 : memref<128xi32, #tpu.memory_space<vmem>>)
            tpu.yield
          }) : () -> ()
          %run_scoped3A_76 = arith.constant 0 : i32
          "tpu.region"() ({
            %run_scoped3A_89 = tpu.sem_alloc : memref<!tpu.dma_semaphore, #tpu.memory_space<semaphore_mem>>
            %dma_start3A_90 = arith.constant 0 : i32
            %dma_start3A_91 = tpu.memref_slice %arg8[%run_scoped3A_76, %dma_start3A_90] : memref<2x128xi32, #tpu.memory_space<vmem>> -> memref<1x128xi32, #tpu.memory_space<vmem>>
            %dma_start3A_92 = tpu.memref_squeeze %dma_start3A_91 : memref<1x128xi32, #tpu.memory_space<vmem>> -> memref<128xi32, #tpu.memory_space<vmem>>
            %dma_start3A_93 = tpu.memref_slice %arg4[%add3A_74] : memref<323584xi32, #tpu.memory_space<hbm>> -> memref<128xi32, #tpu.memory_space<hbm>>
            %dma_start3A_94 = arith.constant 0 : i32
            %dma_start3A_95 = tpu.memref_slice %arg8[%run_scoped3A_76, %dma_start3A_94] : memref<2x128xi32, #tpu.memory_space<vmem>> -> memref<1x128xi32, #tpu.memory_space<vmem>>
            %dma_start3A_96 = tpu.memref_squeeze %dma_start3A_95 : memref<1x128xi32, #tpu.memory_space<vmem>> -> memref<128xi32, #tpu.memory_space<vmem>>
            %dma_start3A_97 = tpu.memref_slice %arg4[%add3A_74] : memref<323584xi32, #tpu.memory_space<hbm>> -> memref<128xi32, #tpu.memory_space<hbm>>
            tpu.enqueue_dma source(%dma_start3A_97 : memref<128xi32, #tpu.memory_space<hbm>>) target(%dma_start3A_96 : memref<128xi32, #tpu.memory_space<vmem>>) target_semaphore(%run_scoped3A_89 : memref<!tpu.dma_semaphore, #tpu.memory_space<semaphore_mem>>)
            %dma_wait3A_98 = arith.constant 0 : i32
            %dma_wait3A_99 = tpu.memref_slice %arg8[%run_scoped3A_76, %dma_wait3A_98] : memref<2x128xi32, #tpu.memory_space<vmem>> -> memref<1x128xi32, #tpu.memory_space<vmem>>
            %dma_wait3A_100 = tpu.memref_squeeze %dma_wait3A_99 : memref<1x128xi32, #tpu.memory_space<vmem>> -> memref<128xi32, #tpu.memory_space<vmem>>
            %dma_wait3A_101 = tpu.memref_slice %arg4[%add3A_74] : memref<323584xi32, #tpu.memory_space<hbm>> -> memref<128xi32, #tpu.memory_space<hbm>>
            %dma_wait3A_102 = arith.constant 0 : i32
            %dma_wait3A_103 = tpu.memref_slice %arg8[%run_scoped3A_76, %dma_wait3A_102] : memref<2x128xi32, #tpu.memory_space<vmem>> -> memref<1x128xi32, #tpu.memory_space<vmem>>
            %dma_wait3A_104 = tpu.memref_squeeze %dma_wait3A_103 : memref<1x128xi32, #tpu.memory_space<vmem>> -> memref<128xi32, #tpu.memory_space<vmem>>
            %dma_wait3A_105 = tpu.memref_slice %arg4[%add3A_74] : memref<323584xi32, #tpu.memory_space<hbm>> -> memref<128xi32, #tpu.memory_space<hbm>>
            tpu.wait_dma2 semaphore(%run_scoped3A_89 : memref<!tpu.dma_semaphore, #tpu.memory_space<semaphore_mem>>) src(%dma_wait3A_105 : memref<128xi32, #tpu.memory_space<hbm>>) dst(%dma_wait3A_104 : memref<128xi32, #tpu.memory_space<vmem>>)
            tpu.yield
          }) : () -> ()
          %dma_start3A_77 = arith.constant 0 : i32
          %dma_start3A_78 = arith.constant 0 : i32
          %dma_start3A_79 = arith.constant 0 : i32
          %dma_start3A_80 = arith.constant 0 : i32
          %dma_start3A_81 = tpu.memref_slice %arg9[%dma_start3A_78, %dma_start3A_79, %dma_start3A_80] : memref<2x128x128xf32, #tpu.memory_space<vmem>> -> memref<1x128x128xf32, #tpu.memory_space<vmem>>
          %dma_start3A_82 = tpu.memref_squeeze %dma_start3A_81 : memref<1x128x128xf32, #tpu.memory_space<vmem>> -> memref<128x128xf32, #tpu.memory_space<vmem>>
          %dma_start3A_83 = arith.constant 0 : i32
          %dma_start3A_84 = tpu.memref_slice %arg7[%dma_start3A_77, %dma_start3A_83] : memref<2x128xi32, #tpu.memory_space<vmem>> -> memref<1x128xi32, #tpu.memory_space<vmem>>
          %dma_start3A_85 = tpu.memref_squeeze %dma_start3A_84 : memref<1x128xi32, #tpu.memory_space<vmem>> -> memref<128xi32, #tpu.memory_space<vmem>>
          %dma_start3A_86 = arith.constant 0 : i32
          %dma_start3A_87 = arith.constant 0 : i32
          %dma_start3A_88 = tpu.memref_slice %arg2[%dma_start3A_86, %dma_start3A_87] : memref<10240x128xf32, #tpu.memory_space<hbm>> -> memref<10240x128xf32, #tpu.memory_space<hbm>>
          tpu.enqueue_indirect_dma source(%dma_start3A_88 : memref<10240x128xf32, #tpu.memory_space<hbm>>) target(%dma_start3A_82 : memref<128x128xf32, #tpu.memory_space<vmem>>) offsets(%dma_start3A_85 : memref<128xi32, #tpu.memory_space<vmem>>) semaphore(%arg11 : memref<!tpu.dma_semaphore, #tpu.memory_space<semaphore_mem>>)
        } else {
        }
        %run_scoped3A_68 = arith.constant 1 : i32
        %run_scoped3A_69 = arith.constant 1 : i32
        "tpu.region"() ({
          %run_scoped3A_70 = tpu.sem_alloc : memref<!tpu.dma_semaphore, #tpu.memory_space<semaphore_mem>>
          %dma_start3A_71 = arith.constant 0 : i32
          %dma_start3A_72 = arith.constant 0 : i32
          %dma_start3A_73 = tpu.memref_slice %arg9[%run_scoped3A_68, %dma_start3A_71, %dma_start3A_72] : memref<2x128x128xf32, #tpu.memory_space<vmem>> -> memref<1x128x128xf32, #tpu.memory_space<vmem>>
          %dma_start3A_74 = tpu.memref_squeeze %dma_start3A_73 : memref<1x128x128xf32, #tpu.memory_space<vmem>> -> memref<128x128xf32, #tpu.memory_space<vmem>>
          %dma_start3A_75 = arith.constant 0 : i32
          %dma_start3A_76 = tpu.memref_slice %arg8[%run_scoped3A_69, %dma_start3A_75] : memref<2x128xi32, #tpu.memory_space<vmem>> -> memref<1x128xi32, #tpu.memory_space<vmem>>
          %dma_start3A_77 = tpu.memref_squeeze %dma_start3A_76 : memref<1x128xi32, #tpu.memory_space<vmem>> -> memref<128xi32, #tpu.memory_space<vmem>>
          %dma_start3A_78 = arith.constant 0 : i32
          %dma_start3A_79 = arith.constant 0 : i32
          %dma_start3A_80 = tpu.memref_slice %arg10[%dma_start3A_78, %dma_start3A_79] : memref<10240x128xf32, #tpu.memory_space<vmem_shared>> -> memref<10240x128xf32, #tpu.memory_space<vmem_shared>>
          tpu.enqueue_indirect_dma source(%dma_start3A_74 : memref<128x128xf32, #tpu.memory_space<vmem>>) target(%dma_start3A_80 : memref<10240x128xf32, #tpu.memory_space<vmem_shared>>) offsets(%dma_start3A_77 : memref<128xi32, #tpu.memory_space<vmem>>) semaphore(%run_scoped3A_70 : memref<!tpu.dma_semaphore, #tpu.memory_space<semaphore_mem>>) {add = true}
          %dma_wait3A_81 = arith.constant 0 : i32
          %dma_wait3A_82 = arith.constant 0 : i32
          %dma_wait3A_83 = tpu.memref_slice %arg9[%run_scoped3A_68, %dma_wait3A_81, %dma_wait3A_82] : memref<2x128x128xf32, #tpu.memory_space<vmem>> -> memref<1x128x128xf32, #tpu.memory_space<vmem>>
          %dma_wait3A_84 = tpu.memref_squeeze %dma_wait3A_83 : memref<1x128x128xf32, #tpu.memory_space<vmem>> -> memref<128x128xf32, #tpu.memory_space<vmem>>
          %dma_wait3A_85 = arith.constant 0 : i32
          %dma_wait3A_86 = tpu.memref_slice %arg8[%run_scoped3A_69, %dma_wait3A_85] : memref<2x128xi32, #tpu.memory_space<vmem>> -> memref<1x128xi32, #tpu.memory_space<vmem>>
          %dma_wait3A_87 = tpu.memref_squeeze %dma_wait3A_86 : memref<1x128xi32, #tpu.memory_space<vmem>> -> memref<128xi32, #tpu.memory_space<vmem>>
          %dma_wait3A_88 = arith.constant 0 : i32
          %dma_wait3A_89 = arith.constant 0 : i32
          %dma_wait3A_90 = tpu.memref_slice %arg10[%dma_wait3A_88, %dma_wait3A_89] : memref<10240x128xf32, #tpu.memory_space<vmem_shared>> -> memref<10240x128xf32, #tpu.memory_space<vmem_shared>>
          tpu.wait_indirect_dma semaphore(%run_scoped3A_70 : memref<!tpu.dma_semaphore, #tpu.memory_space<semaphore_mem>>) src(%dma_wait3A_84 : memref<128x128xf32, #tpu.memory_space<vmem>>) dst(%dma_wait3A_90 : memref<10240x128xf32, #tpu.memory_space<vmem_shared>>)
          tpu.yield
        }) : () -> ()
      } else {
      }
    }
    %scan3A_29 = arith.constant 50 : i32
    %barrier3A_30 = arith.constant 0 : index
    tpu.barrier barrier_id(%barrier3A_30)
    %mul3A_31 = arith.constant 640 : i32
    %mul3A_32 = arith.muli %arg1, %mul3A_31 : i32
    %mul3A_33 = arith.constant 640 : i32
    %mul3A_34 = arith.muli %arg1, %mul3A_33 : i32
    "tpu.region"() ({
      %run_scoped3A_35 = tpu.sem_alloc : memref<!tpu.dma_semaphore, #tpu.memory_space<semaphore_mem>>
      %dma_start3A_36 = arith.constant 0 : i32
      %dma_start3A_37 = tpu.memref_slice %arg6[%arg0, %mul3A_34, %dma_start3A_36] : memref<2x10240x128xf32, #tpu.memory_space<hbm>> -> memref<1x640x128xf32, #tpu.memory_space<hbm>>
      %dma_start3A_38 = tpu.memref_squeeze %dma_start3A_37 : memref<1x640x128xf32, #tpu.memory_space<hbm>> -> memref<640x128xf32, #tpu.memory_space<hbm>>
      %dma_start3A_39 = arith.constant 0 : i32
      %dma_start3A_40 = tpu.memref_slice %arg10[%mul3A_32, %dma_start3A_39] : memref<10240x128xf32, #tpu.memory_space<vmem_shared>> -> memref<640x128xf32, #tpu.memory_space<vmem_shared>>
      tpu.enqueue_dma source(%dma_start3A_40 : memref<640x128xf32, #tpu.memory_space<vmem_shared>>) target(%dma_start3A_38 : memref<640x128xf32, #tpu.memory_space<hbm>>) target_semaphore(%run_scoped3A_35 : memref<!tpu.dma_semaphore, #tpu.memory_space<semaphore_mem>>)
      %dma_wait3A = arith.constant 0 : i32
      %dma_wait3A_41 = tpu.memref_slice %arg6[%arg0, %mul3A_34, %dma_wait3A] : memref<2x10240x128xf32, #tpu.memory_space<hbm>> -> memref<1x640x128xf32, #tpu.memory_space<hbm>>
      %dma_wait3A_42 = tpu.memref_squeeze %dma_wait3A_41 : memref<1x640x128xf32, #tpu.memory_space<hbm>> -> memref<640x128xf32, #tpu.memory_space<hbm>>
      %dma_wait3A_43 = arith.constant 0 : i32
      %dma_wait3A_44 = tpu.memref_slice %arg10[%mul3A_32, %dma_wait3A_43] : memref<10240x128xf32, #tpu.memory_space<vmem_shared>> -> memref<640x128xf32, #tpu.memory_space<vmem_shared>>
      tpu.wait_dma2 semaphore(%run_scoped3A_35 : memref<!tpu.dma_semaphore, #tpu.memory_space<semaphore_mem>>) src(%dma_wait3A_44 : memref<640x128xf32, #tpu.memory_space<vmem_shared>>) dst(%dma_wait3A_42 : memref<640x128xf32, #tpu.memory_space<hbm>>)
      tpu.yield
    }) : () -> ()
    return
  }
}

module attributes {stable_mosaic.version = 14 : i64} {
  func.func @_node1_body(%arg0: i32, %arg1: memref<2x10240x1xf32, #tpu.memory_space<vmem>>, %arg2: memref<10240x128xf32, #tpu.memory_space<vmem>>, %arg3: memref<128x128xf32, #tpu.memory_space<vmem>>, %arg4: memref<10240x1xf32, #tpu.memory_space<vmem>>, %arg5: memref<10240x128xf32, #tpu.memory_space<vmem>>) attributes {dimension_semantics = [#tpu.dimension_semantics<arbitrary>], iteration_bounds = array<i64: 1>, scalar_prefetch = 0 : i64, scratch_operands = 0 : i64, tpu.core_type = #tpu.core_type<tc>, window_params = [{pipeline_mode = #tpu.pipeline_mode<synchronous>, transform_indices = @transform_0, window_bounds = array<i64: 2, 10240, 1>}, {pipeline_mode = #tpu.pipeline_mode<synchronous>, transform_indices = @transform_1, window_bounds = array<i64: 10240, 128>}, {pipeline_mode = #tpu.pipeline_mode<synchronous>, transform_indices = @transform_2, window_bounds = array<i64: 128, 128>}, {pipeline_mode = #tpu.pipeline_mode<synchronous>, transform_indices = @transform_3, window_bounds = array<i64: 10240, 1>}, {pipeline_mode = #tpu.pipeline_mode<synchronous>, transform_indices = @transform_4, window_bounds = array<i64: 10240, 128>}]} {
    %get3A = arith.constant 0 : index
    %get3A_0 = arith.constant 0 : index
    %get3A_1 = arith.constant 0 : index
    %get3A_2 = vector.load %arg1[%get3A, %get3A_0, %get3A_1] : memref<2x10240x1xf32, #tpu.memory_space<vmem>>, vector<1x10240x1xf32>
    %get3A_3 = vector.shape_cast %get3A_2 : vector<1x10240x1xf32> to vector<10240x1xf32>
    %get3A_4 = arith.constant 1 : index
    %get3A_5 = arith.constant 0 : index
    %get3A_6 = arith.constant 0 : index
    %get3A_7 = vector.load %arg1[%get3A_4, %get3A_5, %get3A_6] : memref<2x10240x1xf32, #tpu.memory_space<vmem>>, vector<1x10240x1xf32>
    %get3A_8 = vector.shape_cast %get3A_7 : vector<1x10240x1xf32> to vector<10240x1xf32>
    %add3A = arith.addf %get3A_3, %get3A_8 : vector<10240x1xf32>
    %add3A_9 = arith.constant 1.000000e+00 : f32
    %add3A_10 = vector.broadcast %add3A_9 : f32 to vector<10240x1xf32>
    %add3A_11 = arith.addf %add3A, %add3A_10 : vector<10240x1xf32>
    %rsqrt3A = math.rsqrt %add3A_11 : vector<10240x1xf32>
    %swap3A = arith.constant 0 : index
    %swap3A_12 = arith.constant 0 : index
    %swap3A_13 = vector.load %arg4[%swap3A, %swap3A_12] : memref<10240x1xf32, #tpu.memory_space<vmem>>, vector<10240x1xf32>
    tpu.vector_store %arg4[%swap3A, %swap3A_12], %rsqrt3A {strides = array<i32>} : memref<10240x1xf32, #tpu.memory_space<vmem>>, vector<10240x1xf32>,
    %get3A_14 = arith.constant 0 : index
    %get3A_15 = arith.constant 0 : index
    %get3A_16 = vector.load %arg2[%get3A_14, %get3A_15] : memref<10240x128xf32, #tpu.memory_space<vmem>>, vector<10240x128xf32>
    %get3A_17 = arith.constant 0 : index
    %get3A_18 = arith.constant 0 : index
    %get3A_19 = vector.load %arg3[%get3A_17, %get3A_18] : memref<128x128xf32, #tpu.memory_space<vmem>>, vector<128x128xf32>
    %dot_general3A = arith.constant dense<0.000000e+00> : vector<10240x128xf32>
    %dot_general3A_20 = tpu.matmul %get3A_16, %get3A_19, %dot_general3A {dimension_numbers = #tpu.dot_dimension_numbers<[1], [0], [0], [1], [0, 0, 1, 1], [], []>, transpose_lhs_hint = false} : vector<10240x128xf32>, vector<128x128xf32>, vector<10240x128xf32> -> vector<10240x128xf32>
    %mul3A = vector.broadcast %rsqrt3A : vector<10240x1xf32> to vector<10240x128xf32>
    %mul3A_21 = arith.mulf %mul3A, %dot_general3A_20 : vector<10240x128xf32>
    %swap3A_22 = arith.constant 0 : index
    %swap3A_23 = arith.constant 0 : index
    %swap3A_24 = vector.load %arg5[%swap3A_22, %swap3A_23] : memref<10240x128xf32, #tpu.memory_space<vmem>>, vector<10240x128xf32>
    tpu.vector_store %arg5[%swap3A_22, %swap3A_23], %mul3A_21 {strides = array<i32>} : memref<10240x128xf32, #tpu.memory_space<vmem>>, vector<10240x128xf32>,
    return
  }
  func.func @transform_0(%arg0: i32) -> (i32, i32, i32) {
    %c0_i32 = arith.constant 0 : i32
    %c0_i32_0 = arith.constant 0 : i32
    %c0_i32_1 = arith.constant 0 : i32
    %c0_i32_2 = arith.constant 0 : i32
    return %c0_i32, %c0_i32_0, %c0_i32_1 : i32, i32, i32
  }
  func.func @transform_1(%arg0: i32) -> (i32, i32) {
    %c0_i32 = arith.constant 0 : i32
    %c0_i32_0 = arith.constant 0 : i32
    %c0_i32_1 = arith.constant 0 : i32
    return %c0_i32, %c0_i32_0 : i32, i32
  }
  func.func @transform_2(%arg0: i32) -> (i32, i32) {
    %c0_i32 = arith.constant 0 : i32
    %c0_i32_0 = arith.constant 0 : i32
    %c0_i32_1 = arith.constant 0 : i32
    return %c0_i32, %c0_i32_0 : i32, i32
  }
  func.func @transform_3(%arg0: i32) -> (i32, i32) {
    %c0_i32 = arith.constant 0 : i32
    %c0_i32_0 = arith.constant 0 : i32
    %c0_i32_1 = arith.constant 0 : i32
    return %c0_i32, %c0_i32_0 : i32, i32
  }
  func.func @transform_4(%arg0: i32) -> (i32, i32) {
    %c0_i32 = arith.constant 0 : i32
    %c0_i32_0 = arith.constant 0 : i32
    %c0_i32_1 = arith.constant 0 : i32
    return %c0_i32, %c0_i32_0 : i32, i32
  }
}

module attributes {stable_mosaic.version = 14 : i64} {
  func.func @_node2_body(%arg0: i32, %arg1: memref<2x10240x128xf32, #tpu.memory_space<vmem>>, %arg2: memref<10240x128xf32, #tpu.memory_space<vmem>>, %arg3: memref<10240x1xf32, #tpu.memory_space<vmem>>, %arg4: memref<1x128xf32, #tpu.memory_space<vmem>>, %arg5: memref<128x128xf32, #tpu.memory_space<vmem>>, %arg6: memref<10240x128xf32, #tpu.memory_space<vmem>>) attributes {dimension_semantics = [#tpu.dimension_semantics<arbitrary>], iteration_bounds = array<i64: 1>, scalar_prefetch = 0 : i64, scratch_operands = 0 : i64, tpu.core_type = #tpu.core_type<tc>, window_params = [{pipeline_mode = #tpu.pipeline_mode<synchronous>, transform_indices = @transform_0, window_bounds = array<i64: 2, 10240, 128>}, {pipeline_mode = #tpu.pipeline_mode<synchronous>, transform_indices = @transform_1, window_bounds = array<i64: 10240, 128>}, {pipeline_mode = #tpu.pipeline_mode<synchronous>, transform_indices = @transform_2, window_bounds = array<i64: 10240, 1>}, {pipeline_mode = #tpu.pipeline_mode<synchronous>, transform_indices = @transform_3, window_bounds = array<i64: 1, 128>}, {pipeline_mode = #tpu.pipeline_mode<synchronous>, transform_indices = @transform_4, window_bounds = array<i64: 128, 128>}, {pipeline_mode = #tpu.pipeline_mode<synchronous>, transform_indices = @transform_5, window_bounds = array<i64: 10240, 128>}]} {
    %get3A = arith.constant 0 : index
    %get3A_0 = arith.constant 0 : index
    %get3A_1 = arith.constant 0 : index
    %get3A_2 = vector.load %arg1[%get3A, %get3A_0, %get3A_1] : memref<2x10240x128xf32, #tpu.memory_space<vmem>>, vector<1x10240x128xf32>
    %get3A_3 = vector.shape_cast %get3A_2 : vector<1x10240x128xf32> to vector<10240x128xf32>
    %get3A_4 = arith.constant 1 : index
    %get3A_5 = arith.constant 0 : index
    %get3A_6 = arith.constant 0 : index
    %get3A_7 = vector.load %arg1[%get3A_4, %get3A_5, %get3A_6] : memref<2x10240x128xf32, #tpu.memory_space<vmem>>, vector<1x10240x128xf32>
    %get3A_8 = vector.shape_cast %get3A_7 : vector<1x10240x128xf32> to vector<10240x128xf32>
    %add3A = arith.addf %get3A_3, %get3A_8 : vector<10240x128xf32>
    %get3A_9 = arith.constant 0 : index
    %get3A_10 = arith.constant 0 : index
    %get3A_11 = vector.load %arg2[%get3A_9, %get3A_10] : memref<10240x128xf32, #tpu.memory_space<vmem>>, vector<10240x128xf32>
    %add3A_12 = arith.addf %add3A, %get3A_11 : vector<10240x128xf32>
    %get3A_13 = arith.constant 0 : index
    %get3A_14 = arith.constant 0 : index
    %get3A_15 = vector.load %arg3[%get3A_13, %get3A_14] : memref<10240x1xf32, #tpu.memory_space<vmem>>, vector<10240x1xf32>
    %mul3A = vector.broadcast %get3A_15 : vector<10240x1xf32> to vector<10240x128xf32>
    %mul3A_16 = arith.mulf %mul3A, %add3A_12 : vector<10240x128xf32>
    %get3A_17 = arith.constant 0 : index
    %get3A_18 = arith.constant 0 : index
    %get3A_19 = vector.load %arg4[%get3A_17, %get3A_18] : memref<1x128xf32, #tpu.memory_space<vmem>>, vector<1x128xf32>
    %add3A_20 = vector.broadcast %get3A_19 : vector<1x128xf32> to vector<10240x128xf32>
    %add3A_21 = arith.addf %mul3A_16, %add3A_20 : vector<10240x128xf32>
    %max3A = arith.constant 0.000000e+00 : f32
    %max3A_22 = vector.broadcast %max3A : f32 to vector<10240x128xf32>
    %max3A_23 = arith.maximumf %add3A_21, %max3A_22 : vector<10240x128xf32>
    %get3A_24 = arith.constant 0 : index
    %get3A_25 = arith.constant 0 : index
    %get3A_26 = vector.load %arg5[%get3A_24, %get3A_25] : memref<128x128xf32, #tpu.memory_space<vmem>>, vector<128x128xf32>
    %dot_general3A = arith.constant dense<0.000000e+00> : vector<10240x128xf32>
    %dot_general3A_27 = tpu.matmul %max3A_23, %get3A_26, %dot_general3A {dimension_numbers = #tpu.dot_dimension_numbers<[1], [0], [0], [1], [0, 0, 1, 1], [], []>, transpose_lhs_hint = false} : vector<10240x128xf32>, vector<128x128xf32>, vector<10240x128xf32> -> vector<10240x128xf32>
    %mul3A_28 = vector.broadcast %get3A_15 : vector<10240x1xf32> to vector<10240x128xf32>
    %mul3A_29 = arith.mulf %mul3A_28, %dot_general3A_27 : vector<10240x128xf32>
    %swap3A = arith.constant 0 : index
    %swap3A_30 = arith.constant 0 : index
    %swap3A_31 = vector.load %arg6[%swap3A, %swap3A_30] : memref<10240x128xf32, #tpu.memory_space<vmem>>, vector<10240x128xf32>
    tpu.vector_store %arg6[%swap3A, %swap3A_30], %mul3A_29 {strides = array<i32>} : memref<10240x128xf32, #tpu.memory_space<vmem>>, vector<10240x128xf32>,
    return
  }
  func.func @transform_0(%arg0: i32) -> (i32, i32, i32) {
    %c0_i32 = arith.constant 0 : i32
    %c0_i32_0 = arith.constant 0 : i32
    %c0_i32_1 = arith.constant 0 : i32
    %c0_i32_2 = arith.constant 0 : i32
    return %c0_i32, %c0_i32_0, %c0_i32_1 : i32, i32, i32
  }
  func.func @transform_1(%arg0: i32) -> (i32, i32) {
    %c0_i32 = arith.constant 0 : i32
    %c0_i32_0 = arith.constant 0 : i32
    %c0_i32_1 = arith.constant 0 : i32
    return %c0_i32, %c0_i32_0 : i32, i32
  }
  func.func @transform_2(%arg0: i32) -> (i32, i32) {
    %c0_i32 = arith.constant 0 : i32
    %c0_i32_0 = arith.constant 0 : i32
    %c0_i32_1 = arith.constant 0 : i32
    return %c0_i32, %c0_i32_0 : i32, i32
  }
  func.func @transform_3(%arg0: i32) -> (i32, i32) {
    %c0_i32 = arith.constant 0 : i32
    %c0_i32_0 = arith.constant 0 : i32
    %c0_i32_1 = arith.constant 0 : i32
    return %c0_i32, %c0_i32_0 : i32, i32
  }
  func.func @transform_4(%arg0: i32) -> (i32, i32) {
    %c0_i32 = arith.constant 0 : i32
    %c0_i32_0 = arith.constant 0 : i32
    %c0_i32_1 = arith.constant 0 : i32
    return %c0_i32, %c0_i32_0 : i32, i32
  }
  func.func @transform_5(%arg0: i32) -> (i32, i32) {
    %c0_i32 = arith.constant 0 : i32
    %c0_i32_0 = arith.constant 0 : i32
    %c0_i32_1 = arith.constant 0 : i32
    return %c0_i32, %c0_i32_0 : i32, i32
  }
}

module attributes {stable_mosaic.version = 14 : i64} {
  func.func @_node3_body(%arg0: i32, %arg1: memref<2x10240x128xf32, #tpu.memory_space<vmem>>, %arg2: memref<10240x128xf32, #tpu.memory_space<vmem>>, %arg3: memref<10240x1xf32, #tpu.memory_space<vmem>>, %arg4: memref<1x128xf32, #tpu.memory_space<vmem>>, %arg5: memref<128x128xf32, #tpu.memory_space<vmem>>, %arg6: memref<128x128xf32, #tpu.memory_space<vmem>>, %arg7: memref<10240x128xf32, #tpu.memory_space<vmem>>, %arg8: memref<10240x128xf32, #tpu.memory_space<vmem>>) attributes {dimension_semantics = [#tpu.dimension_semantics<arbitrary>], iteration_bounds = array<i64: 1>, scalar_prefetch = 0 : i64, scratch_operands = 0 : i64, tpu.core_type = #tpu.core_type<tc>, window_params = [{pipeline_mode = #tpu.pipeline_mode<synchronous>, transform_indices = @transform_0, window_bounds = array<i64: 2, 10240, 128>}, {pipeline_mode = #tpu.pipeline_mode<synchronous>, transform_indices = @transform_1, window_bounds = array<i64: 10240, 128>}, {pipeline_mode = #tpu.pipeline_mode<synchronous>, transform_indices = @transform_2, window_bounds = array<i64: 10240, 1>}, {pipeline_mode = #tpu.pipeline_mode<synchronous>, transform_indices = @transform_3, window_bounds = array<i64: 1, 128>}, {pipeline_mode = #tpu.pipeline_mode<synchronous>, transform_indices = @transform_4, window_bounds = array<i64: 128, 128>}, {pipeline_mode = #tpu.pipeline_mode<synchronous>, transform_indices = @transform_5, window_bounds = array<i64: 128, 128>}, {pipeline_mode = #tpu.pipeline_mode<synchronous>, transform_indices = @transform_6, window_bounds = array<i64: 10240, 128>}, {pipeline_mode = #tpu.pipeline_mode<synchronous>, transform_indices = @transform_7, window_bounds = array<i64: 10240, 128>}]} {
    %get3A = arith.constant 0 : index
    %get3A_0 = arith.constant 0 : index
    %get3A_1 = arith.constant 0 : index
    %get3A_2 = vector.load %arg1[%get3A, %get3A_0, %get3A_1] : memref<2x10240x128xf32, #tpu.memory_space<vmem>>, vector<1x10240x128xf32>
    %get3A_3 = vector.shape_cast %get3A_2 : vector<1x10240x128xf32> to vector<10240x128xf32>
    %get3A_4 = arith.constant 1 : index
    %get3A_5 = arith.constant 0 : index
    %get3A_6 = arith.constant 0 : index
    %get3A_7 = vector.load %arg1[%get3A_4, %get3A_5, %get3A_6] : memref<2x10240x128xf32, #tpu.memory_space<vmem>>, vector<1x10240x128xf32>
    %get3A_8 = vector.shape_cast %get3A_7 : vector<1x10240x128xf32> to vector<10240x128xf32>
    %add3A = arith.addf %get3A_3, %get3A_8 : vector<10240x128xf32>
    %get3A_9 = arith.constant 0 : index
    %get3A_10 = arith.constant 0 : index
    %get3A_11 = vector.load %arg2[%get3A_9, %get3A_10] : memref<10240x128xf32, #tpu.memory_space<vmem>>, vector<10240x128xf32>
    %add3A_12 = arith.addf %add3A, %get3A_11 : vector<10240x128xf32>
    %get3A_13 = arith.constant 0 : index
    %get3A_14 = arith.constant 0 : index
    %get3A_15 = vector.load %arg3[%get3A_13, %get3A_14] : memref<10240x1xf32, #tpu.memory_space<vmem>>, vector<10240x1xf32>
    %mul3A = vector.broadcast %get3A_15 : vector<10240x1xf32> to vector<10240x128xf32>
    %mul3A_16 = arith.mulf %mul3A, %add3A_12 : vector<10240x128xf32>
    %get3A_17 = arith.constant 0 : index
    %get3A_18 = arith.constant 0 : index
    %get3A_19 = vector.load %arg4[%get3A_17, %get3A_18] : memref<1x128xf32, #tpu.memory_space<vmem>>, vector<1x128xf32>
    %add3A_20 = vector.broadcast %get3A_19 : vector<1x128xf32> to vector<10240x128xf32>
    %add3A_21 = arith.addf %mul3A_16, %add3A_20 : vector<10240x128xf32>
    %max3A = arith.constant 0.000000e+00 : f32
    %max3A_22 = vector.broadcast %max3A : f32 to vector<10240x128xf32>
    %max3A_23 = arith.maximumf %add3A_21, %max3A_22 : vector<10240x128xf32>
    %get3A_24 = arith.constant 0 : index
    %get3A_25 = arith.constant 0 : index
    %get3A_26 = vector.load %arg5[%get3A_24, %get3A_25] : memref<128x128xf32, #tpu.memory_space<vmem>>, vector<128x128xf32>
    %dot_general3A = arith.constant dense<0.000000e+00> : vector<10240x128xf32>
    %dot_general3A_27 = tpu.matmul %max3A_23, %get3A_26, %dot_general3A {dimension_numbers = #tpu.dot_dimension_numbers<[1], [0], [0], [1], [0, 0, 1, 1], [], []>, transpose_lhs_hint = false} : vector<10240x128xf32>, vector<128x128xf32>, vector<10240x128xf32> -> vector<10240x128xf32>
    %swap3A = arith.constant 0 : index
    %swap3A_28 = arith.constant 0 : index
    %swap3A_29 = vector.load %arg7[%swap3A, %swap3A_28] : memref<10240x128xf32, #tpu.memory_space<vmem>>, vector<10240x128xf32>
    tpu.vector_store %arg7[%swap3A, %swap3A_28], %dot_general3A_27 {strides = array<i32>} : memref<10240x128xf32, #tpu.memory_space<vmem>>, vector<10240x128xf32>,
    %get3A_30 = arith.constant 0 : index
    %get3A_31 = arith.constant 0 : index
    %get3A_32 = vector.load %arg6[%get3A_30, %get3A_31] : memref<128x128xf32, #tpu.memory_space<vmem>>, vector<128x128xf32>
    %dot_general3A_33 = arith.constant dense<0.000000e+00> : vector<10240x128xf32>
    %dot_general3A_34 = tpu.matmul %max3A_23, %get3A_32, %dot_general3A_33 {dimension_numbers = #tpu.dot_dimension_numbers<[1], [0], [0], [1], [0, 0, 1, 1], [], []>, transpose_lhs_hint = false} : vector<10240x128xf32>, vector<128x128xf32>, vector<10240x128xf32> -> vector<10240x128xf32>
    %swap3A_35 = arith.constant 0 : index
    %swap3A_36 = arith.constant 0 : index
    %swap3A_37 = vector.load %arg8[%swap3A_35, %swap3A_36] : memref<10240x128xf32, #tpu.memory_space<vmem>>, vector<10240x128xf32>
    tpu.vector_store %arg8[%swap3A_35, %swap3A_36], %dot_general3A_34 {strides = array<i32>} : memref<10240x128xf32, #tpu.memory_space<vmem>>, vector<10240x128xf32>,
    return
  }
  func.func @transform_0(%arg0: i32) -> (i32, i32, i32) {
    %c0_i32 = arith.constant 0 : i32
    %c0_i32_0 = arith.constant 0 : i32
    %c0_i32_1 = arith.constant 0 : i32
    %c0_i32_2 = arith.constant 0 : i32
    return %c0_i32, %c0_i32_0, %c0_i32_1 : i32, i32, i32
  }
  func.func @transform_1(%arg0: i32) -> (i32, i32) {
    %c0_i32 = arith.constant 0 : i32
    %c0_i32_0 = arith.constant 0 : i32
    %c0_i32_1 = arith.constant 0 : i32
    return %c0_i32, %c0_i32_0 : i32, i32
  }
  func.func @transform_2(%arg0: i32) -> (i32, i32) {
    %c0_i32 = arith.constant 0 : i32
    %c0_i32_0 = arith.constant 0 : i32
    %c0_i32_1 = arith.constant 0 : i32
    return %c0_i32, %c0_i32_0 : i32, i32
  }
  func.func @transform_3(%arg0: i32) -> (i32, i32) {
    %c0_i32 = arith.constant 0 : i32
    %c0_i32_0 = arith.constant 0 : i32
    %c0_i32_1 = arith.constant 0 : i32
    return %c0_i32, %c0_i32_0 : i32, i32
  }
  func.func @transform_4(%arg0: i32) -> (i32, i32) {
    %c0_i32 = arith.constant 0 : i32
    %c0_i32_0 = arith.constant 0 : i32
    %c0_i32_1 = arith.constant 0 : i32
    return %c0_i32, %c0_i32_0 : i32, i32
  }
  func.func @transform_5(%arg0: i32) -> (i32, i32) {
    %c0_i32 = arith.constant 0 : i32
    %c0_i32_0 = arith.constant 0 : i32
    %c0_i32_1 = arith.constant 0 : i32
    return %c0_i32, %c0_i32_0 : i32, i32
  }
  func.func @transform_6(%arg0: i32) -> (i32, i32) {
    %c0_i32 = arith.constant 0 : i32
    %c0_i32_0 = arith.constant 0 : i32
    %c0_i32_1 = arith.constant 0 : i32
    return %c0_i32, %c0_i32_0 : i32, i32
  }
  func.func @transform_7(%arg0: i32) -> (i32, i32) {
    %c0_i32 = arith.constant 0 : i32
    %c0_i32_0 = arith.constant 0 : i32
    %c0_i32_1 = arith.constant 0 : i32
    return %c0_i32, %c0_i32_0 : i32, i32
  }
}

module attributes {stable_mosaic.version = 14 : i64} {
  func.func @_edge_body(%arg0: i32, %arg1: memref<4096x16xf32, #tpu.memory_space<vmem>>, %arg2: memref<4096x128xf32, #tpu.memory_space<vmem>>, %arg3: memref<4096x128xf32, #tpu.memory_space<vmem>>, %arg4: memref<16x128xbf16, #tpu.memory_space<vmem>>, %arg5: memref<1x128xf32, #tpu.memory_space<vmem>>, %arg6: memref<128x128xbf16, #tpu.memory_space<vmem>>, %arg7: memref<1x128xf32, #tpu.memory_space<vmem>>, %arg8: memref<128x128xbf16, #tpu.memory_space<vmem>>, %arg9: memref<1x128xf32, #tpu.memory_space<vmem>>, %arg10: memref<128x128xbf16, #tpu.memory_space<vmem>>, %arg11: memref<1x128xf32, #tpu.memory_space<vmem>>, %arg12: memref<128x128xbf16, #tpu.memory_space<vmem>>, %arg13: memref<1x128xf32, #tpu.memory_space<vmem>>, %arg14: memref<128x128xbf16, #tpu.memory_space<vmem>>, %arg15: memref<1x128xf32, #tpu.memory_space<vmem>>, %arg16: memref<1x128xf32, #tpu.memory_space<vmem>>, %arg17: memref<1x1xf32, #tpu.memory_space<vmem>>, %arg18: memref<4096x1xf32, #tpu.memory_space<vmem>>) attributes {dimension_semantics = [#tpu.dimension_semantics<arbitrary>], iteration_bounds = array<i64: 79>, scalar_prefetch = 0 : i64, scratch_operands = 0 : i64, tpu.core_type = #tpu.core_type<tc>, window_params = [{transform_indices = @transform_0, window_bounds = array<i64: 4096, 16>}, {transform_indices = @transform_1, window_bounds = array<i64: 4096, 128>}, {transform_indices = @transform_2, window_bounds = array<i64: 4096, 128>}, {pipeline_mode = #tpu.pipeline_mode<synchronous>, transform_indices = @transform_3, window_bounds = array<i64: 16, 128>}, {pipeline_mode = #tpu.pipeline_mode<synchronous>, transform_indices = @transform_4, window_bounds = array<i64: 1, 128>}, {pipeline_mode = #tpu.pipeline_mode<synchronous>, transform_indices = @transform_5, window_bounds = array<i64: 128, 128>}, {pipeline_mode = #tpu.pipeline_mode<synchronous>, transform_indices = @transform_6, window_bounds = array<i64: 1, 128>}, {pipeline_mode = #tpu.pipeline_mode<synchronous>, transform_indices = @transform_7, window_bounds = array<i64: 128, 128>}, {pipeline_mode = #tpu.pipeline_mode<synchronous>, transform_indices = @transform_8, window_bounds = array<i64: 1, 128>}, {pipeline_mode = #tpu.pipeline_mode<synchronous>, transform_indices = @transform_9, window_bounds = array<i64: 128, 128>}, {pipeline_mode = #tpu.pipeline_mode<synchronous>, transform_indices = @transform_10, window_bounds = array<i64: 1, 128>}, {pipeline_mode = #tpu.pipeline_mode<synchronous>, transform_indices = @transform_11, window_bounds = array<i64: 128, 128>}, {pipeline_mode = #tpu.pipeline_mode<synchronous>, transform_indices = @transform_12, window_bounds = array<i64: 1, 128>}, {pipeline_mode = #tpu.pipeline_mode<synchronous>, transform_indices = @transform_13, window_bounds = array<i64: 128, 128>}, {pipeline_mode = #tpu.pipeline_mode<synchronous>, transform_indices = @transform_14, window_bounds = array<i64: 1, 128>}, {pipeline_mode = #tpu.pipeline_mode<synchronous>, transform_indices = @transform_15, window_bounds = array<i64: 1, 128>}, {pipeline_mode = #tpu.pipeline_mode<synchronous>, transform_indices = @transform_16, window_bounds = array<i64: 1, 1>}, {transform_indices = @transform_17, window_bounds = array<i64: 4096, 1>}]} {
    %get3A = arith.constant 0 : index
    %get3A_0 = arith.constant 0 : index
    %get3A_1 = vector.load %arg1[%get3A, %get3A_0] : memref<4096x16xf32, #tpu.memory_space<vmem>>, vector<4096x16xf32>
    %convert_element_type3A = arith.truncf %get3A_1 : vector<4096x16xf32> to vector<4096x16xbf16>
    %get3A_2 = arith.constant 0 : index
    %get3A_3 = arith.constant 0 : index
    %get3A_4 = vector.load %arg4[%get3A_2, %get3A_3] : memref<16x128xbf16, #tpu.memory_space<vmem>>, vector<16x128xbf16>
    %dot_general3A = arith.constant dense<0.000000e+00> : vector<4096x128xf32>
    %dot_general3A_5 = tpu.matmul %convert_element_type3A, %get3A_4, %dot_general3A {dimension_numbers = #tpu.dot_dimension_numbers<[1], [0], [0], [1], [0, 0, 1, 1], [], []>, transpose_lhs_hint = false} : vector<4096x16xbf16>, vector<16x128xbf16>, vector<4096x128xf32> -> vector<4096x128xf32>
    %get3A_6 = arith.constant 0 : index
    %get3A_7 = arith.constant 0 : index
    %get3A_8 = vector.load %arg5[%get3A_6, %get3A_7] : memref<1x128xf32, #tpu.memory_space<vmem>>, vector<1x128xf32>
    %add3A = vector.broadcast %get3A_8 : vector<1x128xf32> to vector<4096x128xf32>
    %add3A_9 = arith.addf %dot_general3A_5, %add3A : vector<4096x128xf32>
    %max3A = arith.constant 0.000000e+00 : f32
    %max3A_10 = vector.broadcast %max3A : f32 to vector<4096x128xf32>
    %max3A_11 = arith.maximumf %add3A_9, %max3A_10 : vector<4096x128xf32>
    %convert_element_type3A_12 = arith.truncf %max3A_11 : vector<4096x128xf32> to vector<4096x128xbf16>
    %get3A_13 = arith.constant 0 : index
    %get3A_14 = arith.constant 0 : index
    %get3A_15 = vector.load %arg6[%get3A_13, %get3A_14] : memref<128x128xbf16, #tpu.memory_space<vmem>>, vector<128x128xbf16>
    %dot_general3A_16 = arith.constant dense<0.000000e+00> : vector<4096x128xf32>
    %dot_general3A_17 = tpu.matmul %convert_element_type3A_12, %get3A_15, %dot_general3A_16 {dimension_numbers = #tpu.dot_dimension_numbers<[1], [0], [0], [1], [0, 0, 1, 1], [], []>, transpose_lhs_hint = false} : vector<4096x128xbf16>, vector<128x128xbf16>, vector<4096x128xf32> -> vector<4096x128xf32>
    %get3A_18 = arith.constant 0 : index
    %get3A_19 = arith.constant 0 : index
    %get3A_20 = vector.load %arg7[%get3A_18, %get3A_19] : memref<1x128xf32, #tpu.memory_space<vmem>>, vector<1x128xf32>
    %add3A_21 = vector.broadcast %get3A_20 : vector<1x128xf32> to vector<4096x128xf32>
    %add3A_22 = arith.addf %dot_general3A_17, %add3A_21 : vector<4096x128xf32>
    %max3A_23 = arith.constant 0.000000e+00 : f32
    %max3A_24 = vector.broadcast %max3A_23 : f32 to vector<4096x128xf32>
    %max3A_25 = arith.maximumf %add3A_22, %max3A_24 : vector<4096x128xf32>
    %convert_element_type3A_26 = arith.truncf %max3A_25 : vector<4096x128xf32> to vector<4096x128xbf16>
    %get3A_27 = arith.constant 0 : index
    %get3A_28 = arith.constant 0 : index
    %get3A_29 = vector.load %arg8[%get3A_27, %get3A_28] : memref<128x128xbf16, #tpu.memory_space<vmem>>, vector<128x128xbf16>
    %dot_general3A_30 = arith.constant dense<0.000000e+00> : vector<4096x128xf32>
    %dot_general3A_31 = tpu.matmul %convert_element_type3A_26, %get3A_29, %dot_general3A_30 {dimension_numbers = #tpu.dot_dimension_numbers<[1], [0], [0], [1], [0, 0, 1, 1], [], []>, transpose_lhs_hint = false} : vector<4096x128xbf16>, vector<128x128xbf16>, vector<4096x128xf32> -> vector<4096x128xf32>
    %get3A_32 = arith.constant 0 : index
    %get3A_33 = arith.constant 0 : index
    %get3A_34 = vector.load %arg9[%get3A_32, %get3A_33] : memref<1x128xf32, #tpu.memory_space<vmem>>, vector<1x128xf32>
    %add3A_35 = vector.broadcast %get3A_34 : vector<1x128xf32> to vector<4096x128xf32>
    %add3A_36 = arith.addf %dot_general3A_31, %add3A_35 : vector<4096x128xf32>
    %max3A_37 = arith.constant 0.000000e+00 : f32
    %max3A_38 = vector.broadcast %max3A_37 : f32 to vector<4096x128xf32>
    %max3A_39 = arith.maximumf %add3A_36, %max3A_38 : vector<4096x128xf32>
    %convert_element_type3A_40 = arith.truncf %max3A_39 : vector<4096x128xf32> to vector<4096x128xbf16>
    %get3A_41 = arith.constant 0 : index
    %get3A_42 = arith.constant 0 : index
    %get3A_43 = vector.load %arg10[%get3A_41, %get3A_42] : memref<128x128xbf16, #tpu.memory_space<vmem>>, vector<128x128xbf16>
    %dot_general3A_44 = arith.constant dense<0.000000e+00> : vector<4096x128xf32>
    %dot_general3A_45 = tpu.matmul %convert_element_type3A_40, %get3A_43, %dot_general3A_44 {dimension_numbers = #tpu.dot_dimension_numbers<[1], [0], [0], [1], [0, 0, 1, 1], [], []>, transpose_lhs_hint = false} : vector<4096x128xbf16>, vector<128x128xbf16>, vector<4096x128xf32> -> vector<4096x128xf32>
    %get3A_46 = arith.constant 0 : index
    %get3A_47 = arith.constant 0 : index
    %get3A_48 = vector.load %arg11[%get3A_46, %get3A_47] : memref<1x128xf32, #tpu.memory_space<vmem>>, vector<1x128xf32>
    %add3A_49 = vector.broadcast %get3A_48 : vector<1x128xf32> to vector<4096x128xf32>
    %add3A_50 = arith.addf %dot_general3A_45, %add3A_49 : vector<4096x128xf32>
    %max3A_51 = arith.constant 0.000000e+00 : f32
    %max3A_52 = vector.broadcast %max3A_51 : f32 to vector<4096x128xf32>
    %max3A_53 = arith.maximumf %add3A_50, %max3A_52 : vector<4096x128xf32>
    %get3A_54 = arith.constant 0 : index
    %get3A_55 = arith.constant 0 : index
    %get3A_56 = vector.load %arg2[%get3A_54, %get3A_55] : memref<4096x128xf32, #tpu.memory_space<vmem>>, vector<4096x128xf32>
    %get3A_57 = arith.constant 0 : index
    %get3A_58 = arith.constant 0 : index
    %get3A_59 = vector.load %arg3[%get3A_57, %get3A_58] : memref<4096x128xf32, #tpu.memory_space<vmem>>, vector<4096x128xf32>
    %add3A_60 = arith.addf %get3A_56, %get3A_59 : vector<4096x128xf32>
    %convert_element_type3A_61 = arith.truncf %max3A_53 : vector<4096x128xf32> to vector<4096x128xbf16>
    %get3A_62 = arith.constant 0 : index
    %get3A_63 = arith.constant 0 : index
    %get3A_64 = vector.load %arg12[%get3A_62, %get3A_63] : memref<128x128xbf16, #tpu.memory_space<vmem>>, vector<128x128xbf16>
    %dot_general3A_65 = arith.constant dense<0.000000e+00> : vector<4096x128xf32>
    %dot_general3A_66 = tpu.matmul %convert_element_type3A_61, %get3A_64, %dot_general3A_65 {dimension_numbers = #tpu.dot_dimension_numbers<[1], [0], [0], [1], [0, 0, 1, 1], [], []>, transpose_lhs_hint = false} : vector<4096x128xbf16>, vector<128x128xbf16>, vector<4096x128xf32> -> vector<4096x128xf32>
    %add3A_67 = arith.addf %add3A_60, %dot_general3A_66 : vector<4096x128xf32>
    %get3A_68 = arith.constant 0 : index
    %get3A_69 = arith.constant 0 : index
    %get3A_70 = vector.load %arg13[%get3A_68, %get3A_69] : memref<1x128xf32, #tpu.memory_space<vmem>>, vector<1x128xf32>
    %add3A_71 = vector.broadcast %get3A_70 : vector<1x128xf32> to vector<4096x128xf32>
    %add3A_72 = arith.addf %add3A_67, %add3A_71 : vector<4096x128xf32>
    %max3A_73 = arith.constant 0.000000e+00 : f32
    %max3A_74 = vector.broadcast %max3A_73 : f32 to vector<4096x128xf32>
    %max3A_75 = arith.maximumf %add3A_72, %max3A_74 : vector<4096x128xf32>
    %convert_element_type3A_76 = arith.truncf %max3A_75 : vector<4096x128xf32> to vector<4096x128xbf16>
    %get3A_77 = arith.constant 0 : index
    %get3A_78 = arith.constant 0 : index
    %get3A_79 = vector.load %arg14[%get3A_77, %get3A_78] : memref<128x128xbf16, #tpu.memory_space<vmem>>, vector<128x128xbf16>
    %dot_general3A_80 = arith.constant dense<0.000000e+00> : vector<4096x128xf32>
    %dot_general3A_81 = tpu.matmul %convert_element_type3A_76, %get3A_79, %dot_general3A_80 {dimension_numbers = #tpu.dot_dimension_numbers<[1], [0], [0], [1], [0, 0, 1, 1], [], []>, transpose_lhs_hint = false} : vector<4096x128xbf16>, vector<128x128xbf16>, vector<4096x128xf32> -> vector<4096x128xf32>
    %get3A_82 = arith.constant 0 : index
    %get3A_83 = arith.constant 0 : index
    %get3A_84 = vector.load %arg15[%get3A_82, %get3A_83] : memref<1x128xf32, #tpu.memory_space<vmem>>, vector<1x128xf32>
    %add3A_85 = vector.broadcast %get3A_84 : vector<1x128xf32> to vector<4096x128xf32>
    %add3A_86 = arith.addf %dot_general3A_81, %add3A_85 : vector<4096x128xf32>
    %max3A_87 = arith.constant 0.000000e+00 : f32
    %max3A_88 = vector.broadcast %max3A_87 : f32 to vector<4096x128xf32>
    %max3A_89 = arith.maximumf %add3A_86, %max3A_88 : vector<4096x128xf32>
    %get3A_90 = arith.constant 0 : index
    %get3A_91 = arith.constant 0 : index
    %get3A_92 = vector.load %arg16[%get3A_90, %get3A_91] : memref<1x128xf32, #tpu.memory_space<vmem>>, vector<1x128xf32>
    %mul3A = vector.broadcast %get3A_92 : vector<1x128xf32> to vector<4096x128xf32>
    %mul3A_93 = arith.mulf %max3A_89, %mul3A : vector<4096x128xf32>
    %reduce_sum3A = arith.constant dense<0.000000e+00> : vector<4096xf32>
    %reduce_sum3A_94 = vector.multi_reduction <add>, %mul3A_93, %reduce_sum3A [1] : vector<4096x128xf32> to vector<4096xf32>
    %broadcast_in_dim3A = vector.shape_cast %reduce_sum3A_94 : vector<4096xf32> to vector<4096x1xf32>
    %get3A_95 = arith.constant 0 : index
    %get3A_96 = arith.constant 0 : index
    %get3A_97 = vector.load %arg17[%get3A_95, %get3A_96] : memref<1x1xf32, #tpu.memory_space<vmem>>, vector<1x1xf32>
    %add3A_98 = vector.broadcast %get3A_97 : vector<1x1xf32> to vector<4096x1xf32>
    %add3A_99 = arith.addf %broadcast_in_dim3A, %add3A_98 : vector<4096x1xf32>
    %swap3A = arith.constant 0 : index
    %swap3A_100 = arith.constant 0 : index
    %swap3A_101 = vector.load %arg18[%swap3A, %swap3A_100] : memref<4096x1xf32, #tpu.memory_space<vmem>>, vector<4096x1xf32>
    tpu.vector_store %arg18[%swap3A, %swap3A_100], %add3A_99 {strides = array<i32>} : memref<4096x1xf32, #tpu.memory_space<vmem>>, vector<4096x1xf32>,
    return
  }
  func.func @transform_0(%arg0: i32) -> (i32, i32) {
    %c0_i32 = arith.constant 0 : i32
    %c0_i32_0 = arith.constant 0 : i32
    return %arg0, %c0_i32 : i32, i32
  }
  func.func @transform_1(%arg0: i32) -> (i32, i32) {
    %c0_i32 = arith.constant 0 : i32
    %c0_i32_0 = arith.constant 0 : i32
    return %arg0, %c0_i32 : i32, i32
  }
  func.func @transform_2(%arg0: i32) -> (i32, i32) {
    %c0_i32 = arith.constant 0 : i32
    %c0_i32_0 = arith.constant 0 : i32
    return %arg0, %c0_i32 : i32, i32
  }
  func.func @transform_3(%arg0: i32) -> (i32, i32) {
    %c0_i32 = arith.constant 0 : i32
    %c0_i32_0 = arith.constant 0 : i32
    %c0_i32_1 = arith.constant 0 : i32
    return %c0_i32, %c0_i32_0 : i32, i32
  }
  func.func @transform_4(%arg0: i32) -> (i32, i32) {
    %c0_i32 = arith.constant 0 : i32
    %c0_i32_0 = arith.constant 0 : i32
    %c0_i32_1 = arith.constant 0 : i32
    return %c0_i32, %c0_i32_0 : i32, i32
  }
  func.func @transform_5(%arg0: i32) -> (i32, i32) {
    %c0_i32 = arith.constant 0 : i32
    %c0_i32_0 = arith.constant 0 : i32
    %c0_i32_1 = arith.constant 0 : i32
    return %c0_i32, %c0_i32_0 : i32, i32
  }
  func.func @transform_6(%arg0: i32) -> (i32, i32) {
    %c0_i32 = arith.constant 0 : i32
    %c0_i32_0 = arith.constant 0 : i32
    %c0_i32_1 = arith.constant 0 : i32
    return %c0_i32, %c0_i32_0 : i32, i32
  }
  func.func @transform_7(%arg0: i32) -> (i32, i32) {
    %c0_i32 = arith.constant 0 : i32
    %c0_i32_0 = arith.constant 0 : i32
    %c0_i32_1 = arith.constant 0 : i32
    return %c0_i32, %c0_i32_0 : i32, i32
  }
  func.func @transform_8(%arg0: i32) -> (i32, i32) {
    %c0_i32 = arith.constant 0 : i32
    %c0_i32_0 = arith.constant 0 : i32
    %c0_i32_1 = arith.constant 0 : i32
    return %c0_i32, %c0_i32_0 : i32, i32
  }
  func.func @transform_9(%arg0: i32) -> (i32, i32) {
    %c0_i32 = arith.constant 0 : i32
    %c0_i32_0 = arith.constant 0 : i32
    %c0_i32_1 = arith.constant 0 : i32
    return %c0_i32, %c0_i32_0 : i32, i32
  }
  func.func @transform_10(%arg0: i32) -> (i32, i32) {
    %c0_i32 = arith.constant 0 : i32
    %c0_i32_0 = arith.constant 0 : i32
    %c0_i32_1 = arith.constant 0 : i32
    return %c0_i32, %c0_i32_0 : i32, i32
  }
  func.func @transform_11(%arg0: i32) -> (i32, i32) {
    %c0_i32 = arith.constant 0 : i32
    %c0_i32_0 = arith.constant 0 : i32
    %c0_i32_1 = arith.constant 0 : i32
    return %c0_i32, %c0_i32_0 : i32, i32
  }
  func.func @transform_12(%arg0: i32) -> (i32, i32) {
    %c0_i32 = arith.constant 0 : i32
    %c0_i32_0 = arith.constant 0 : i32
    %c0_i32_1 = arith.constant 0 : i32
    return %c0_i32, %c0_i32_0 : i32, i32
  }
  func.func @transform_13(%arg0: i32) -> (i32, i32) {
    %c0_i32 = arith.constant 0 : i32
    %c0_i32_0 = arith.constant 0 : i32
    %c0_i32_1 = arith.constant 0 : i32
    return %c0_i32, %c0_i32_0 : i32, i32
  }
  func.func @transform_14(%arg0: i32) -> (i32, i32) {
    %c0_i32 = arith.constant 0 : i32
    %c0_i32_0 = arith.constant 0 : i32
    %c0_i32_1 = arith.constant 0 : i32
    return %c0_i32, %c0_i32_0 : i32, i32
  }
  func.func @transform_15(%arg0: i32) -> (i32, i32) {
    %c0_i32 = arith.constant 0 : i32
    %c0_i32_0 = arith.constant 0 : i32
    %c0_i32_1 = arith.constant 0 : i32
    return %c0_i32, %c0_i32_0 : i32, i32
  }
  func.func @transform_16(%arg0: i32) -> (i32, i32) {
    %c0_i32 = arith.constant 0 : i32
    %c0_i32_0 = arith.constant 0 : i32
    %c0_i32_1 = arith.constant 0 : i32
    return %c0_i32, %c0_i32_0 : i32, i32
  }
  func.func @transform_17(%arg0: i32) -> (i32, i32) {
    %c0_i32 = arith.constant 0 : i32
    %c0_i32_0 = arith.constant 0 : i32
    return %arg0, %c0_i32 : i32, i32
  }
}

</mosaic_0001>

<sc_bundles>
// kernel: kernel.10.cloned.1.call-start
scs
__scs_entry_jumppad:
0x0: {  	(pc) =	sbr.rel $0x88, $3  }
0x1: {  	(tag) =	ssettag $0x0;
	lr =	simm.s32 $0x1  }
0x2: {  	[smem:$0x3F8C] =	sst lr;
	_ =	strace $0xD0000000  }
0x3: {  	_ = 	snop  }
0x4: {  	_ = 	snop  }
0x5: {  	_ = 	snop  }
0x6: {  	_ = 	snop  }
0x7: {  	_ = 	snop  }
__scs_overlays_trampoline_lowered:
0x8: {  	[smem:$0x3F9B] =	sst s0  }
0x9: {  	[smem:$0x3F9C] =	sst s1  }
0xa: {  	[smem:$0x3F9D] =	sst s2  }
0xb: {  	[smem:$0x3F9E] =	sst s3  }
0xc: {  	[smem:$0x3F9F] =	sst s4  }
0xd: {  	[smem:$0x3FA0] =	sst s5  }
0xe: {  	[smem:$0x3FA1] =	sst s6  }
0xf: {  	[smem:$0x3FA2] =	sst s7  }
0x10: {  	[smem:$0x3FA3] =	sst s8  }
0x11: {  	[smem:$0x3FA4] =	sst s9;
	s0 =	simm.s32 @!p0 $0x0  }
0x12: {  	s1 =	sld [smem:$0x3F8A];
	s0 =	simm.s32 @p0 $0x1  }
0x13: {  	[smem:$0x3FA5] =	sst s0;
	s0 =	simm.s32 @!p1 $0x0  }
0x14: {  	s2 =	sld [smem:$0x3F89];
	s0 =	simm.s32 @p1 $0x1  }
0x15: {  	[smem:$0x3FA6] =	sst s0;
	s0 =	simm.s32 @!p2 $0x0  }
0x16: {  	s3 =	sld [smem:$0x3FDB];
	s0 =	simm.s32 @p2 $0x1  }
0x17: {  	s4 =	simm.s32 $0x1BF5;
	[smem:$0x3FA8] =	sst s0  }
0x18: {  	s0 =	sld [smem:$0x3F8B];
	_ =	swait.ge [sflag:s4], $0x0  }
0x19: {  	s7 =	sld [smem:$0x3F8C]  }
0x1a: {  	s8 =	sadd.s32 $0xFFFFE003, lr  }
0x1b: {  	s9 =	sadd.s32 $0xFFFFFEF7, lr;
	s5 =	simm.s32 $0xFFFFFFFF;
	p2 =	slt.u32 s8, $0xFFFFF086  }
0x1c: {  	p1 =	slt.u32 s9, $0xF7A;
	s5 =	simm.s32 @!p2 $0x0  }
0x1d: {  	s5 =	simm.s32 @p1 $0x1;
	p0 =	seq.s32 s7, s2  }
0x1e: {  	s7 =	smul.u32 @!p0 $0xF7A, s2;
	p2 =	seq.s32 @!p0 s5, $0x0  }
0x1f: {  	s9 =	smul.u32 $0xF7A, s1;
	s8 =	simm.s32 @!p0 $0x1BF5;
	p2 =	por !p2, p0  }
0x20: {  	[sflag:s8] =	ssyncset.s32 @!p0 $0xFFFFF086;
	s6 =	sadd.s32 @!p0 s3, s7;
	s7 =	simm.s32 @!p0 $0x108  }
0x21: {  	s3 =	sadd.s32 s3, s9;
	s6 =	sadd.s32 @!p0 $0x88, s6;
	s7 =	simm.s32 @p2 $0x1082  }
0x22: {  	[simem:s7], [sflag:s8] =	dma.local @!p0 [hbm:s6], $0xF7A  }
0x23: {  	s9 =	sor.u32 $0xD0000000, s2;
	s6 =	simm.s32 $0x108;
	_ =	swait.ge @!p0 [sflag:s8], $0x0  }
0x24: {  	s3 =	sadd.s32 $0x88, s3;
	s6 =	simm.s32 @!p1 $0x1082;
	[sflag:s4] =	ssyncset.s32 $0xFFFFF086  }
0x25: {  	[simem:s6], [sflag:s4] =	dma.local [hbm:s3], $0xF7A  }
0x26: {  	[smem:$0x3F8C] =	sst s1;
	(tag) =	ssettag s2;
	_ =	strace s9  }
0x27: {  	s1 =	sld [smem:$0x3F9C]  }
0x28: {  	s2 =	sld [smem:$0x3F9D]  }
0x29: {  	s4 =	sld [smem:$0x3F9F]  }
0x2a: {  	p0 =	seq.s32 s5, $0x0;
	s5 =	sld [smem:$0x3FA0]  }
0x2b: {  	s6 =	sld [smem:$0x3FA1]  }
0x2c: {  	s7 =	sld [smem:$0x3FA2]  }
0x2d: {  	s3 =	simm.s32 $0x108;
	s8 =	sld [smem:$0x3FA3]  }
0x2e: {  	s3 =	simm.s32 @!p0 $0x1082;
	s9 =	sld [smem:$0x3FA4]  }
0x2f: {  	lr =	sadd.s32 s0, s3;
	s0 =	sld [smem:$0x3F9B]  }
0x30: {  	s3 =	sld [smem:$0x3F9E]  }
0x31: {  	[smem:$0x3FA7] =	sst s10  }
0x32: {  	s10 =	sld [smem:$0x3FA5];
	_ =	sdelay $0x3  }
0x33: {  	p0 =	seq.s32 s10, $0x1;
	s10 =	sld [smem:$0x3FA7];
	_ =	sdelay $0x3  }
0x34: {  	[smem:$0x3FA7] =	sst s10  }
0x35: {  	s10 =	sld [smem:$0x3FA6];
	_ =	sdelay $0x3  }
0x36: {  	p1 =	seq.s32 s10, $0x1;
	s10 =	sld [smem:$0x3FA7];
	_ =	sdelay $0x3  }
0x37: {  	[smem:$0x3FA7] =	sst s10  }
0x38: {  	s10 =	sld [smem:$0x3FA8]  }
0x39: {  	_ = 	snop;
	(pc) =	sbr.ind lr, $3  }
0x3a: {  	_ = 	snop  }
0x3b: {  	_ = 	snop  }
0x3c: {  	p2 =	seq.s32 s10, $0x1;
	s10 =	sld [smem:$0x3FA7]  }
0x3d: {  	_ =	shalt  }
0x3e: {  	_ =	shalt  }
0x3f: {  	_ =	shalt  }
0x40: {  	_ =	shalt  }
0x41: {  	_ =	shalt  }
0x42: {  	_ =	shalt  }
0x43: {  	_ =	shalt  }
0x44: {  	_ =	shalt  }
0x45: {  	_ =	shalt  }
0x46: {  	_ =	shalt  }
0x47: {  	_ =	shalt  }
0x48: {  	_ =	shalt  }
0x49: {  	_ =	shalt  }
0x4a: {  	_ =	shalt  }
0x4b: {  	_ =	shalt  }
0x4c: {  	_ =	shalt  }
0x4d: {  	_ =	shalt  }
0x4e: {  	_ =	shalt  }
0x4f: {  	_ =	shalt  }
0x50: {  	_ =	shalt  }
0x51: {  	_ =	shalt  }
0x52: {  	_ =	shalt  }
0x53: {  	_ =	shalt  }
0x54: {  	_ =	shalt  }
0x55: {  	_ =	shalt  }
0x56: {  	_ =	shalt  }
0x57: {  	_ =	shalt  }
0x58: {  	_ =	shalt  }
0x59: {  	_ =	shalt  }
0x5a: {  	_ =	shalt  }
0x5b: {  	_ =	shalt  }
0x5c: {  	_ =	shalt  }
0x5d: {  	_ =	shalt  }
0x5e: {  	_ =	shalt  }
0x5f: {  	_ =	shalt  }
0x60: {  	_ =	shalt  }
0x61: {  	_ =	shalt  }
0x62: {  	_ =	shalt  }
0x63: {  	_ =	shalt  }
0x64: {  	_ =	shalt  }
0x65: {  	_ =	shalt  }
0x66: {  	_ =	shalt  }
0x67: {  	_ =	shalt  }
0x68: {  	_ =	shalt  }
0x69: {  	_ =	shalt  }
0x6a: {  	_ =	shalt  }
0x6b: {  	_ =	shalt  }
0x6c: {  	_ =	shalt  }
0x6d: {  	_ =	shalt  }
0x6e: {  	_ =	shalt  }
0x6f: {  	_ =	shalt  }
0x70: {  	_ =	shalt  }
0x71: {  	_ =	shalt  }
0x72: {  	_ =	shalt  }
0x73: {  	_ =	shalt  }
0x74: {  	_ =	shalt  }
0x75: {  	_ =	shalt  }
0x76: {  	_ =	shalt  }
0x77: {  	_ =	shalt  }
0x78: {  	_ =	shalt  }
0x79: {  	_ =	shalt  }
0x7a: {  	_ =	shalt  }
0x7b: {  	_ =	shalt  }
0x7c: {  	_ =	shalt  }
0x7d: {  	_ =	shalt  }
0x7e: {  	_ =	shalt  }
0x7f: {  	_ =	shalt  }
0x80: {  	_ =	shalt  }
0x81: {  	_ =	shalt  }
0x82: {  	_ =	shalt  }
0x83: {  	_ =	shalt  }
0x84: {  	_ =	shalt  }
0x85: {  	_ =	shalt  }
0x86: {  	_ =	shalt  }
0x87: {  	_ =	shalt  }
.Lfunc_end0:
.L_simem_size_0:
called_computation_lowered:
.L_overlay_start_0:
0x88: {  	s2 =	sld [smem:$0x3FD9]  }
0x89: {  	s3 =	sld [smem:$0x3FFE];
	_ =	sdelay $0x1  }
0x8a: {  	s1 =	srdreg.scid  }
0x8b: {  	s0 =	sand.u32 $0x1, s1  }
0x8c: {  	s17 =	sshll.u32 s0, $0xA;
	s2 =	sadd.s32 s3, s2  }
0x8d: {  	s2 =	sadd.s32 s2, s17  }
0x8e: {  	[smem:$0x3FB3] =	sst s2  }
0x8f: {  	_ = 	snop  }
0x90: {  	s2 =	sld [smem:$0x3FD0];
	(tm) =	ssettm $0x1  }
0x91: {  	s18 =	sld [smem:$0x3FFB];
	_ =	sdelay $0x3  }
0x92: {  	_ =	strace s18  }
0x93: {  	s3 =	sld [smem:$0x3FFC];
	_ =	sdelay $0x3  }
0x94: {  	_ =	strace s3  }
0x95: {  	s3 =	sld [smem:$0x3FFD];
	_ =	sdelay $0x3  }
0x96: {  	_ =	strace s3  }
0x97: {  	_ =	strace $0x8FFFFFFF  }
0x98: {  	s19 =	sld [smem:$0x3FDB];
	_ =	sdelay $0x1  }
0x99: {  	s4 =	simm.s32 $_scs_section_size  }
0x9a: {  	s5 =	simm.s32 $_size__tile_overlayer_lowered;
	s6 =	simm.s32 $_tile_overlayer_lowered  }
0x9b: {  	s22 =	simm.s32 $0x1BFF;
	s21 =	sshll.u32 s6, $0x1;
	s3 =	sadd.s32 s4, s19  }
0x9c: {  	s7 =	simm.s32 $0x0;
	s20 =	sshll.u32 s5, $0x1;
	s5 =	sadd.s32 s21, s3  }
0x9d: {  	[timem:s7], [sflag:s22] =	dma.local [hbm:s5], s20  }
0x9e: {  	_ =	swait.ge [sflag:s22], s20  }
0x9f: {  	s4 =	ssub.s32 $0x0, s20;
	[sflag:s22] =	ssyncset.done $0x0  }
0xa0: {  	[sflag:s22] =	ssyncadd.s32 s4;
	_ =	sdelay $0x1  }
0xa1: {  	s23 =	simm.s32 $0x1B8B  }
0xa2: {  	_ =	swait.ge [sflag:s23], $0x1  }
0xa3: {  	[sflag:s23] =	ssyncset.done $0x0  }
0xa4: {  	s25 =	simm.s32 $0x1B8E;
	s24 =	sld [smem:$0x3FFE];
	[sflag:s23] =	ssyncadd.s32 $0xFFFFFFFF  }
0xa5: {  	s26 =	simm.s32 $execute0_lowered;
	[smem:$0x3FD2] =	sst s25  }
0xa6: {  	s5 =	sshll.u32 s26, $0x1;
	_ =	strace $0x80000046;
	[dreg:$0x1] =	wrdreg $0xFFFFFFFF  }
0xa7: {  	s28 =	simm.s32 $_size_execute0_lowered;
	s3 =	sadd.s32 s3, s5;
	[dreg:$0x0] =	wrdreg $0x0  }
0xa8: {  	s5 =	sshll.u32 s28, $0x1;
	[dreg:$0x2] =	wrdreg s3  }
0xa9: {  	[dreg:$0x3] =	wrdreg s5  }
0xaa: {  	[dreg:$0x4] =	wrdreg $0xC0  }
0xab: {  	_ =	task [dreg:s7], $0x5FFFF  }
0xac: {  	[dreg:$0x1] =	wrdreg $0xFFFFFFFF  }
0xad: {  	[dreg:$0x0] =	wrdreg $0x60  }
0xae: {  	[dreg:$0x2] =	wrdreg s24  }
0xaf: {  	[dreg:$0x3] =	wrdreg s2  }
0xb0: {  	[dreg:$0x4] =	wrdreg $0x1000  }
0xb1: {  	[dreg:$0x5] =	wrdreg $0x9  }
0xb2: {  	_ =	task.clear_ibuf [dreg:s7], $0x6FFFF;
	_ =	strace $0x90000046  }
0xb3: {  	s29 =	simm.s32 $0x9;
	_ =	strace $0x80000048  }
0xb4: {  	_ =	swait.ge [sflag:s29], $0x1  }
0xb5: {  	[sflag:s29] =	ssyncadd.s32 $0xFFFFFFFF  }
0xb6: {  	_ =	strace $0x90000048  }
0xb7: {  	_ =	sfence  }
0xb8: {  	s30 =	sld [smem:$0x0];
	_ =	sdelay $0x2  }
0xb9: {  	s31 =	sshll.u32 s1, $0xD;
	s1 =	sshrl.u32 s1, $0x2  }
0xba: {  	s3 =	sand.u32 $0x4000, s31;
	s1 =	sadd.s32 s1, s30  }
0xbb: {  	s0 =	sor.u32 s3, s0;
	s1 =	sshll.u32 s1, $0x11  }
0xbc: {  	s0 =	sor.u32 s1, s0  }
0xbd: {  	s0 =	sadd.s32 $0x8F2B, s0  }
0xbe: {  	[sflag:s0] =	ssyncadd.remote.s32 $0x1  }
0xbf: {  	_ =	sfence.sel $0xFFFF  }
0xc0: {  	[dreg:$0x0] =	wrdreg $0xFFFFFFFF;
	(pc) =	sbr.abs _section_cstart, $3  }
0xc1: {  	[dreg:$0x1] =	wrdreg $0xFFFFFFFF  }
0xc2: {  	_ =	task.clear_ibuf [dreg:s7], $0x2FFFF;
	_ =	strace $0x9FFFFFFF  }
0xc3: {  	(tm) =	ssettm $0x7FFFFFFF  }
tec
execute0_lowered:
.L_overlay_start_1:
0x0: {  	(tag) =	ssettag $0x1  }
0x1: {  	s5 =	rddreg [dreg:$0x0];
	s0 =	stileid.u32  }
0x2: {  	s1 =	srdreg.scid;
	s8 =	rddreg [dreg:$0x1]  }
0x3: {  	s2 =	rddreg [dreg:$0x2];
	s3 =	smul.u32 $0x3A, s0  }
0x4: {  	s14 =	simm.s32 $0x20;
	s15 =	simm.s32 $0x10;
	s4 =	smul.u32 $0x64, s0  }
0x5: {  	s16 =	simm.s32 $0x0;
	s7 =	sand.u32 $0x1, s1;
	s11 =	smul.u32 $0xA00, s0  }
0x6: {  	s1 =	rddreg [dreg:$0x3];
	s13 =	smul.u32 $0x500, s0;
	s30 =	sshll.u32 s0, $0x6  }
0x7: {  	p0 =	seq.s32 s7, $0x0;
	s9 =	ssub.s32 $0x2, s7;
	s7 =	sshll.u32 s7, $0x7  }
0x8: {  	s6 =	sadd.s32 $0x640, s3;
	s3 =	simm.s32 $0x0;
	s12 =	sshrl.u32 s9, $0x1  }
0x9: {  	s11 =	sshrl.u32 s11, $0x2;
	s13 =	sor.u32 s7, s13;
	s7 =	sor.u32 $0x1C01, s30  }
0xa: {  	s6 =	smov.u32 @p0 s4;
	[smem:$0x7FF] =	sst s3;
	s9 =	ssub.s32 s9, s12  }
0xb: {  	s11 =	sadd.s32 s11, s2;
	s31 =	sshrl.u32 s13, $0x3;
	s12 =	simm.s32 $0x1  }
0xc: {  	s13 =	simm.s32 $0x80;
	s4 =	sshll.u32 s6, $0x4;
	_ =	strace $0x80000047  }
0xd: {  	s6 =	simm.s32 $0x64;
	s8 =	sadd.s32 s8, s31;
	s9 =	smax.u32 s9, $0x1  }
0xe: {  	s11 =	sshrl.u32 s11, $0x3;
	s10 =	sadd.s32 s4, s5;
	s4 =	sadd.s32 $0xFA00, s5  }
0xf: {  	s5 =	sadd.s32 $0xFC00, s5;
	s6 =	simm.s32 @!p0 $0x3A;
	s10 =	sadd.s32 $0x5C00, s10  }
.LBB2_1:
0x10: {  	[spmem:s11], [sflag:s7] =	dma.local [hbm:s5], $0x50  }
0x11: {  	_ =	swait.ge [sflag:s12], $0x50  }
0x12: {  	[sflag:s12] =	ssyncset.done $0x0  }
0x13: {  	[sflag:s12] =	ssyncadd.s32 $0xFFFFFFB0  }
0x14: {  	[tilespmem:s13], [sflag:$0x1] =	stream.linear.gather [hbm4b:s4+s3], $0x80, $0x38;
	[tilespmem:$0x380] =	vst v63  }
0x15: {  	_ =	swait.ge [sflag:s12], $0x80  }
0x16: {  	[sflag:s12] =	ssyncset.done $0x0  }
0x17: {  	p0 =	sle.u32 s6, $0x0;
	[sflag:s12] =	ssyncadd.s32 $0xFFFFFF80  }
0x18: {  	s17 =	simm.s32 @!p0 $0x0;
	s18 =	simm.s32 @!p0 $0x2;
	[bflag:$0x0] =	sbarrier.arrive $0xFFFF  }
0x19: {  	[tilespmem:s17], [sflag:$0x2] =	stream.linear.gather @!p0 [hbm4b:s10+s17], $0x80, $0x38;
	[tilespmem:$0x380] =	vst v63  }
0x1a: {  	_ =	swait.ge @!p0 [sflag:s18], $0x80  }
0x1b: {  	[sflag:s18] =	ssyncset.done @!p0 $0x0  }
0x1c: {  	s19 =	simm.s32 @!p0 $0x1;
	[sflag:s18] =	ssyncadd.s32 @!p0 $0xFFFFFF80;
	s18 =	simm.s32 @!p0 $0x80  }
0x1d: {  	[spmem:s2] =	stream.indirect.scatter.add.f32 @!p0 [tilespmem:s18], [sflag:$0x1], $0x1, s17, s18, $0xb8;
	[tilespmem:$0x380] =	vst v63  }
0x1e: {  	p1 =	por p0, p0;
	s17 =	simm.s32 $0x2;
	_ =	swait.ge @!p0 [sflag:s19], $0x80  }
0x1f: {  	s18 =	sadd.s32 $0x10, s10;
	p0 =	sle.u32 s6, $0x1;
	[sflag:s19] =	ssyncset.done @!p1 $0x0  }
.LBB2_2:
0x20: {  	s20 =	simm.s32 @!p0 $0x0;
	s21 =	simm.s32 @!p0 $0x2  }
0x21: {  	[sflag:s19] =	ssyncadd.s32 @!p1 $0xFFFFFF80;
	s22 =	smov.u32 s17;
	s17 =	sadd.s32 $0x1, s17  }
0x22: {  	[tilespmem:s20], [sflag:$0x2] =	stream.linear.gather @!p0 [hbm4b:s18+s20], $0x80, $0x38;
	[tilespmem:$0x380] =	vst v63  }
0x23: {  	p2 =	sne.s32 s17, $0x64;
	_ =	swait.ge @!p0 [sflag:s21], $0x80  }
.Ltmp0:
0x24: {  	[sflag:s21] =	ssyncset.done @!p0 $0x0;
	(pc) =	sbr.rel @p2 .LBB2_2-.Ltmp0, $4  }
0x25: {  	s19 =	simm.s32 @!p0 $0x1;
	[sflag:s21] =	ssyncadd.s32 @!p0 $0xFFFFFF80;
	s21 =	simm.s32 @!p0 $0x80  }
0x26: {  	[spmem:s2] =	stream.indirect.scatter.add.f32 @!p0 [tilespmem:s21], [sflag:$0x1], $0x1, s20, s21, $0xb8;
	[tilespmem:$0x380] =	vst v63  }
0x27: {  	p1 =	por p0, p0;
	_ =	swait.ge @!p0 [sflag:s19], $0x80  }
0x28: {  	s18 =	sadd.s32 $0x10, s18;
	p0 =	sge.u32 s22, s6;
	[sflag:s19] =	ssyncset.done @!p1 $0x0  }
0x29: {  	s17 =	simm.s32 @!p0 $0x0;
	s20 =	simm.s32 @!p0 $0x2;
	[sflag:s19] =	ssyncadd.s32 @!p1 $0xFFFFFF80  }
0x2a: {  	[tilespmem:s17], [sflag:$0x2] =	stream.linear.gather @!p0 [hbm4b:s18+s17], $0x80, $0x38;
	[tilespmem:$0x380] =	vst v63  }
0x2b: {  	_ =	swait.ge @!p0 [sflag:s20], $0x80  }
0x2c: {  	[sflag:s20] =	ssyncset.done @!p0 $0x0  }
0x2d: {  	s19 =	simm.s32 @!p0 $0x1;
	s18 =	simm.s32 @!p0 $0x80;
	[sflag:s20] =	ssyncadd.s32 @!p0 $0xFFFFFF80  }
0x2e: {  	[spmem:s2] =	stream.indirect.scatter.add.f32 @!p0 [tilespmem:s18], [sflag:$0x1], $0x1, s17, s18, $0xb8;
	[tilespmem:$0x380] =	vst v63  }
0x2f: {  	_ =	swait.ge @!p0 [sflag:s19], $0x80;
	p0 =	por p0, p0  }
0x30: {  	s16 =	sadd.s32 $0x1, s16;
	[sflag:s19] =	ssyncset.done @!p0 $0x0  }
0x31: {  	[sflag:s19] =	ssyncadd.s32 @!p0 $0xFFFFFF80;
	p0 =	sne.s32 s16, s9  }
.Ltmp1:
0x32: {  	[bflag:$0x0] =	sbarrier.arrive $0xFFFF;
	(pc) =	sbr.rel @p0 .LBB2_1-.Ltmp1, $4  }
0x33: {  	[hbm:s8@s14], [sflag:s7] =	dma.strided [spmem:s11@s15], $0x50, s12, $0x10   }
0x34: {  	_ =	swait.ge [sflag:s12], $0x50  }
0x35: {  	[sflag:s12] =	ssyncset.done $0x0  }
0x36: {  	[sflag:s12] =	ssyncadd.s32 $0xFFFFFFB0  }
0x37: {  	_ =	sfence.sel $0x180000  }
0x38: {  	[bflag:$0x0] =	sbarrier.arrive $0xFFFF  }
0x39: {  	p0 =	sne.s32 s0, $0x0;
	_ =	strace $0x90000047  }
0x3a: {  	s0 =	sadd.s32 @!p0 $0x100000, s1;
	[bflag:$0x2] =	sbarrier.arrive $0xFFFF  }
0x3b: {  	[sflag:s0] =	ssyncadd.tile.s32 @!p0 $0x1;
	_ =	shalt  }
.Lfunc_end2:
_tile_overlayer_lowered:
.L_overlay_start_2:
0x3c: {  	(tag) =	ssettag $0x2  }
0x3d: {  	s0 =	rddreg [dreg:$0x0];
	s2 =	stileid.u32  }
0x3e: {  	s1 =	rddreg [dreg:$0x1];
	p0 =	sne.s32 s2, $0x0  }
0x3f: {  	s3 =	rddreg [dreg:$0x2];
	[bflag:$0x3] =	sbarrier.arrive $0xFFFF;
	s2 =	simm.s32 @!p0 $0x1C01  }
0x40: {  	[timem:s3], [sflag:s2] =	dma.local @!p0 [hbm:s0], s1  }
0x41: {  	s0 =	simm.s32 @!p0 $0x1  }
0x42: {  	_ =	swait.ge @!p0 [sflag:s0], s1  }
0x43: {  	s1 =	ssub.s32 @!p0 $0x0, s1;
	[sflag:s0] =	ssyncset.done @!p0 $0x0  }
0x44: {  	[sflag:s0] =	ssyncadd.s32 @!p0 s1  }
0x45: {  	[bflag:$0x3] =	sbarrier.arrive $0xFFFF  }
0x46: {  	_ =	shalt  }

// kernel: kernel.13.cloned.1.call-start
scs
__scs_entry_jumppad:
0x0: {  	(pc) =	sbr.rel $0x88, $3  }
0x1: {  	(tag) =	ssettag $0x0;
	lr =	simm.s32 $0x1  }
0x2: {  	[smem:$0x3F8C] =	sst lr;
	_ =	strace $0xD0000000  }
0x3: {  	_ = 	snop  }
0x4: {  	_ = 	snop  }
0x5: {  	_ = 	snop  }
0x6: {  	_ = 	snop  }
0x7: {  	_ = 	snop  }
__scs_overlays_trampoline_lowered:
0x8: {  	[smem:$0x3F9B] =	sst s0  }
0x9: {  	[smem:$0x3F9C] =	sst s1  }
0xa: {  	[smem:$0x3F9D] =	sst s2  }
0xb: {  	[smem:$0x3F9E] =	sst s3  }
0xc: {  	[smem:$0x3F9F] =	sst s4  }
0xd: {  	[smem:$0x3FA0] =	sst s5  }
0xe: {  	[smem:$0x3FA1] =	sst s6  }
0xf: {  	[smem:$0x3FA2] =	sst s7  }
0x10: {  	[smem:$0x3FA3] =	sst s8  }
0x11: {  	[smem:$0x3FA4] =	sst s9;
	s0 =	simm.s32 @!p0 $0x0  }
0x12: {  	s1 =	sld [smem:$0x3F8A];
	s0 =	simm.s32 @p0 $0x1  }
0x13: {  	[smem:$0x3FA5] =	sst s0;
	s0 =	simm.s32 @!p1 $0x0  }
0x14: {  	s2 =	sld [smem:$0x3F89];
	s0 =	simm.s32 @p1 $0x1  }
0x15: {  	[smem:$0x3FA6] =	sst s0;
	s0 =	simm.s32 @!p2 $0x0  }
0x16: {  	s3 =	sld [smem:$0x3FDB];
	s0 =	simm.s32 @p2 $0x1  }
0x17: {  	s4 =	simm.s32 $0x1BF5;
	[smem:$0x3FA8] =	sst s0  }
0x18: {  	s0 =	sld [smem:$0x3F8B];
	_ =	swait.ge [sflag:s4], $0x0  }
0x19: {  	s7 =	sld [smem:$0x3F8C]  }
0x1a: {  	s8 =	sadd.s32 $0xFFFFE003, lr  }
0x1b: {  	s9 =	sadd.s32 $0xFFFFFEF7, lr;
	s5 =	simm.s32 $0xFFFFFFFF;
	p2 =	slt.u32 s8, $0xFFFFF086  }
0x1c: {  	p1 =	slt.u32 s9, $0xF7A;
	s5 =	simm.s32 @!p2 $0x0  }
0x1d: {  	s5 =	simm.s32 @p1 $0x1;
	p0 =	seq.s32 s7, s2  }
0x1e: {  	s7 =	smul.u32 @!p0 $0xF7A, s2;
	p2 =	seq.s32 @!p0 s5, $0x0  }
0x1f: {  	s9 =	smul.u32 $0xF7A, s1;
	s8 =	simm.s32 @!p0 $0x1BF5;
	p2 =	por !p2, p0  }
0x20: {  	[sflag:s8] =	ssyncset.s32 @!p0 $0xFFFFF086;
	s6 =	sadd.s32 @!p0 s3, s7;
	s7 =	simm.s32 @!p0 $0x108  }
0x21: {  	s3 =	sadd.s32 s3, s9;
	s6 =	sadd.s32 @!p0 $0x88, s6;
	s7 =	simm.s32 @p2 $0x1082  }
0x22: {  	[simem:s7], [sflag:s8] =	dma.local @!p0 [hbm:s6], $0xF7A  }
0x23: {  	s9 =	sor.u32 $0xD0000000, s2;
	s6 =	simm.s32 $0x108;
	_ =	swait.ge @!p0 [sflag:s8], $0x0  }
0x24: {  	s3 =	sadd.s32 $0x88, s3;
	s6 =	simm.s32 @!p1 $0x1082;
	[sflag:s4] =	ssyncset.s32 $0xFFFFF086  }
0x25: {  	[simem:s6], [sflag:s4] =	dma.local [hbm:s3], $0xF7A  }
0x26: {  	[smem:$0x3F8C] =	sst s1;
	(tag) =	ssettag s2;
	_ =	strace s9  }
0x27: {  	s1 =	sld [smem:$0x3F9C]  }
0x28: {  	s2 =	sld [smem:$0x3F9D]  }
0x29: {  	s4 =	sld [smem:$0x3F9F]  }
0x2a: {  	p0 =	seq.s32 s5, $0x0;
	s5 =	sld [smem:$0x3FA0]  }
0x2b: {  	s6 =	sld [smem:$0x3FA1]  }
0x2c: {  	s7 =	sld [smem:$0x3FA2]  }
0x2d: {  	s3 =	simm.s32 $0x108;
	s8 =	sld [smem:$0x3FA3]  }
0x2e: {  	s3 =	simm.s32 @!p0 $0x1082;
	s9 =	sld [smem:$0x3FA4]  }
0x2f: {  	lr =	sadd.s32 s0, s3;
	s0 =	sld [smem:$0x3F9B]  }
0x30: {  	s3 =	sld [smem:$0x3F9E]  }
0x31: {  	[smem:$0x3FA7] =	sst s10  }
0x32: {  	s10 =	sld [smem:$0x3FA5];
	_ =	sdelay $0x3  }
0x33: {  	p0 =	seq.s32 s10, $0x1;
	s10 =	sld [smem:$0x3FA7];
	_ =	sdelay $0x3  }
0x34: {  	[smem:$0x3FA7] =	sst s10  }
0x35: {  	s10 =	sld [smem:$0x3FA6];
	_ =	sdelay $0x3  }
0x36: {  	p1 =	seq.s32 s10, $0x1;
	s10 =	sld [smem:$0x3FA7];
	_ =	sdelay $0x3  }
0x37: {  	[smem:$0x3FA7] =	sst s10  }
0x38: {  	s10 =	sld [smem:$0x3FA8]  }
0x39: {  	_ = 	snop;
	(pc) =	sbr.ind lr, $3  }
0x3a: {  	_ = 	snop  }
0x3b: {  	_ = 	snop  }
0x3c: {  	p2 =	seq.s32 s10, $0x1;
	s10 =	sld [smem:$0x3FA7]  }
0x3d: {  	_ =	shalt  }
0x3e: {  	_ =	shalt  }
0x3f: {  	_ =	shalt  }
0x40: {  	_ =	shalt  }
0x41: {  	_ =	shalt  }
0x42: {  	_ =	shalt  }
0x43: {  	_ =	shalt  }
0x44: {  	_ =	shalt  }
0x45: {  	_ =	shalt  }
0x46: {  	_ =	shalt  }
0x47: {  	_ =	shalt  }
0x48: {  	_ =	shalt  }
0x49: {  	_ =	shalt  }
0x4a: {  	_ =	shalt  }
0x4b: {  	_ =	shalt  }
0x4c: {  	_ =	shalt  }
0x4d: {  	_ =	shalt  }
0x4e: {  	_ =	shalt  }
0x4f: {  	_ =	shalt  }
0x50: {  	_ =	shalt  }
0x51: {  	_ =	shalt  }
0x52: {  	_ =	shalt  }
0x53: {  	_ =	shalt  }
0x54: {  	_ =	shalt  }
0x55: {  	_ =	shalt  }
0x56: {  	_ =	shalt  }
0x57: {  	_ =	shalt  }
0x58: {  	_ =	shalt  }
0x59: {  	_ =	shalt  }
0x5a: {  	_ =	shalt  }
0x5b: {  	_ =	shalt  }
0x5c: {  	_ =	shalt  }
0x5d: {  	_ =	shalt  }
0x5e: {  	_ =	shalt  }
0x5f: {  	_ =	shalt  }
0x60: {  	_ =	shalt  }
0x61: {  	_ =	shalt  }
0x62: {  	_ =	shalt  }
0x63: {  	_ =	shalt  }
0x64: {  	_ =	shalt  }
0x65: {  	_ =	shalt  }
0x66: {  	_ =	shalt  }
0x67: {  	_ =	shalt  }
0x68: {  	_ =	shalt  }
0x69: {  	_ =	shalt  }
0x6a: {  	_ =	shalt  }
0x6b: {  	_ =	shalt  }
0x6c: {  	_ =	shalt  }
0x6d: {  	_ =	shalt  }
0x6e: {  	_ =	shalt  }
0x6f: {  	_ =	shalt  }
0x70: {  	_ =	shalt  }
0x71: {  	_ =	shalt  }
0x72: {  	_ =	shalt  }
0x73: {  	_ =	shalt  }
0x74: {  	_ =	shalt  }
0x75: {  	_ =	shalt  }
0x76: {  	_ =	shalt  }
0x77: {  	_ =	shalt  }
0x78: {  	_ =	shalt  }
0x79: {  	_ =	shalt  }
0x7a: {  	_ =	shalt  }
0x7b: {  	_ =	shalt  }
0x7c: {  	_ =	shalt  }
0x7d: {  	_ =	shalt  }
0x7e: {  	_ =	shalt  }
0x7f: {  	_ =	shalt  }
0x80: {  	_ =	shalt  }
0x81: {  	_ =	shalt  }
0x82: {  	_ =	shalt  }
0x83: {  	_ =	shalt  }
0x84: {  	_ =	shalt  }
0x85: {  	_ =	shalt  }
0x86: {  	_ =	shalt  }
0x87: {  	_ =	shalt  }
.Lfunc_end0:
.L_simem_size_0:
called_computation.1_lowered:
.L_overlay_start_0:
0x88: {  	s2 =	sld [smem:$0x3FD9]  }
0x89: {  	s3 =	sld [smem:$0x3FFE];
	_ =	sdelay $0x1  }
0x8a: {  	s1 =	srdreg.scid  }
0x8b: {  	s0 =	sand.u32 $0x1, s1  }
0x8c: {  	s17 =	sshll.u32 s0, $0xA;
	s2 =	sadd.s32 s3, s2  }
0x8d: {  	s2 =	sadd.s32 s2, s17  }
0x8e: {  	[smem:$0x3FB3] =	sst s2  }
0x8f: {  	_ = 	snop  }
0x90: {  	s2 =	sld [smem:$0x3FD0];
	(tm) =	ssettm $0x1  }
0x91: {  	s18 =	sld [smem:$0x3FFB];
	_ =	sdelay $0x3  }
0x92: {  	_ =	strace s18  }
0x93: {  	s3 =	sld [smem:$0x3FFC];
	_ =	sdelay $0x3  }
0x94: {  	_ =	strace s3  }
0x95: {  	s3 =	sld [smem:$0x3FFD];
	_ =	sdelay $0x3  }
0x96: {  	_ =	strace s3  }
0x97: {  	_ =	strace $0x8FFFFFFF  }
0x98: {  	s19 =	sld [smem:$0x3FDB];
	_ =	sdelay $0x1  }
0x99: {  	s4 =	simm.s32 $_scs_section_size  }
0x9a: {  	s5 =	simm.s32 $_size__tile_overlayer_lowered;
	s6 =	simm.s32 $_tile_overlayer_lowered  }
0x9b: {  	s22 =	simm.s32 $0x1BFF;
	s21 =	sshll.u32 s6, $0x1;
	s3 =	sadd.s32 s4, s19  }
0x9c: {  	s7 =	simm.s32 $0x0;
	s20 =	sshll.u32 s5, $0x1;
	s5 =	sadd.s32 s21, s3  }
0x9d: {  	[timem:s7], [sflag:s22] =	dma.local [hbm:s5], s20  }
0x9e: {  	_ =	swait.ge [sflag:s22], s20  }
0x9f: {  	s4 =	ssub.s32 $0x0, s20;
	[sflag:s22] =	ssyncset.done $0x0  }
0xa0: {  	[sflag:s22] =	ssyncadd.s32 s4;
	_ =	sdelay $0x1  }
0xa1: {  	s23 =	simm.s32 $0x1B8B  }
0xa2: {  	_ =	swait.ge [sflag:s23], $0x1  }
0xa3: {  	[sflag:s23] =	ssyncset.done $0x0  }
0xa4: {  	s25 =	simm.s32 $0x1B8E;
	s24 =	sld [smem:$0x3FFE];
	[sflag:s23] =	ssyncadd.s32 $0xFFFFFFFF  }
0xa5: {  	s26 =	simm.s32 $execute0_lowered;
	[smem:$0x3FD2] =	sst s25  }
0xa6: {  	s5 =	sshll.u32 s26, $0x1;
	_ =	strace $0x80000049;
	[dreg:$0x1] =	wrdreg $0xFFFFFFFF  }
0xa7: {  	s28 =	simm.s32 $_size_execute0_lowered;
	s3 =	sadd.s32 s3, s5;
	[dreg:$0x0] =	wrdreg $0x0  }
0xa8: {  	s5 =	sshll.u32 s28, $0x1;
	[dreg:$0x2] =	wrdreg s3  }
0xa9: {  	[dreg:$0x3] =	wrdreg s5  }
0xaa: {  	[dreg:$0x4] =	wrdreg $0xC0  }
0xab: {  	_ =	task [dreg:s7], $0x5FFFF  }
0xac: {  	[dreg:$0x1] =	wrdreg $0xFFFFFFFF  }
0xad: {  	[dreg:$0x0] =	wrdreg $0x60  }
0xae: {  	[dreg:$0x2] =	wrdreg s24  }
0xaf: {  	[dreg:$0x3] =	wrdreg s2  }
0xb0: {  	[dreg:$0x4] =	wrdreg $0x82000  }
0xb1: {  	[dreg:$0x5] =	wrdreg $0x9  }
0xb2: {  	_ =	task.clear_ibuf [dreg:s7], $0x6FFFF;
	_ =	strace $0x90000049  }
0xb3: {  	s29 =	simm.s32 $0x9;
	_ =	strace $0x8000004B  }
0xb4: {  	_ =	swait.ge [sflag:s29], $0x1  }
0xb5: {  	[sflag:s29] =	ssyncadd.s32 $0xFFFFFFFF  }
0xb6: {  	_ =	strace $0x9000004B  }
0xb7: {  	_ =	sfence  }
0xb8: {  	s30 =	sld [smem:$0x0];
	_ =	sdelay $0x2  }
0xb9: {  	s31 =	sshll.u32 s1, $0xD;
	s1 =	sshrl.u32 s1, $0x2  }
0xba: {  	s3 =	sand.u32 $0x4000, s31;
	s1 =	sadd.s32 s1, s30  }
0xbb: {  	s0 =	sor.u32 s3, s0;
	s1 =	sshll.u32 s1, $0x11  }
0xbc: {  	s0 =	sor.u32 s1, s0  }
0xbd: {  	s0 =	sadd.s32 $0x8F2B, s0  }
0xbe: {  	[sflag:s0] =	ssyncadd.remote.s32 $0x1  }
0xbf: {  	_ =	sfence.sel $0xFFFF  }
0xc0: {  	[dreg:$0x0] =	wrdreg $0xFFFFFFFF;
	(pc) =	sbr.abs _section_cstart, $3  }
0xc1: {  	[dreg:$0x1] =	wrdreg $0xFFFFFFFF  }
0xc2: {  	_ =	task.clear_ibuf [dreg:s7], $0x2FFFF;
	_ =	strace $0x9FFFFFFF  }
0xc3: {  	(tm) =	ssettm $0x7FFFFFFF  }
tec
execute0_lowered:
.L_overlay_start_1:
0x0: {  	(tag) =	ssettag $0x1  }
0x1: {  	s6 =	rddreg [dreg:$0x0]  }
0x2: {  	s2 =	rddreg [dreg:$0x1]  }
0x3: {  	s3 =	rddreg [dreg:$0x2];
	s1 =	stileid.u32  }
0x4: {  	s0 =	rddreg [dreg:$0x3];
	s7 =	smul.u32 $0x64, s1  }
0x5: {  	s5 =	srdreg.scid;
	s4 =	simm.s32 $0x0;
	s25 =	smul.u32 $0x3A, s1  }
0x6: {  	s16 =	simm.s32 $0x200;
	s17 =	simm.s32 $0x0;
	s11 =	smul.u32 $0x14000, s1  }
0x7: {  	s8 =	sand.u32 $0x1, s5;
	[smem:$0x7FF] =	sst s4;
	s28 =	smul.u32 $0x50000, s1  }
0x8: {  	s5 =	sadd.s32 $0x19C00, s6;
	s30 =	sshll.u32 s1, $0x6;
	s9 =	smul.u32 $0x140000, s8  }
0x9: {  	p0 =	seq.s32 s8, $0x0;
	_ =	strace $0x8000004A;
	s8 =	ssub.s32 $0x2, s8  }
0xa: {  	s10 =	sadd.s32 $0x640, s25;
	s26 =	sshrl.u32 s8, $0x1;
	s29 =	sshrl.u32 s28, $0x2  }
0xb: {  	s10 =	smov.u32 @p0 s7;
	s9 =	sadd.s32 s11, s9;
	s14 =	ssub.s32 s8, s26  }
0xc: {  	s15 =	sadd.s32 s29, s3;
	s7 =	sshll.u32 s10, $0x4;
	s9 =	sshrl.u32 s9, $0x3  }
0xd: {  	s11 =	smax.u32 s14, $0x1;
	s14 =	simm.s32 $0x100;
	s12 =	sadd.s32 s7, s6  }
0xe: {  	s13 =	sadd.s32 s9, s6;
	s6 =	simm.s32 $0x64;
	s7 =	sor.u32 $0x1C03, s30  }
0xf: {  	s6 =	simm.s32 @!p0 $0x3A;
	s8 =	sadd.s32 $0xFE00, s12;
	s9 =	sadd.s32 $0x5C00, s12  }
0x10: {  	s10 =	sadd.s32 $0x41C00, s13;
	s12 =	sshrl.u32 s15, $0x3;
	s31 =	sadd.s32 $0xFFFFFFFF, s6  }
0x11: {  	s13 =	simm.s32 $0x3;
	s15 =	simm.s32 $0x80;
	[dreg:$0x4] =	wrdreg s31  }
.LBB2_1:
0x12: {  	[spmem:s12], [sflag:s7] =	dma.local [hbm:s2], $0x2800  }
0x13: {  	_ =	swait.ge [sflag:s13], $0x2800  }
0x14: {  	[sflag:s13] =	ssyncset.done $0x0  }
0x15: {  	[sflag:s13] =	ssyncadd.s32 $0xFFFFD800  }
0x16: {  	[bflag:$0x0] =	sbarrier.arrive $0xFFFF  }
0x17: {  	[tilespmem:s4], [sflag:$0x3] =	stream.linear.gather [hbm4b:s8+s4], $0x80, $0x38;
	[tilespmem:$0x1C200] =	vst v63  }
0x18: {  	_ =	swait.ge [sflag:s13], $0x80  }
0x19: {  	[sflag:s13] =	ssyncset.done $0x0  }
0x1a: {  	[sflag:s13] =	ssyncadd.s32 $0xFFFFFF80  }
0x1b: {  	[tilespmem:s14], [sflag:$0x3] =	stream.linear.gather [hbm4b:s9+s4], $0x80, $0x38;
	[tilespmem:$0x1C200] =	vst v63  }
0x1c: {  	_ =	swait.ge [sflag:s13], $0x80  }
0x1d: {  	p1 =	sle.u32 s6, $0x0;
	[sflag:s13] =	ssyncset.done $0x0  }
0x1e: {  	s18 =	simm.s32 @!p1 $0x1;
	p0 =	sle.u32 @!p1 s6, $0x1;
	[sflag:s13] =	ssyncadd.s32 $0xFFFFFF80  }
0x1f: {  	[tilespmem:s16], [sflag:$0x1] =	stream.indirect.gather [hbm4b:s5+s15], $0x80, s4, s15, $0xb8;
	[tilespmem:$0x1C200] =	vst v63  }
0x20: {  	p0 =	por p0, p1;
	_ =	swait.ge @!p1 [sflag:s18], $0x4000  }
0x21: {  	s19 =	sadd.s32 @!p0 $0x0, s8;
	s20 =	simm.s32 @!p0 $0x0;
	[sflag:s18] =	ssyncset.done @!p1 $0x0  }
0x22: {  	[sflag:s18] =	ssyncadd.s32 @!p1 $0xFFFFC000;
	s18 =	sadd.s32 @!p0 $0x10, s19;
	s19 =	simm.s32 @!p0 $0x80  }
0x23: {  	[tilespmem:s19], [sflag:$0x4] =	stream.linear.gather @!p0 [hbm4b:s18+s20], $0x80, $0x38;
	[tilespmem:$0x1C200] =	vst v63  }
0x24: {  	s18 =	simm.s32 @!p0 $0x4  }
0x25: {  	_ =	swait.ge @!p0 [sflag:s18], $0x80  }
0x26: {  	s21 =	sadd.s32 @!p0 $0x0, s9;
	[sflag:s18] =	ssyncset.done @!p0 $0x0  }
0x27: {  	s22 =	simm.s32 @!p0 $0x180;
	s21 =	sadd.s32 @!p0 $0x10, s21;
	[sflag:s18] =	ssyncadd.s32 @!p0 $0xFFFFFF80  }
0x28: {  	[tilespmem:s22], [sflag:$0x4] =	stream.linear.gather @!p0 [hbm4b:s21+s20], $0x80, $0x38;
	[tilespmem:$0x1C200] =	vst v63  }
0x29: {  	_ =	swait.ge @!p0 [sflag:s18], $0x80  }
0x2a: {  	[sflag:s18] =	ssyncset.done @!p0 $0x0  }
0x2b: {  	s20 =	simm.s32 @!p0 $0x4200;
	s21 =	simm.s32 @!p1 $0x200;
	[sflag:s18] =	ssyncadd.s32 @!p0 $0xFFFFFF80  }
0x2c: {  	[tilespmem:s20], [sflag:$0x2] =	stream.indirect.gather @!p0 [hbm4b:s5+s19], $0x80, s19, s19, $0xb8;
	[tilespmem:$0x1C200] =	vst v63  }
0x2d: {  	s18 =	simm.s32 @!p1 $0x80;
	s19 =	simm.s32 @!p1 $0x100;
	s20 =	simm.s32 @!p1 $0x4  }
0x2e: {  	[spmem:s3] =	stream.indirect.scatter.add.f32 @!p1 [tilespmem:s21], [sflag:$0x4], $0x80, s19, s18, $0xb8;
	[tilespmem:$0x1C200] =	vst v63  }
0x2f: {  	_ =	swait.ge @!p1 [sflag:s20], $0x4000  }
0x30: {  	s31 =	rddreg [dreg:$0x4]  }
0x31: {  	[sflag:s20] =	ssyncset.done @!p1 $0x0;
	p0 =	sle.u32 s31, $0x0  }
0x32: {  	[sflag:s20] =	ssyncadd.s32 @!p1 $0xFFFFC000;
	s18 =	simm.s32 @!p0 $0x2;
	p1 =	sle.u32 @!p0 s6, $0x2  }
0x33: {  	_ =	swait.ge @!p0 [sflag:s18], $0x4000;
	p1 =	por p1, p0  }
0x34: {  	[sflag:s18] =	ssyncset.done @!p0 $0x0;
	s19 =	sadd.s32 @!p1 $0x0, s8;
	s20 =	simm.s32 @!p1 $0x0  }
0x35: {  	[sflag:s18] =	ssyncadd.s32 @!p0 $0xFFFFC000;
	s18 =	sadd.s32 @!p1 $0x20, s19;
	s19 =	simm.s32 @!p1 $0x4  }
0x36: {  	[tilespmem:s20], [sflag:$0x4] =	stream.linear.gather @!p1 [hbm4b:s18+s20], $0x80, $0x38;
	[tilespmem:$0x1C200] =	vst v63  }
0x37: {  	_ =	swait.ge @!p1 [sflag:s19], $0x80  }
0x38: {  	s18 =	sadd.s32 @!p1 $0x0, s9;
	[sflag:s19] =	ssyncset.done @!p1 $0x0  }
0x39: {  	s21 =	simm.s32 @!p1 $0x100;
	s18 =	sadd.s32 @!p1 $0x20, s18;
	[sflag:s19] =	ssyncadd.s32 @!p1 $0xFFFFFF80  }
0x3a: {  	[tilespmem:s21], [sflag:$0x4] =	stream.linear.gather @!p1 [hbm4b:s18+s20], $0x80, $0x38;
	[tilespmem:$0x1C200] =	vst v63  }
0x3b: {  	_ =	swait.ge @!p1 [sflag:s19], $0x80  }
0x3c: {  	p2 =	sle.u32 s6, $0x2;
	[sflag:s19] =	ssyncset.done @!p1 $0x0  }
0x3d: {  	s22 =	simm.s32 @!p1 $0x200;
	s21 =	simm.s32 @!p1 $0x80;
	[sflag:s19] =	ssyncadd.s32 @!p1 $0xFFFFFF80  }
0x3e: {  	[tilespmem:s22], [sflag:$0x1] =	stream.indirect.gather @!p1 [hbm4b:s5+s21], $0x80, s20, s21, $0xb8;
	[tilespmem:$0x1C200] =	vst v63  }
0x3f: {  	s19 =	simm.s32 @!p0 $0x4200;
	s20 =	simm.s32 @!p0 $0x80;
	s21 =	simm.s32 @!p0 $0x180  }
0x40: {  	[spmem:s3] =	stream.indirect.scatter.add.f32 @!p0 [tilespmem:s19], [sflag:$0x3], $0x80, s21, s20, $0xb8;
	[tilespmem:$0x1C200] =	vst v63  }
0x41: {  	s23 =	simm.s32 @!p0 $0x3;
	s18 =	simm.s32 $0x20;
	s20 =	simm.s32 $0x40  }
0x42: {  	s19 =	simm.s32 $0x4;
	s21 =	simm.s32 $0x2;
	_ =	swait.ge @!p0 [sflag:s23], $0x4000  }
.LBB2_2:
0x43: {  	s24 =	sadd.s32 @!p2 $0xFFFFFFFF, s19;
	[sflag:s23] =	ssyncset.done @!p0 $0x0  }
0x44: {  	s25 =	simm.s32 @!p2 $0x1;
	p3 =	sge.u32 @!p2 s24, s6;
	[sflag:s23] =	ssyncadd.s32 @!p0 $0xFFFFC000  }
0x45: {  	_ =	swait.ge @!p2 [sflag:s25], $0x4000;
	p0 =	por p3, p2  }
0x46: {  	[sflag:s25] =	ssyncset.done @!p2 $0x0;
	s23 =	sadd.s32 @!p0 s18, s8;
	s24 =	simm.s32 @!p0 $0x0  }
0x47: {  	[sflag:s25] =	ssyncadd.s32 @!p2 $0xFFFFC000;
	s23 =	sadd.s32 @!p0 $0x10, s23;
	s25 =	simm.s32 @!p0 $0x80  }
0x48: {  	[tilespmem:s25], [sflag:$0x4] =	stream.linear.gather @!p0 [hbm4b:s23+s24], $0x80, $0x38;
	[tilespmem:$0x1C200] =	vst v63  }
0x49: {  	s23 =	simm.s32 @!p0 $0x4  }
0x4a: {  	_ =	swait.ge @!p0 [sflag:s23], $0x80  }
0x4b: {  	s26 =	sadd.s32 @!p0 s18, s9;
	[sflag:s23] =	ssyncset.done @!p0 $0x0  }
0x4c: {  	s28 =	simm.s32 @!p0 $0x180;
	s26 =	sadd.s32 @!p0 $0x10, s26;
	[sflag:s23] =	ssyncadd.s32 @!p0 $0xFFFFFF80  }
0x4d: {  	[tilespmem:s28], [sflag:$0x4] =	stream.linear.gather @!p0 [hbm4b:s26+s24], $0x80, $0x38;
	[tilespmem:$0x1C200] =	vst v63  }
0x4e: {  	_ =	swait.ge @!p0 [sflag:s23], $0x80  }
0x4f: {  	[sflag:s23] =	ssyncset.done @!p0 $0x0  }
0x50: {  	s24 =	simm.s32 @!p0 $0x4200;
	s26 =	simm.s32 @!p2 $0x200;
	[sflag:s23] =	ssyncadd.s32 @!p0 $0xFFFFFF80  }
0x51: {  	[tilespmem:s24], [sflag:$0x2] =	stream.indirect.gather @!p0 [hbm4b:s5+s25], $0x80, s25, s25, $0xb8;
	[tilespmem:$0x1C200] =	vst v63  }
0x52: {  	s28 =	simm.s32 @!p2 $0x100;
	s23 =	simm.s32 @!p2 $0x80;
	s24 =	simm.s32 @!p2 $0x4  }
0x53: {  	[spmem:s3] =	stream.indirect.scatter.add.f32 @!p2 [tilespmem:s26], [sflag:$0x4], $0x80, s28, s23, $0xb8;
	[tilespmem:$0x1C200] =	vst v63  }
0x54: {  	_ =	swait.ge @!p2 [sflag:s24], $0x4000  }
0x55: {  	s31 =	rddreg [dreg:$0x4]  }
0x56: {  	s22 =	smov.u32 s20;
	[sflag:s24] =	ssyncset.done @!p2 $0x0;
	p0 =	sge.u32 s21, s31  }
0x57: {  	[sflag:s24] =	ssyncadd.s32 @!p2 $0xFFFFC000;
	s21 =	simm.s32 @!p0 $0x2;
	p2 =	sge.u32 @!p0 s19, s6  }
0x58: {  	s20 =	sadd.s32 $0x20, s20;
	_ =	swait.ge @!p0 [sflag:s21], $0x4000;
	p2 =	por p2, p0  }
0x59: {  	[sflag:s21] =	ssyncset.done @!p0 $0x0;
	s23 =	sadd.s32 @!p2 s18, s8;
	s24 =	simm.s32 @!p2 $0x0  }
0x5a: {  	[sflag:s21] =	ssyncadd.s32 @!p0 $0xFFFFC000;
	s21 =	sadd.s32 @!p2 $0x20, s23;
	s23 =	simm.s32 @!p2 $0x4  }
0x5b: {  	[tilespmem:s24], [sflag:$0x4] =	stream.linear.gather @!p2 [hbm4b:s21+s24], $0x80, $0x38;
	[tilespmem:$0x1C200] =	vst v63  }
0x5c: {  	p1 =	sne.s32 s20, $0x640;
	_ =	swait.ge @!p2 [sflag:s23], $0x80  }
0x5d: {  	s21 =	sadd.s32 @!p2 s18, s9;
	s18 =	smov.u32 s22;
	[sflag:s23] =	ssyncset.done @!p2 $0x0  }
0x5e: {  	s22 =	simm.s32 @!p2 $0x100;
	s21 =	sadd.s32 @!p2 $0x20, s21;
	[sflag:s23] =	ssyncadd.s32 @!p2 $0xFFFFFF80  }
0x5f: {  	[tilespmem:s22], [sflag:$0x4] =	stream.linear.gather @!p2 [hbm4b:s21+s24], $0x80, $0x38;
	[tilespmem:$0x1C200] =	vst v63  }
0x60: {  	s19 =	sadd.s32 $0x2, s19;
	s26 =	simm.s32 @!p0 $0x80;
	_ =	swait.ge @!p2 [sflag:s23], $0x80  }
0x61: {  	s28 =	simm.s32 @!p0 $0x180;
	s25 =	simm.s32 @!p2 $0x200;
	[sflag:s23] =	ssyncset.done @!p2 $0x0  }
.Ltmp0:
0x62: {  	s21 =	simm.s32 @!p2 $0x80;
	[sflag:s23] =	ssyncadd.s32 @!p2 $0xFFFFFF80;
	(pc) =	sbr.rel @p1 .LBB2_2-.Ltmp0, $4  }
0x63: {  	[tilespmem:s25], [sflag:$0x1] =	stream.indirect.gather @!p2 [hbm4b:s5+s21], $0x80, s24, s21, $0xb8;
	[tilespmem:$0x1C200] =	vst v63  }
0x64: {  	s22 =	simm.s32 @!p0 $0x4200;
	s23 =	simm.s32 @!p0 $0x3;
	s21 =	sadd.s32 $0xFFFFFFFE, s19  }
0x65: {  	[spmem:s3] =	stream.indirect.scatter.add.f32 @!p0 [tilespmem:s22], [sflag:$0x3], $0x80, s28, s26, $0xb8;
	[tilespmem:$0x1C200] =	vst v63  }
0x66: {  	p2 =	sge.u32 s21, s6;
	_ =	swait.ge @!p0 [sflag:s23], $0x4000  }
0x67: {  	s20 =	sadd.s32 @!p2 $0xFFFFFFFF, s19;
	[sflag:s23] =	ssyncset.done @!p0 $0x0  }
0x68: {  	s22 =	simm.s32 @!p2 $0x1;
	p1 =	sge.u32 @!p2 s20, s6;
	[sflag:s23] =	ssyncadd.s32 @!p0 $0xFFFFC000  }
0x69: {  	_ =	swait.ge @!p2 [sflag:s22], $0x4000;
	p0 =	por p1, p2  }
0x6a: {  	[sflag:s22] =	ssyncset.done @!p2 $0x0;
	s20 =	sadd.s32 @!p0 s18, s8;
	s23 =	simm.s32 @!p0 $0x0  }
0x6b: {  	[sflag:s22] =	ssyncadd.s32 @!p2 $0xFFFFC000;
	s20 =	sadd.s32 @!p0 $0x10, s20;
	s22 =	simm.s32 @!p0 $0x80  }
0x6c: {  	[tilespmem:s22], [sflag:$0x4] =	stream.linear.gather @!p0 [hbm4b:s20+s23], $0x80, $0x38;
	[tilespmem:$0x1C200] =	vst v63  }
0x6d: {  	s20 =	simm.s32 @!p0 $0x4  }
0x6e: {  	_ =	swait.ge @!p0 [sflag:s20], $0x80  }
0x6f: {  	s24 =	sadd.s32 @!p0 s18, s9;
	[sflag:s20] =	ssyncset.done @!p0 $0x0  }
0x70: {  	s25 =	simm.s32 @!p0 $0x180;
	s24 =	sadd.s32 @!p0 $0x10, s24;
	[sflag:s20] =	ssyncadd.s32 @!p0 $0xFFFFFF80  }
0x71: {  	[tilespmem:s25], [sflag:$0x4] =	stream.linear.gather @!p0 [hbm4b:s24+s23], $0x80, $0x38;
	[tilespmem:$0x1C200] =	vst v63  }
0x72: {  	_ =	swait.ge @!p0 [sflag:s20], $0x80  }
0x73: {  	[sflag:s20] =	ssyncset.done @!p0 $0x0  }
0x74: {  	s23 =	simm.s32 @!p0 $0x4200;
	s24 =	simm.s32 @!p2 $0x200;
	[sflag:s20] =	ssyncadd.s32 @!p0 $0xFFFFFF80  }
0x75: {  	[tilespmem:s23], [sflag:$0x2] =	stream.indirect.gather @!p0 [hbm4b:s5+s22], $0x80, s22, s22, $0xb8;
	[tilespmem:$0x1C200] =	vst v63  }
0x76: {  	s20 =	simm.s32 @!p2 $0x80;
	s22 =	simm.s32 @!p2 $0x100;
	s23 =	simm.s32 @!p2 $0x4  }
0x77: {  	[spmem:s3] =	stream.indirect.scatter.add.f32 @!p2 [tilespmem:s24], [sflag:$0x4], $0x80, s22, s20, $0xb8;
	[tilespmem:$0x1C200] =	vst v63  }
0x78: {  	_ =	swait.ge @!p2 [sflag:s23], $0x4000  }
0x79: {  	s31 =	rddreg [dreg:$0x4]  }
0x7a: {  	[sflag:s23] =	ssyncset.done @!p2 $0x0;
	p0 =	sge.u32 s21, s31  }
0x7b: {  	[sflag:s23] =	ssyncadd.s32 @!p2 $0xFFFFC000;
	s20 =	simm.s32 @!p0 $0x2;
	p1 =	sge.u32 @!p0 s19, s6  }
0x7c: {  	_ =	swait.ge @!p0 [sflag:s20], $0x4000;
	p1 =	por p1, p0  }
0x7d: {  	[sflag:s20] =	ssyncset.done @!p0 $0x0;
	s19 =	sadd.s32 @!p1 s18, s8;
	s21 =	simm.s32 @!p1 $0x0  }
0x7e: {  	[sflag:s20] =	ssyncadd.s32 @!p0 $0xFFFFC000;
	s19 =	sadd.s32 @!p1 $0x20, s19;
	s20 =	simm.s32 @!p1 $0x4  }
0x7f: {  	[tilespmem:s21], [sflag:$0x4] =	stream.linear.gather @!p1 [hbm4b:s19+s21], $0x80, $0x38;
	[tilespmem:$0x1C200] =	vst v63  }
0x80: {  	_ =	swait.ge @!p1 [sflag:s20], $0x80  }
0x81: {  	s18 =	sadd.s32 @!p1 s18, s9;
	[sflag:s20] =	ssyncset.done @!p1 $0x0  }
0x82: {  	s18 =	sadd.s32 @!p1 $0x20, s18;
	s19 =	simm.s32 @!p1 $0x100;
	[sflag:s20] =	ssyncadd.s32 @!p1 $0xFFFFFF80  }
0x83: {  	[tilespmem:s19], [sflag:$0x4] =	stream.linear.gather @!p1 [hbm4b:s18+s21], $0x80, $0x38;
	[tilespmem:$0x1C200] =	vst v63  }
0x84: {  	_ =	swait.ge @!p1 [sflag:s20], $0x80  }
0x85: {  	s22 =	simm.s32 @!p1 $0x200;
	[sflag:s20] =	ssyncset.done @!p1 $0x0  }
0x86: {  	s18 =	simm.s32 @!p0 $0x4200;
	s19 =	simm.s32 @!p1 $0x80;
	[sflag:s20] =	ssyncadd.s32 @!p1 $0xFFFFFF80  }
0x87: {  	[tilespmem:s22], [sflag:$0x1] =	stream.indirect.gather @!p1 [hbm4b:s5+s19], $0x80, s21, s19, $0xb8;
	[tilespmem:$0x1C200] =	vst v63  }
0x88: {  	s20 =	simm.s32 @!p0 $0x180;
	s19 =	simm.s32 @!p0 $0x80;
	s21 =	simm.s32 @!p0 $0x3  }
0x89: {  	[spmem:s3] =	stream.indirect.scatter.add.f32 @!p0 [tilespmem:s18], [sflag:$0x3], $0x80, s20, s19, $0xb8;
	[tilespmem:$0x1C200] =	vst v63  }
0x8a: {  	_ =	swait.ge @!p0 [sflag:s21], $0x4000  }
0x8b: {  	s17 =	sadd.s32 $0x1, s17;
	[sflag:s21] =	ssyncset.done @!p0 $0x0  }
0x8c: {  	[sflag:s21] =	ssyncadd.s32 @!p0 $0xFFFFC000;
	p0 =	sne.s32 s17, s11  }
.Ltmp1:
0x8d: {  	[bflag:$0x0] =	sbarrier.arrive $0xFFFF;
	(pc) =	sbr.rel @p0 .LBB2_1-.Ltmp1, $4  }
0x8e: {  	[hbm:s10], [sflag:s7] =	dma.local [spmem:s12], $0x2800  }
0x8f: {  	_ =	swait.ge [sflag:s13], $0x2800  }
0x90: {  	[sflag:s13] =	ssyncset.done $0x0  }
0x91: {  	[sflag:s13] =	ssyncadd.s32 $0xFFFFD800  }
0x92: {  	_ =	sfence.sel $0x180000  }
0x93: {  	[bflag:$0x0] =	sbarrier.arrive $0xFFFF  }
0x94: {  	p0 =	sne.s32 s1, $0x0;
	_ =	strace $0x9000004A  }
0x95: {  	s0 =	sadd.s32 @!p0 $0x100000, s0;
	[bflag:$0x2] =	sbarrier.arrive $0xFFFF  }
0x96: {  	[sflag:s0] =	ssyncadd.tile.s32 @!p0 $0x1;
	_ =	shalt  }
.Lfunc_end2:
_tile_overlayer_lowered:
.L_overlay_start_2:
0x97: {  	(tag) =	ssettag $0x2  }
0x98: {  	s0 =	rddreg [dreg:$0x0];
	s2 =	stileid.u32  }
0x99: {  	s1 =	rddreg [dreg:$0x1];
	p0 =	sne.s32 s2, $0x0  }
0x9a: {  	s3 =	rddreg [dreg:$0x2];
	[bflag:$0x3] =	sbarrier.arrive $0xFFFF;
	s2 =	simm.s32 @!p0 $0x1C03  }
0x9b: {  	[timem:s3], [sflag:s2] =	dma.local @!p0 [hbm:s0], s1  }
0x9c: {  	s0 =	simm.s32 @!p0 $0x3  }
0x9d: {  	_ =	swait.ge @!p0 [sflag:s0], s1  }
0x9e: {  	s1 =	ssub.s32 @!p0 $0x0, s1;
	[sflag:s0] =	ssyncset.done @!p0 $0x0  }
0x9f: {  	[sflag:s0] =	ssyncadd.s32 @!p0 s1  }
0xa0: {  	[bflag:$0x3] =	sbarrier.arrive $0xFFFF  }
0xa1: {  	_ =	shalt  }

// kernel: kernel.16.cloned.1.call-start
scs
__scs_entry_jumppad:
0x0: {  	(pc) =	sbr.rel $0x88, $3  }
0x1: {  	(tag) =	ssettag $0x0;
	lr =	simm.s32 $0x1  }
0x2: {  	[smem:$0x3F8C] =	sst lr;
	_ =	strace $0xD0000000  }
0x3: {  	_ = 	snop  }
0x4: {  	_ = 	snop  }
0x5: {  	_ = 	snop  }
0x6: {  	_ = 	snop  }
0x7: {  	_ = 	snop  }
__scs_overlays_trampoline_lowered:
0x8: {  	[smem:$0x3F9B] =	sst s0  }
0x9: {  	[smem:$0x3F9C] =	sst s1  }
0xa: {  	[smem:$0x3F9D] =	sst s2  }
0xb: {  	[smem:$0x3F9E] =	sst s3  }
0xc: {  	[smem:$0x3F9F] =	sst s4  }
0xd: {  	[smem:$0x3FA0] =	sst s5  }
0xe: {  	[smem:$0x3FA1] =	sst s6  }
0xf: {  	[smem:$0x3FA2] =	sst s7  }
0x10: {  	[smem:$0x3FA3] =	sst s8  }
0x11: {  	[smem:$0x3FA4] =	sst s9;
	s0 =	simm.s32 @!p0 $0x0  }
0x12: {  	s1 =	sld [smem:$0x3F8A];
	s0 =	simm.s32 @p0 $0x1  }
0x13: {  	[smem:$0x3FA5] =	sst s0;
	s0 =	simm.s32 @!p1 $0x0  }
0x14: {  	s2 =	sld [smem:$0x3F89];
	s0 =	simm.s32 @p1 $0x1  }
0x15: {  	[smem:$0x3FA6] =	sst s0;
	s0 =	simm.s32 @!p2 $0x0  }
0x16: {  	s3 =	sld [smem:$0x3FDB];
	s0 =	simm.s32 @p2 $0x1  }
0x17: {  	s4 =	simm.s32 $0x1BF5;
	[smem:$0x3FA8] =	sst s0  }
0x18: {  	s0 =	sld [smem:$0x3F8B];
	_ =	swait.ge [sflag:s4], $0x0  }
0x19: {  	s7 =	sld [smem:$0x3F8C]  }
0x1a: {  	s8 =	sadd.s32 $0xFFFFE003, lr  }
0x1b: {  	s9 =	sadd.s32 $0xFFFFFEF7, lr;
	s5 =	simm.s32 $0xFFFFFFFF;
	p2 =	slt.u32 s8, $0xFFFFF086  }
0x1c: {  	p1 =	slt.u32 s9, $0xF7A;
	s5 =	simm.s32 @!p2 $0x0  }
0x1d: {  	s5 =	simm.s32 @p1 $0x1;
	p0 =	seq.s32 s7, s2  }
0x1e: {  	s7 =	smul.u32 @!p0 $0xF7A, s2;
	p2 =	seq.s32 @!p0 s5, $0x0  }
0x1f: {  	s9 =	smul.u32 $0xF7A, s1;
	s8 =	simm.s32 @!p0 $0x1BF5;
	p2 =	por !p2, p0  }
0x20: {  	[sflag:s8] =	ssyncset.s32 @!p0 $0xFFFFF086;
	s6 =	sadd.s32 @!p0 s3, s7;
	s7 =	simm.s32 @!p0 $0x108  }
0x21: {  	s3 =	sadd.s32 s3, s9;
	s6 =	sadd.s32 @!p0 $0x88, s6;
	s7 =	simm.s32 @p2 $0x1082  }
0x22: {  	[simem:s7], [sflag:s8] =	dma.local @!p0 [hbm:s6], $0xF7A  }
0x23: {  	s9 =	sor.u32 $0xD0000000, s2;
	s6 =	simm.s32 $0x108;
	_ =	swait.ge @!p0 [sflag:s8], $0x0  }
0x24: {  	s3 =	sadd.s32 $0x88, s3;
	s6 =	simm.s32 @!p1 $0x1082;
	[sflag:s4] =	ssyncset.s32 $0xFFFFF086  }
0x25: {  	[simem:s6], [sflag:s4] =	dma.local [hbm:s3], $0xF7A  }
0x26: {  	[smem:$0x3F8C] =	sst s1;
	(tag) =	ssettag s2;
	_ =	strace s9  }
0x27: {  	s1 =	sld [smem:$0x3F9C]  }
0x28: {  	s2 =	sld [smem:$0x3F9D]  }
0x29: {  	s4 =	sld [smem:$0x3F9F]  }
0x2a: {  	p0 =	seq.s32 s5, $0x0;
	s5 =	sld [smem:$0x3FA0]  }
0x2b: {  	s6 =	sld [smem:$0x3FA1]  }
0x2c: {  	s7 =	sld [smem:$0x3FA2]  }
0x2d: {  	s3 =	simm.s32 $0x108;
	s8 =	sld [smem:$0x3FA3]  }
0x2e: {  	s3 =	simm.s32 @!p0 $0x1082;
	s9 =	sld [smem:$0x3FA4]  }
0x2f: {  	lr =	sadd.s32 s0, s3;
	s0 =	sld [smem:$0x3F9B]  }
0x30: {  	s3 =	sld [smem:$0x3F9E]  }
0x31: {  	[smem:$0x3FA7] =	sst s10  }
0x32: {  	s10 =	sld [smem:$0x3FA5];
	_ =	sdelay $0x3  }
0x33: {  	p0 =	seq.s32 s10, $0x1;
	s10 =	sld [smem:$0x3FA7];
	_ =	sdelay $0x3  }
0x34: {  	[smem:$0x3FA7] =	sst s10  }
0x35: {  	s10 =	sld [smem:$0x3FA6];
	_ =	sdelay $0x3  }
0x36: {  	p1 =	seq.s32 s10, $0x1;
	s10 =	sld [smem:$0x3FA7];
	_ =	sdelay $0x3  }
0x37: {  	[smem:$0x3FA7] =	sst s10  }
0x38: {  	s10 =	sld [smem:$0x3FA8]  }
0x39: {  	_ = 	snop;
	(pc) =	sbr.ind lr, $3  }
0x3a: {  	_ = 	snop  }
0x3b: {  	_ = 	snop  }
0x3c: {  	p2 =	seq.s32 s10, $0x1;
	s10 =	sld [smem:$0x3FA7]  }
0x3d: {  	_ =	shalt  }
0x3e: {  	_ =	shalt  }
0x3f: {  	_ =	shalt  }
0x40: {  	_ =	shalt  }
0x41: {  	_ =	shalt  }
0x42: {  	_ =	shalt  }
0x43: {  	_ =	shalt  }
0x44: {  	_ =	shalt  }
0x45: {  	_ =	shalt  }
0x46: {  	_ =	shalt  }
0x47: {  	_ =	shalt  }
0x48: {  	_ =	shalt  }
0x49: {  	_ =	shalt  }
0x4a: {  	_ =	shalt  }
0x4b: {  	_ =	shalt  }
0x4c: {  	_ =	shalt  }
0x4d: {  	_ =	shalt  }
0x4e: {  	_ =	shalt  }
0x4f: {  	_ =	shalt  }
0x50: {  	_ =	shalt  }
0x51: {  	_ =	shalt  }
0x52: {  	_ =	shalt  }
0x53: {  	_ =	shalt  }
0x54: {  	_ =	shalt  }
0x55: {  	_ =	shalt  }
0x56: {  	_ =	shalt  }
0x57: {  	_ =	shalt  }
0x58: {  	_ =	shalt  }
0x59: {  	_ =	shalt  }
0x5a: {  	_ =	shalt  }
0x5b: {  	_ =	shalt  }
0x5c: {  	_ =	shalt  }
0x5d: {  	_ =	shalt  }
0x5e: {  	_ =	shalt  }
0x5f: {  	_ =	shalt  }
0x60: {  	_ =	shalt  }
0x61: {  	_ =	shalt  }
0x62: {  	_ =	shalt  }
0x63: {  	_ =	shalt  }
0x64: {  	_ =	shalt  }
0x65: {  	_ =	shalt  }
0x66: {  	_ =	shalt  }
0x67: {  	_ =	shalt  }
0x68: {  	_ =	shalt  }
0x69: {  	_ =	shalt  }
0x6a: {  	_ =	shalt  }
0x6b: {  	_ =	shalt  }
0x6c: {  	_ =	shalt  }
0x6d: {  	_ =	shalt  }
0x6e: {  	_ =	shalt  }
0x6f: {  	_ =	shalt  }
0x70: {  	_ =	shalt  }
0x71: {  	_ =	shalt  }
0x72: {  	_ =	shalt  }
0x73: {  	_ =	shalt  }
0x74: {  	_ =	shalt  }
0x75: {  	_ =	shalt  }
0x76: {  	_ =	shalt  }
0x77: {  	_ =	shalt  }
0x78: {  	_ =	shalt  }
0x79: {  	_ =	shalt  }
0x7a: {  	_ =	shalt  }
0x7b: {  	_ =	shalt  }
0x7c: {  	_ =	shalt  }
0x7d: {  	_ =	shalt  }
0x7e: {  	_ =	shalt  }
0x7f: {  	_ =	shalt  }
0x80: {  	_ =	shalt  }
0x81: {  	_ =	shalt  }
0x82: {  	_ =	shalt  }
0x83: {  	_ =	shalt  }
0x84: {  	_ =	shalt  }
0x85: {  	_ =	shalt  }
0x86: {  	_ =	shalt  }
0x87: {  	_ =	shalt  }
.Lfunc_end0:
.L_simem_size_0:
called_computation.2_lowered:
.L_overlay_start_0:
0x88: {  	s2 =	sld [smem:$0x3FD9]  }
0x89: {  	s3 =	sld [smem:$0x3FFE];
	_ =	sdelay $0x1  }
0x8a: {  	s1 =	srdreg.scid  }
0x8b: {  	s0 =	sand.u32 $0x1, s1  }
0x8c: {  	s17 =	sshll.u32 s0, $0xA;
	s2 =	sadd.s32 s3, s2  }
0x8d: {  	s2 =	sadd.s32 s2, s17  }
0x8e: {  	[smem:$0x3FB3] =	sst s2  }
0x8f: {  	_ = 	snop  }
0x90: {  	s2 =	sld [smem:$0x3FD0];
	(tm) =	ssettm $0x1  }
0x91: {  	s18 =	sld [smem:$0x3FFB];
	_ =	sdelay $0x3  }
0x92: {  	_ =	strace s18  }
0x93: {  	s3 =	sld [smem:$0x3FFC];
	_ =	sdelay $0x3  }
0x94: {  	_ =	strace s3  }
0x95: {  	s3 =	sld [smem:$0x3FFD];
	_ =	sdelay $0x3  }
0x96: {  	_ =	strace s3  }
0x97: {  	_ =	strace $0x8FFFFFFF  }
0x98: {  	s19 =	sld [smem:$0x3FDB];
	_ =	sdelay $0x1  }
0x99: {  	s4 =	simm.s32 $_scs_section_size  }
0x9a: {  	s5 =	simm.s32 $_size__tile_overlayer_lowered;
	s6 =	simm.s32 $_tile_overlayer_lowered  }
0x9b: {  	s22 =	simm.s32 $0x1BFF;
	s21 =	sshll.u32 s6, $0x1;
	s3 =	sadd.s32 s4, s19  }
0x9c: {  	s7 =	simm.s32 $0x0;
	s20 =	sshll.u32 s5, $0x1;
	s5 =	sadd.s32 s21, s3  }
0x9d: {  	[timem:s7], [sflag:s22] =	dma.local [hbm:s5], s20  }
0x9e: {  	_ =	swait.ge [sflag:s22], s20  }
0x9f: {  	s4 =	ssub.s32 $0x0, s20;
	[sflag:s22] =	ssyncset.done $0x0  }
0xa0: {  	[sflag:s22] =	ssyncadd.s32 s4;
	_ =	sdelay $0x1  }
0xa1: {  	s23 =	simm.s32 $0x1B8B  }
0xa2: {  	_ =	swait.ge [sflag:s23], $0x1  }
0xa3: {  	[sflag:s23] =	ssyncset.done $0x0  }
0xa4: {  	s25 =	simm.s32 $0x1B8E;
	s24 =	sld [smem:$0x3FFE];
	[sflag:s23] =	ssyncadd.s32 $0xFFFFFFFF  }
0xa5: {  	s26 =	simm.s32 $execute0_lowered;
	[smem:$0x3FD2] =	sst s25  }
0xa6: {  	s5 =	sshll.u32 s26, $0x1;
	_ =	strace $0x8000004C;
	[dreg:$0x1] =	wrdreg $0xFFFFFFFF  }
0xa7: {  	s28 =	simm.s32 $_size_execute0_lowered;
	s3 =	sadd.s32 s3, s5;
	[dreg:$0x0] =	wrdreg $0x0  }
0xa8: {  	s5 =	sshll.u32 s28, $0x1;
	[dreg:$0x2] =	wrdreg s3  }
0xa9: {  	[dreg:$0x3] =	wrdreg s5  }
0xaa: {  	[dreg:$0x4] =	wrdreg $0xC0  }
0xab: {  	_ =	task [dreg:s7], $0x5FFFF  }
0xac: {  	[dreg:$0x1] =	wrdreg $0xFFFFFFFF  }
0xad: {  	[dreg:$0x0] =	wrdreg $0x60  }
0xae: {  	[dreg:$0x2] =	wrdreg s24  }
0xaf: {  	[dreg:$0x3] =	wrdreg s2  }
0xb0: {  	[dreg:$0x4] =	wrdreg $0x82000  }
0xb1: {  	[dreg:$0x5] =	wrdreg $0x9  }
0xb2: {  	_ =	task.clear_ibuf [dreg:s7], $0x6FFFF;
	_ =	strace $0x9000004C  }
0xb3: {  	s29 =	simm.s32 $0x9;
	_ =	strace $0x8000004E  }
0xb4: {  	_ =	swait.ge [sflag:s29], $0x1  }
0xb5: {  	[sflag:s29] =	ssyncadd.s32 $0xFFFFFFFF  }
0xb6: {  	_ =	strace $0x9000004E  }
0xb7: {  	_ =	sfence  }
0xb8: {  	s30 =	sld [smem:$0x0];
	_ =	sdelay $0x2  }
0xb9: {  	s31 =	sshll.u32 s1, $0xD;
	s1 =	sshrl.u32 s1, $0x2  }
0xba: {  	s3 =	sand.u32 $0x4000, s31;
	s1 =	sadd.s32 s1, s30  }
0xbb: {  	s0 =	sor.u32 s3, s0;
	s1 =	sshll.u32 s1, $0x11  }
0xbc: {  	s0 =	sor.u32 s1, s0  }
0xbd: {  	s0 =	sadd.s32 $0x8F2B, s0  }
0xbe: {  	[sflag:s0] =	ssyncadd.remote.s32 $0x1  }
0xbf: {  	_ =	sfence.sel $0xFFFF  }
0xc0: {  	[dreg:$0x0] =	wrdreg $0xFFFFFFFF;
	(pc) =	sbr.abs _section_cstart, $3  }
0xc1: {  	[dreg:$0x1] =	wrdreg $0xFFFFFFFF  }
0xc2: {  	_ =	task.clear_ibuf [dreg:s7], $0x2FFFF;
	_ =	strace $0x9FFFFFFF  }
0xc3: {  	(tm) =	ssettm $0x7FFFFFFF  }
tec
execute0_lowered:
.L_overlay_start_1:
0x0: {  	(tag) =	ssettag $0x1  }
0x1: {  	s6 =	rddreg [dreg:$0x0]  }
0x2: {  	s2 =	rddreg [dreg:$0x1]  }
0x3: {  	s3 =	rddreg [dreg:$0x2];
	s1 =	stileid.u32  }
0x4: {  	s0 =	rddreg [dreg:$0x3];
	s7 =	smul.u32 $0x64, s1  }
0x5: {  	s5 =	srdreg.scid;
	s4 =	simm.s32 $0x0;
	s25 =	smul.u32 $0x3A, s1  }
0x6: {  	s16 =	simm.s32 $0x200;
	s17 =	simm.s32 $0x0;
	s11 =	smul.u32 $0x14000, s1  }
0x7: {  	s8 =	sand.u32 $0x1, s5;
	[smem:$0x7FF] =	sst s4;
	s28 =	smul.u32 $0x50000, s1  }
0x8: {  	s5 =	sadd.s32 $0x19C00, s6;
	s30 =	sshll.u32 s1, $0x6;
	s9 =	smul.u32 $0x140000, s8  }
0x9: {  	p0 =	seq.s32 s8, $0x0;
	_ =	strace $0x8000004D;
	s8 =	ssub.s32 $0x2, s8  }
0xa: {  	s10 =	sadd.s32 $0x640, s25;
	s26 =	sshrl.u32 s8, $0x1;
	s29 =	sshrl.u32 s28, $0x2  }
0xb: {  	s10 =	smov.u32 @p0 s7;
	s9 =	sadd.s32 s11, s9;
	s14 =	ssub.s32 s8, s26  }
0xc: {  	s15 =	sadd.s32 s29, s3;
	s7 =	sshll.u32 s10, $0x4;
	s9 =	sshrl.u32 s9, $0x3  }
0xd: {  	s11 =	smax.u32 s14, $0x1;
	s14 =	simm.s32 $0x100;
	s12 =	sadd.s32 s7, s6  }
0xe: {  	s13 =	sadd.s32 s9, s6;
	s6 =	simm.s32 $0x64;
	s7 =	sor.u32 $0x1C03, s30  }
0xf: {  	s6 =	simm.s32 @!p0 $0x3A;
	s8 =	sadd.s32 $0xFE00, s12;
	s9 =	sadd.s32 $0x5C00, s12  }
0x10: {  	s10 =	sadd.s32 $0x41C00, s13;
	s12 =	sshrl.u32 s15, $0x3;
	s31 =	sadd.s32 $0xFFFFFFFF, s6  }
0x11: {  	s13 =	simm.s32 $0x3;
	s15 =	simm.s32 $0x80;
	[dreg:$0x4] =	wrdreg s31  }
.LBB2_1:
0x12: {  	[spmem:s12], [sflag:s7] =	dma.local [hbm:s2], $0x2800  }
0x13: {  	_ =	swait.ge [sflag:s13], $0x2800  }
0x14: {  	[sflag:s13] =	ssyncset.done $0x0  }
0x15: {  	[sflag:s13] =	ssyncadd.s32 $0xFFFFD800  }
0x16: {  	[bflag:$0x0] =	sbarrier.arrive $0xFFFF  }
0x17: {  	[tilespmem:s4], [sflag:$0x3] =	stream.linear.gather [hbm4b:s8+s4], $0x80, $0x38;
	[tilespmem:$0x1C200] =	vst v63  }
0x18: {  	_ =	swait.ge [sflag:s13], $0x80  }
0x19: {  	[sflag:s13] =	ssyncset.done $0x0  }
0x1a: {  	[sflag:s13] =	ssyncadd.s32 $0xFFFFFF80  }
0x1b: {  	[tilespmem:s14], [sflag:$0x3] =	stream.linear.gather [hbm4b:s9+s4], $0x80, $0x38;
	[tilespmem:$0x1C200] =	vst v63  }
0x1c: {  	_ =	swait.ge [sflag:s13], $0x80  }
0x1d: {  	p1 =	sle.u32 s6, $0x0;
	[sflag:s13] =	ssyncset.done $0x0  }
0x1e: {  	s18 =	simm.s32 @!p1 $0x1;
	p0 =	sle.u32 @!p1 s6, $0x1;
	[sflag:s13] =	ssyncadd.s32 $0xFFFFFF80  }
0x1f: {  	[tilespmem:s16], [sflag:$0x1] =	stream.indirect.gather [hbm4b:s5+s15], $0x80, s4, s15, $0xb8;
	[tilespmem:$0x1C200] =	vst v63  }
0x20: {  	p0 =	por p0, p1;
	_ =	swait.ge @!p1 [sflag:s18], $0x4000  }
0x21: {  	s19 =	sadd.s32 @!p0 $0x0, s8;
	s20 =	simm.s32 @!p0 $0x0;
	[sflag:s18] =	ssyncset.done @!p1 $0x0  }
0x22: {  	[sflag:s18] =	ssyncadd.s32 @!p1 $0xFFFFC000;
	s18 =	sadd.s32 @!p0 $0x10, s19;
	s19 =	simm.s32 @!p0 $0x80  }
0x23: {  	[tilespmem:s19], [sflag:$0x4] =	stream.linear.gather @!p0 [hbm4b:s18+s20], $0x80, $0x38;
	[tilespmem:$0x1C200] =	vst v63  }
0x24: {  	s18 =	simm.s32 @!p0 $0x4  }
0x25: {  	_ =	swait.ge @!p0 [sflag:s18], $0x80  }
0x26: {  	s21 =	sadd.s32 @!p0 $0x0, s9;
	[sflag:s18] =	ssyncset.done @!p0 $0x0  }
0x27: {  	s22 =	simm.s32 @!p0 $0x180;
	s21 =	sadd.s32 @!p0 $0x10, s21;
	[sflag:s18] =	ssyncadd.s32 @!p0 $0xFFFFFF80  }
0x28: {  	[tilespmem:s22], [sflag:$0x4] =	stream.linear.gather @!p0 [hbm4b:s21+s20], $0x80, $0x38;
	[tilespmem:$0x1C200] =	vst v63  }
0x29: {  	_ =	swait.ge @!p0 [sflag:s18], $0x80  }
0x2a: {  	[sflag:s18] =	ssyncset.done @!p0 $0x0  }
0x2b: {  	s20 =	simm.s32 @!p0 $0x4200;
	s21 =	simm.s32 @!p1 $0x200;
	[sflag:s18] =	ssyncadd.s32 @!p0 $0xFFFFFF80  }
0x2c: {  	[tilespmem:s20], [sflag:$0x2] =	stream.indirect.gather @!p0 [hbm4b:s5+s19], $0x80, s19, s19, $0xb8;
	[tilespmem:$0x1C200] =	vst v63  }
0x2d: {  	s18 =	simm.s32 @!p1 $0x80;
	s19 =	simm.s32 @!p1 $0x100;
	s20 =	simm.s32 @!p1 $0x4  }
0x2e: {  	[spmem:s3] =	stream.indirect.scatter.add.f32 @!p1 [tilespmem:s21], [sflag:$0x4], $0x80, s19, s18, $0xb8;
	[tilespmem:$0x1C200] =	vst v63  }
0x2f: {  	_ =	swait.ge @!p1 [sflag:s20], $0x4000  }
0x30: {  	s31 =	rddreg [dreg:$0x4]  }
0x31: {  	[sflag:s20] =	ssyncset.done @!p1 $0x0;
	p0 =	sle.u32 s31, $0x0  }
0x32: {  	[sflag:s20] =	ssyncadd.s32 @!p1 $0xFFFFC000;
	s18 =	simm.s32 @!p0 $0x2;
	p1 =	sle.u32 @!p0 s6, $0x2  }
0x33: {  	_ =	swait.ge @!p0 [sflag:s18], $0x4000;
	p1 =	por p1, p0  }
0x34: {  	[sflag:s18] =	ssyncset.done @!p0 $0x0;
	s19 =	sadd.s32 @!p1 $0x0, s8;
	s20 =	simm.s32 @!p1 $0x0  }
0x35: {  	[sflag:s18] =	ssyncadd.s32 @!p0 $0xFFFFC000;
	s18 =	sadd.s32 @!p1 $0x20, s19;
	s19 =	simm.s32 @!p1 $0x4  }
0x36: {  	[tilespmem:s20], [sflag:$0x4] =	stream.linear.gather @!p1 [hbm4b:s18+s20], $0x80, $0x38;
	[tilespmem:$0x1C200] =	vst v63  }
0x37: {  	_ =	swait.ge @!p1 [sflag:s19], $0x80  }
0x38: {  	s18 =	sadd.s32 @!p1 $0x0, s9;
	[sflag:s19] =	ssyncset.done @!p1 $0x0  }
0x39: {  	s21 =	simm.s32 @!p1 $0x100;
	s18 =	sadd.s32 @!p1 $0x20, s18;
	[sflag:s19] =	ssyncadd.s32 @!p1 $0xFFFFFF80  }
0x3a: {  	[tilespmem:s21], [sflag:$0x4] =	stream.linear.gather @!p1 [hbm4b:s18+s20], $0x80, $0x38;
	[tilespmem:$0x1C200] =	vst v63  }
0x3b: {  	_ =	swait.ge @!p1 [sflag:s19], $0x80  }
0x3c: {  	p2 =	sle.u32 s6, $0x2;
	[sflag:s19] =	ssyncset.done @!p1 $0x0  }
0x3d: {  	s22 =	simm.s32 @!p1 $0x200;
	s21 =	simm.s32 @!p1 $0x80;
	[sflag:s19] =	ssyncadd.s32 @!p1 $0xFFFFFF80  }
0x3e: {  	[tilespmem:s22], [sflag:$0x1] =	stream.indirect.gather @!p1 [hbm4b:s5+s21], $0x80, s20, s21, $0xb8;
	[tilespmem:$0x1C200] =	vst v63  }
0x3f: {  	s19 =	simm.s32 @!p0 $0x4200;
	s20 =	simm.s32 @!p0 $0x80;
	s21 =	simm.s32 @!p0 $0x180  }
0x40: {  	[spmem:s3] =	stream.indirect.scatter.add.f32 @!p0 [tilespmem:s19], [sflag:$0x3], $0x80, s21, s20, $0xb8;
	[tilespmem:$0x1C200] =	vst v63  }
0x41: {  	s23 =	simm.s32 @!p0 $0x3;
	s18 =	simm.s32 $0x20;
	s20 =	simm.s32 $0x40  }
0x42: {  	s19 =	simm.s32 $0x4;
	s21 =	simm.s32 $0x2;
	_ =	swait.ge @!p0 [sflag:s23], $0x4000  }
.LBB2_2:
0x43: {  	s24 =	sadd.s32 @!p2 $0xFFFFFFFF, s19;
	[sflag:s23] =	ssyncset.done @!p0 $0x0  }
0x44: {  	s25 =	simm.s32 @!p2 $0x1;
	p3 =	sge.u32 @!p2 s24, s6;
	[sflag:s23] =	ssyncadd.s32 @!p0 $0xFFFFC000  }
0x45: {  	_ =	swait.ge @!p2 [sflag:s25], $0x4000;
	p0 =	por p3, p2  }
0x46: {  	[sflag:s25] =	ssyncset.done @!p2 $0x0;
	s23 =	sadd.s32 @!p0 s18, s8;
	s24 =	simm.s32 @!p0 $0x0  }
0x47: {  	[sflag:s25] =	ssyncadd.s32 @!p2 $0xFFFFC000;
	s23 =	sadd.s32 @!p0 $0x10, s23;
	s25 =	simm.s32 @!p0 $0x80  }
0x48: {  	[tilespmem:s25], [sflag:$0x4] =	stream.linear.gather @!p0 [hbm4b:s23+s24], $0x80, $0x38;
	[tilespmem:$0x1C200] =	vst v63  }
0x49: {  	s23 =	simm.s32 @!p0 $0x4  }
0x4a: {  	_ =	swait.ge @!p0 [sflag:s23], $0x80  }
0x4b: {  	s26 =	sadd.s32 @!p0 s18, s9;
	[sflag:s23] =	ssyncset.done @!p0 $0x0  }
0x4c: {  	s28 =	simm.s32 @!p0 $0x180;
	s26 =	sadd.s32 @!p0 $0x10, s26;
	[sflag:s23] =	ssyncadd.s32 @!p0 $0xFFFFFF80  }
0x4d: {  	[tilespmem:s28], [sflag:$0x4] =	stream.linear.gather @!p0 [hbm4b:s26+s24], $0x80, $0x38;
	[tilespmem:$0x1C200] =	vst v63  }
0x4e: {  	_ =	swait.ge @!p0 [sflag:s23], $0x80  }
0x4f: {  	[sflag:s23] =	ssyncset.done @!p0 $0x0  }
0x50: {  	s24 =	simm.s32 @!p0 $0x4200;
	s26 =	simm.s32 @!p2 $0x200;
	[sflag:s23] =	ssyncadd.s32 @!p0 $0xFFFFFF80  }
0x51: {  	[tilespmem:s24], [sflag:$0x2] =	stream.indirect.gather @!p0 [hbm4b:s5+s25], $0x80, s25, s25, $0xb8;
	[tilespmem:$0x1C200] =	vst v63  }
0x52: {  	s28 =	simm.s32 @!p2 $0x100;
	s23 =	simm.s32 @!p2 $0x80;
	s24 =	simm.s32 @!p2 $0x4  }
0x53: {  	[spmem:s3] =	stream.indirect.scatter.add.f32 @!p2 [tilespmem:s26], [sflag:$0x4], $0x80, s28, s23, $0xb8;
	[tilespmem:$0x1C200] =	vst v63  }
0x54: {  	_ =	swait.ge @!p2 [sflag:s24], $0x4000  }
0x55: {  	s31 =	rddreg [dreg:$0x4]  }
0x56: {  	s22 =	smov.u32 s20;
	[sflag:s24] =	ssyncset.done @!p2 $0x0;
	p0 =	sge.u32 s21, s31  }
0x57: {  	[sflag:s24] =	ssyncadd.s32 @!p2 $0xFFFFC000;
	s21 =	simm.s32 @!p0 $0x2;
	p2 =	sge.u32 @!p0 s19, s6  }
0x58: {  	s20 =	sadd.s32 $0x20, s20;
	_ =	swait.ge @!p0 [sflag:s21], $0x4000;
	p2 =	por p2, p0  }
0x59: {  	[sflag:s21] =	ssyncset.done @!p0 $0x0;
	s23 =	sadd.s32 @!p2 s18, s8;
	s24 =	simm.s32 @!p2 $0x0  }
0x5a: {  	[sflag:s21] =	ssyncadd.s32 @!p0 $0xFFFFC000;
	s21 =	sadd.s32 @!p2 $0x20, s23;
	s23 =	simm.s32 @!p2 $0x4  }
0x5b: {  	[tilespmem:s24], [sflag:$0x4] =	stream.linear.gather @!p2 [hbm4b:s21+s24], $0x80, $0x38;
	[tilespmem:$0x1C200] =	vst v63  }
0x5c: {  	p1 =	sne.s32 s20, $0x640;
	_ =	swait.ge @!p2 [sflag:s23], $0x80  }
0x5d: {  	s21 =	sadd.s32 @!p2 s18, s9;
	s18 =	smov.u32 s22;
	[sflag:s23] =	ssyncset.done @!p2 $0x0  }
0x5e: {  	s22 =	simm.s32 @!p2 $0x100;
	s21 =	sadd.s32 @!p2 $0x20, s21;
	[sflag:s23] =	ssyncadd.s32 @!p2 $0xFFFFFF80  }
0x5f: {  	[tilespmem:s22], [sflag:$0x4] =	stream.linear.gather @!p2 [hbm4b:s21+s24], $0x80, $0x38;
	[tilespmem:$0x1C200] =	vst v63  }
0x60: {  	s19 =	sadd.s32 $0x2, s19;
	s26 =	simm.s32 @!p0 $0x80;
	_ =	swait.ge @!p2 [sflag:s23], $0x80  }
0x61: {  	s28 =	simm.s32 @!p0 $0x180;
	s25 =	simm.s32 @!p2 $0x200;
	[sflag:s23] =	ssyncset.done @!p2 $0x0  }
.Ltmp0:
0x62: {  	s21 =	simm.s32 @!p2 $0x80;
	[sflag:s23] =	ssyncadd.s32 @!p2 $0xFFFFFF80;
	(pc) =	sbr.rel @p1 .LBB2_2-.Ltmp0, $4  }
0x63: {  	[tilespmem:s25], [sflag:$0x1] =	stream.indirect.gather @!p2 [hbm4b:s5+s21], $0x80, s24, s21, $0xb8;
	[tilespmem:$0x1C200] =	vst v63  }
0x64: {  	s22 =	simm.s32 @!p0 $0x4200;
	s23 =	simm.s32 @!p0 $0x3;
	s21 =	sadd.s32 $0xFFFFFFFE, s19  }
0x65: {  	[spmem:s3] =	stream.indirect.scatter.add.f32 @!p0 [tilespmem:s22], [sflag:$0x3], $0x80, s28, s26, $0xb8;
	[tilespmem:$0x1C200] =	vst v63  }
0x66: {  	p2 =	sge.u32 s21, s6;
	_ =	swait.ge @!p0 [sflag:s23], $0x4000  }
0x67: {  	s20 =	sadd.s32 @!p2 $0xFFFFFFFF, s19;
	[sflag:s23] =	ssyncset.done @!p0 $0x0  }
0x68: {  	s22 =	simm.s32 @!p2 $0x1;
	p1 =	sge.u32 @!p2 s20, s6;
	[sflag:s23] =	ssyncadd.s32 @!p0 $0xFFFFC000  }
0x69: {  	_ =	swait.ge @!p2 [sflag:s22], $0x4000;
	p0 =	por p1, p2  }
0x6a: {  	[sflag:s22] =	ssyncset.done @!p2 $0x0;
	s20 =	sadd.s32 @!p0 s18, s8;
	s23 =	simm.s32 @!p0 $0x0  }
0x6b: {  	[sflag:s22] =	ssyncadd.s32 @!p2 $0xFFFFC000;
	s20 =	sadd.s32 @!p0 $0x10, s20;
	s22 =	simm.s32 @!p0 $0x80  }
0x6c: {  	[tilespmem:s22], [sflag:$0x4] =	stream.linear.gather @!p0 [hbm4b:s20+s23], $0x80, $0x38;
	[tilespmem:$0x1C200] =	vst v63  }
0x6d: {  	s20 =	simm.s32 @!p0 $0x4  }
0x6e: {  	_ =	swait.ge @!p0 [sflag:s20], $0x80  }
0x6f: {  	s24 =	sadd.s32 @!p0 s18, s9;
	[sflag:s20] =	ssyncset.done @!p0 $0x0  }
0x70: {  	s25 =	simm.s32 @!p0 $0x180;
	s24 =	sadd.s32 @!p0 $0x10, s24;
	[sflag:s20] =	ssyncadd.s32 @!p0 $0xFFFFFF80  }
0x71: {  	[tilespmem:s25], [sflag:$0x4] =	stream.linear.gather @!p0 [hbm4b:s24+s23], $0x80, $0x38;
	[tilespmem:$0x1C200] =	vst v63  }
0x72: {  	_ =	swait.ge @!p0 [sflag:s20], $0x80  }
0x73: {  	[sflag:s20] =	ssyncset.done @!p0 $0x0  }
0x74: {  	s23 =	simm.s32 @!p0 $0x4200;
	s24 =	simm.s32 @!p2 $0x200;
	[sflag:s20] =	ssyncadd.s32 @!p0 $0xFFFFFF80  }
0x75: {  	[tilespmem:s23], [sflag:$0x2] =	stream.indirect.gather @!p0 [hbm4b:s5+s22], $0x80, s22, s22, $0xb8;
	[tilespmem:$0x1C200] =	vst v63  }
0x76: {  	s20 =	simm.s32 @!p2 $0x80;
	s22 =	simm.s32 @!p2 $0x100;
	s23 =	simm.s32 @!p2 $0x4  }
0x77: {  	[spmem:s3] =	stream.indirect.scatter.add.f32 @!p2 [tilespmem:s24], [sflag:$0x4], $0x80, s22, s20, $0xb8;
	[tilespmem:$0x1C200] =	vst v63  }
0x78: {  	_ =	swait.ge @!p2 [sflag:s23], $0x4000  }
0x79: {  	s31 =	rddreg [dreg:$0x4]  }
0x7a: {  	[sflag:s23] =	ssyncset.done @!p2 $0x0;
	p0 =	sge.u32 s21, s31  }
0x7b: {  	[sflag:s23] =	ssyncadd.s32 @!p2 $0xFFFFC000;
	s20 =	simm.s32 @!p0 $0x2;
	p1 =	sge.u32 @!p0 s19, s6  }
0x7c: {  	_ =	swait.ge @!p0 [sflag:s20], $0x4000;
	p1 =	por p1, p0  }
0x7d: {  	[sflag:s20] =	ssyncset.done @!p0 $0x0;
	s19 =	sadd.s32 @!p1 s18, s8;
	s21 =	simm.s32 @!p1 $0x0  }
0x7e: {  	[sflag:s20] =	ssyncadd.s32 @!p0 $0xFFFFC000;
	s19 =	sadd.s32 @!p1 $0x20, s19;
	s20 =	simm.s32 @!p1 $0x4  }
0x7f: {  	[tilespmem:s21], [sflag:$0x4] =	stream.linear.gather @!p1 [hbm4b:s19+s21], $0x80, $0x38;
	[tilespmem:$0x1C200] =	vst v63  }
0x80: {  	_ =	swait.ge @!p1 [sflag:s20], $0x80  }
0x81: {  	s18 =	sadd.s32 @!p1 s18, s9;
	[sflag:s20] =	ssyncset.done @!p1 $0x0  }
0x82: {  	s18 =	sadd.s32 @!p1 $0x20, s18;
	s19 =	simm.s32 @!p1 $0x100;
	[sflag:s20] =	ssyncadd.s32 @!p1 $0xFFFFFF80  }
0x83: {  	[tilespmem:s19], [sflag:$0x4] =	stream.linear.gather @!p1 [hbm4b:s18+s21], $0x80, $0x38;
	[tilespmem:$0x1C200] =	vst v63  }
0x84: {  	_ =	swait.ge @!p1 [sflag:s20], $0x80  }
0x85: {  	s22 =	simm.s32 @!p1 $0x200;
	[sflag:s20] =	ssyncset.done @!p1 $0x0  }
0x86: {  	s18 =	simm.s32 @!p0 $0x4200;
	s19 =	simm.s32 @!p1 $0x80;
	[sflag:s20] =	ssyncadd.s32 @!p1 $0xFFFFFF80  }
0x87: {  	[tilespmem:s22], [sflag:$0x1] =	stream.indirect.gather @!p1 [hbm4b:s5+s19], $0x80, s21, s19, $0xb8;
	[tilespmem:$0x1C200] =	vst v63  }
0x88: {  	s20 =	simm.s32 @!p0 $0x180;
	s19 =	simm.s32 @!p0 $0x80;
	s21 =	simm.s32 @!p0 $0x3  }
0x89: {  	[spmem:s3] =	stream.indirect.scatter.add.f32 @!p0 [tilespmem:s18], [sflag:$0x3], $0x80, s20, s19, $0xb8;
	[tilespmem:$0x1C200] =	vst v63  }
0x8a: {  	_ =	swait.ge @!p0 [sflag:s21], $0x4000  }
0x8b: {  	s17 =	sadd.s32 $0x1, s17;
	[sflag:s21] =	ssyncset.done @!p0 $0x0  }
0x8c: {  	[sflag:s21] =	ssyncadd.s32 @!p0 $0xFFFFC000;
	p0 =	sne.s32 s17, s11  }
.Ltmp1:
0x8d: {  	[bflag:$0x0] =	sbarrier.arrive $0xFFFF;
	(pc) =	sbr.rel @p0 .LBB2_1-.Ltmp1, $4  }
0x8e: {  	[hbm:s10], [sflag:s7] =	dma.local [spmem:s12], $0x2800  }
0x8f: {  	_ =	swait.ge [sflag:s13], $0x2800  }
0x90: {  	[sflag:s13] =	ssyncset.done $0x0  }
0x91: {  	[sflag:s13] =	ssyncadd.s32 $0xFFFFD800  }
0x92: {  	_ =	sfence.sel $0x180000  }
0x93: {  	[bflag:$0x0] =	sbarrier.arrive $0xFFFF  }
0x94: {  	p0 =	sne.s32 s1, $0x0;
	_ =	strace $0x9000004D  }
0x95: {  	s0 =	sadd.s32 @!p0 $0x100000, s0;
	[bflag:$0x2] =	sbarrier.arrive $0xFFFF  }
0x96: {  	[sflag:s0] =	ssyncadd.tile.s32 @!p0 $0x1;
	_ =	shalt  }
.Lfunc_end2:
_tile_overlayer_lowered:
.L_overlay_start_2:
0x97: {  	(tag) =	ssettag $0x2  }
0x98: {  	s0 =	rddreg [dreg:$0x0];
	s2 =	stileid.u32  }
0x99: {  	s1 =	rddreg [dreg:$0x1];
	p0 =	sne.s32 s2, $0x0  }
0x9a: {  	s3 =	rddreg [dreg:$0x2];
	[bflag:$0x3] =	sbarrier.arrive $0xFFFF;
	s2 =	simm.s32 @!p0 $0x1C03  }
0x9b: {  	[timem:s3], [sflag:s2] =	dma.local @!p0 [hbm:s0], s1  }
0x9c: {  	s0 =	simm.s32 @!p0 $0x3  }
0x9d: {  	_ =	swait.ge @!p0 [sflag:s0], s1  }
0x9e: {  	s1 =	ssub.s32 @!p0 $0x0, s1;
	[sflag:s0] =	ssyncset.done @!p0 $0x0  }
0x9f: {  	[sflag:s0] =	ssyncadd.s32 @!p0 s1  }
0xa0: {  	[bflag:$0x3] =	sbarrier.arrive $0xFFFF  }
0xa1: {  	_ =	shalt  }

// kernel: kernel.19.cloned.1.call-start
scs
__scs_entry_jumppad:
0x0: {  	(pc) =	sbr.rel $0x88, $3  }
0x1: {  	(tag) =	ssettag $0x0;
	lr =	simm.s32 $0x1  }
0x2: {  	[smem:$0x3F8C] =	sst lr;
	_ =	strace $0xD0000000  }
0x3: {  	_ = 	snop  }
0x4: {  	_ = 	snop  }
0x5: {  	_ = 	snop  }
0x6: {  	_ = 	snop  }
0x7: {  	_ = 	snop  }
__scs_overlays_trampoline_lowered:
0x8: {  	[smem:$0x3F9B] =	sst s0  }
0x9: {  	[smem:$0x3F9C] =	sst s1  }
0xa: {  	[smem:$0x3F9D] =	sst s2  }
0xb: {  	[smem:$0x3F9E] =	sst s3  }
0xc: {  	[smem:$0x3F9F] =	sst s4  }
0xd: {  	[smem:$0x3FA0] =	sst s5  }
0xe: {  	[smem:$0x3FA1] =	sst s6  }
0xf: {  	[smem:$0x3FA2] =	sst s7  }
0x10: {  	[smem:$0x3FA3] =	sst s8  }
0x11: {  	[smem:$0x3FA4] =	sst s9;
	s0 =	simm.s32 @!p0 $0x0  }
0x12: {  	s1 =	sld [smem:$0x3F8A];
	s0 =	simm.s32 @p0 $0x1  }
0x13: {  	[smem:$0x3FA5] =	sst s0;
	s0 =	simm.s32 @!p1 $0x0  }
0x14: {  	s2 =	sld [smem:$0x3F89];
	s0 =	simm.s32 @p1 $0x1  }
0x15: {  	[smem:$0x3FA6] =	sst s0;
	s0 =	simm.s32 @!p2 $0x0  }
0x16: {  	s3 =	sld [smem:$0x3FDB];
	s0 =	simm.s32 @p2 $0x1  }
0x17: {  	s4 =	simm.s32 $0x1BF5;
	[smem:$0x3FA8] =	sst s0  }
0x18: {  	s0 =	sld [smem:$0x3F8B];
	_ =	swait.ge [sflag:s4], $0x0  }
0x19: {  	s7 =	sld [smem:$0x3F8C]  }
0x1a: {  	s8 =	sadd.s32 $0xFFFFE003, lr  }
0x1b: {  	s9 =	sadd.s32 $0xFFFFFEF7, lr;
	s5 =	simm.s32 $0xFFFFFFFF;
	p2 =	slt.u32 s8, $0xFFFFF086  }
0x1c: {  	p1 =	slt.u32 s9, $0xF7A;
	s5 =	simm.s32 @!p2 $0x0  }
0x1d: {  	s5 =	simm.s32 @p1 $0x1;
	p0 =	seq.s32 s7, s2  }
0x1e: {  	s7 =	smul.u32 @!p0 $0xF7A, s2;
	p2 =	seq.s32 @!p0 s5, $0x0  }
0x1f: {  	s9 =	smul.u32 $0xF7A, s1;
	s8 =	simm.s32 @!p0 $0x1BF5;
	p2 =	por !p2, p0  }
0x20: {  	[sflag:s8] =	ssyncset.s32 @!p0 $0xFFFFF086;
	s6 =	sadd.s32 @!p0 s3, s7;
	s7 =	simm.s32 @!p0 $0x108  }
0x21: {  	s3 =	sadd.s32 s3, s9;
	s6 =	sadd.s32 @!p0 $0x88, s6;
	s7 =	simm.s32 @p2 $0x1082  }
0x22: {  	[simem:s7], [sflag:s8] =	dma.local @!p0 [hbm:s6], $0xF7A  }
0x23: {  	s9 =	sor.u32 $0xD0000000, s2;
	s6 =	simm.s32 $0x108;
	_ =	swait.ge @!p0 [sflag:s8], $0x0  }
0x24: {  	s3 =	sadd.s32 $0x88, s3;
	s6 =	simm.s32 @!p1 $0x1082;
	[sflag:s4] =	ssyncset.s32 $0xFFFFF086  }
0x25: {  	[simem:s6], [sflag:s4] =	dma.local [hbm:s3], $0xF7A  }
0x26: {  	[smem:$0x3F8C] =	sst s1;
	(tag) =	ssettag s2;
	_ =	strace s9  }
0x27: {  	s1 =	sld [smem:$0x3F9C]  }
0x28: {  	s2 =	sld [smem:$0x3F9D]  }
0x29: {  	s4 =	sld [smem:$0x3F9F]  }
0x2a: {  	p0 =	seq.s32 s5, $0x0;
	s5 =	sld [smem:$0x3FA0]  }
0x2b: {  	s6 =	sld [smem:$0x3FA1]  }
0x2c: {  	s7 =	sld [smem:$0x3FA2]  }
0x2d: {  	s3 =	simm.s32 $0x108;
	s8 =	sld [smem:$0x3FA3]  }
0x2e: {  	s3 =	simm.s32 @!p0 $0x1082;
	s9 =	sld [smem:$0x3FA4]  }
0x2f: {  	lr =	sadd.s32 s0, s3;
	s0 =	sld [smem:$0x3F9B]  }
0x30: {  	s3 =	sld [smem:$0x3F9E]  }
0x31: {  	[smem:$0x3FA7] =	sst s10  }
0x32: {  	s10 =	sld [smem:$0x3FA5];
	_ =	sdelay $0x3  }
0x33: {  	p0 =	seq.s32 s10, $0x1;
	s10 =	sld [smem:$0x3FA7];
	_ =	sdelay $0x3  }
0x34: {  	[smem:$0x3FA7] =	sst s10  }
0x35: {  	s10 =	sld [smem:$0x3FA6];
	_ =	sdelay $0x3  }
0x36: {  	p1 =	seq.s32 s10, $0x1;
	s10 =	sld [smem:$0x3FA7];
	_ =	sdelay $0x3  }
0x37: {  	[smem:$0x3FA7] =	sst s10  }
0x38: {  	s10 =	sld [smem:$0x3FA8]  }
0x39: {  	_ = 	snop;
	(pc) =	sbr.ind lr, $3  }
0x3a: {  	_ = 	snop  }
0x3b: {  	_ = 	snop  }
0x3c: {  	p2 =	seq.s32 s10, $0x1;
	s10 =	sld [smem:$0x3FA7]  }
0x3d: {  	_ =	shalt  }
0x3e: {  	_ =	shalt  }
0x3f: {  	_ =	shalt  }
0x40: {  	_ =	shalt  }
0x41: {  	_ =	shalt  }
0x42: {  	_ =	shalt  }
0x43: {  	_ =	shalt  }
0x44: {  	_ =	shalt  }
0x45: {  	_ =	shalt  }
0x46: {  	_ =	shalt  }
0x47: {  	_ =	shalt  }
0x48: {  	_ =	shalt  }
0x49: {  	_ =	shalt  }
0x4a: {  	_ =	shalt  }
0x4b: {  	_ =	shalt  }
0x4c: {  	_ =	shalt  }
0x4d: {  	_ =	shalt  }
0x4e: {  	_ =	shalt  }
0x4f: {  	_ =	shalt  }
0x50: {  	_ =	shalt  }
0x51: {  	_ =	shalt  }
0x52: {  	_ =	shalt  }
0x53: {  	_ =	shalt  }
0x54: {  	_ =	shalt  }
0x55: {  	_ =	shalt  }
0x56: {  	_ =	shalt  }
0x57: {  	_ =	shalt  }
0x58: {  	_ =	shalt  }
0x59: {  	_ =	shalt  }
0x5a: {  	_ =	shalt  }
0x5b: {  	_ =	shalt  }
0x5c: {  	_ =	shalt  }
0x5d: {  	_ =	shalt  }
0x5e: {  	_ =	shalt  }
0x5f: {  	_ =	shalt  }
0x60: {  	_ =	shalt  }
0x61: {  	_ =	shalt  }
0x62: {  	_ =	shalt  }
0x63: {  	_ =	shalt  }
0x64: {  	_ =	shalt  }
0x65: {  	_ =	shalt  }
0x66: {  	_ =	shalt  }
0x67: {  	_ =	shalt  }
0x68: {  	_ =	shalt  }
0x69: {  	_ =	shalt  }
0x6a: {  	_ =	shalt  }
0x6b: {  	_ =	shalt  }
0x6c: {  	_ =	shalt  }
0x6d: {  	_ =	shalt  }
0x6e: {  	_ =	shalt  }
0x6f: {  	_ =	shalt  }
0x70: {  	_ =	shalt  }
0x71: {  	_ =	shalt  }
0x72: {  	_ =	shalt  }
0x73: {  	_ =	shalt  }
0x74: {  	_ =	shalt  }
0x75: {  	_ =	shalt  }
0x76: {  	_ =	shalt  }
0x77: {  	_ =	shalt  }
0x78: {  	_ =	shalt  }
0x79: {  	_ =	shalt  }
0x7a: {  	_ =	shalt  }
0x7b: {  	_ =	shalt  }
0x7c: {  	_ =	shalt  }
0x7d: {  	_ =	shalt  }
0x7e: {  	_ =	shalt  }
0x7f: {  	_ =	shalt  }
0x80: {  	_ =	shalt  }
0x81: {  	_ =	shalt  }
0x82: {  	_ =	shalt  }
0x83: {  	_ =	shalt  }
0x84: {  	_ =	shalt  }
0x85: {  	_ =	shalt  }
0x86: {  	_ =	shalt  }
0x87: {  	_ =	shalt  }
.Lfunc_end0:
.L_simem_size_0:
called_computation.3_lowered:
.L_overlay_start_0:
0x88: {  	s2 =	sld [smem:$0x3FD9]  }
0x89: {  	s3 =	sld [smem:$0x3FFE];
	_ =	sdelay $0x1  }
0x8a: {  	s1 =	srdreg.scid  }
0x8b: {  	s0 =	sand.u32 $0x1, s1  }
0x8c: {  	s16 =	sshll.u32 s0, $0xA;
	s2 =	sadd.s32 s3, s2  }
0x8d: {  	s2 =	sadd.s32 s2, s16  }
0x8e: {  	[smem:$0x3FB3] =	sst s2  }
0x8f: {  	_ = 	snop  }
0x90: {  	(tm) =	ssettm $0x1  }
0x91: {  	s17 =	sld [smem:$0x3FFB];
	_ =	sdelay $0x3  }
0x92: {  	_ =	strace s17  }
0x93: {  	s2 =	sld [smem:$0x3FFC];
	_ =	sdelay $0x3  }
0x94: {  	_ =	strace s2  }
0x95: {  	s2 =	sld [smem:$0x3FFD];
	_ =	sdelay $0x3  }
0x96: {  	_ =	strace s2  }
0x97: {  	_ =	strace $0x8FFFFFFF  }
0x98: {  	s18 =	sld [smem:$0x3FDB];
	_ =	sdelay $0x1  }
0x99: {  	s19 =	simm.s32 $_scs_section_size  }
0x9a: {  	s4 =	simm.s32 $_size__tile_overlayer_lowered;
	s5 =	simm.s32 $_tile_overlayer_lowered  }
0x9b: {  	s22 =	simm.s32 $0x1BFF;
	s21 =	sshll.u32 s5, $0x1;
	s2 =	sadd.s32 s19, s18  }
0x9c: {  	s6 =	simm.s32 $0x0;
	s20 =	sshll.u32 s4, $0x1;
	s4 =	sadd.s32 s21, s2  }
0x9d: {  	[timem:s6], [sflag:s22] =	dma.local [hbm:s4], s20  }
0x9e: {  	_ =	swait.ge [sflag:s22], s20  }
0x9f: {  	s3 =	ssub.s32 $0x0, s20;
	[sflag:s22] =	ssyncset.done $0x0  }
0xa0: {  	[sflag:s22] =	ssyncadd.s32 s3;
	_ =	sdelay $0x1  }
0xa1: {  	s23 =	simm.s32 $0x1B8B  }
0xa2: {  	_ =	swait.ge [sflag:s23], $0x1  }
0xa3: {  	[sflag:s23] =	ssyncset.done $0x0  }
0xa4: {  	s25 =	simm.s32 $0x1B8E;
	s24 =	sld [smem:$0x3FFE];
	[sflag:s23] =	ssyncadd.s32 $0xFFFFFFFF  }
0xa5: {  	s26 =	simm.s32 $execute0_lowered;
	[smem:$0x3FD2] =	sst s25  }
0xa6: {  	s4 =	sshll.u32 s26, $0x1;
	_ =	strace $0x8000004F;
	[dreg:$0x1] =	wrdreg $0xFFFFFFFF  }
0xa7: {  	s28 =	simm.s32 $_size_execute0_lowered;
	s2 =	sadd.s32 s2, s4;
	[dreg:$0x0] =	wrdreg $0x0  }
0xa8: {  	s4 =	sshll.u32 s28, $0x1;
	[dreg:$0x2] =	wrdreg s2  }
0xa9: {  	[dreg:$0x3] =	wrdreg s4  }
0xaa: {  	[dreg:$0x4] =	wrdreg $0xC0  }
0xab: {  	_ =	task [dreg:s6], $0x5FFFF  }
0xac: {  	[dreg:$0x1] =	wrdreg $0xFFFFFFFF  }
0xad: {  	[dreg:$0x0] =	wrdreg $0x60  }
0xae: {  	[dreg:$0x2] =	wrdreg s24  }
0xaf: {  	[dreg:$0x3] =	wrdreg $0x9  }
0xb0: {  	_ =	task.clear_ibuf [dreg:s6], $0x4FFFF;
	_ =	strace $0x9000004F  }
0xb1: {  	s29 =	simm.s32 $0x9;
	_ =	strace $0x80000051  }
0xb2: {  	_ =	swait.ge [sflag:s29], $0x1  }
0xb3: {  	[sflag:s29] =	ssyncadd.s32 $0xFFFFFFFF  }
0xb4: {  	_ =	strace $0x90000051  }
0xb5: {  	_ =	sfence  }
0xb6: {  	s30 =	sld [smem:$0x0];
	_ =	sdelay $0x2  }
0xb7: {  	s31 =	sshll.u32 s1, $0xD;
	s1 =	sshrl.u32 s1, $0x2  }
0xb8: {  	s3 =	sand.u32 $0x4000, s31;
	s1 =	sadd.s32 s1, s30  }
0xb9: {  	s0 =	sor.u32 s3, s0;
	s1 =	sshll.u32 s1, $0x11  }
0xba: {  	s0 =	sor.u32 s1, s0  }
0xbb: {  	s0 =	sadd.s32 $0x8F2B, s0  }
0xbc: {  	[sflag:s0] =	ssyncadd.remote.s32 $0x1  }
0xbd: {  	_ =	sfence.sel $0xFFFF  }
0xbe: {  	[dreg:$0x0] =	wrdreg $0xFFFFFFFF;
	(pc) =	sbr.abs _section_cstart, $3  }
0xbf: {  	[dreg:$0x1] =	wrdreg $0xFFFFFFFF  }
0xc0: {  	_ =	task.clear_ibuf [dreg:s6], $0x2FFFF;
	_ =	strace $0x9FFFFFFF  }
0xc1: {  	(tm) =	ssettm $0x7FFFFFFF  }
tec
execute0_lowered:
.L_overlay_start_1:
0x0: {  	(tag) =	ssettag $0x1  }
0x1: {  	s0 =	rddreg [dreg:$0x0];
	s4 =	stileid.u32  }
0x2: {  	s1 =	srdreg.scid;
	s2 =	simm.s32 $0x0;
	s14 =	simm.s32 $0x5  }
0x3: {  	s16 =	simm.s32 $0x80;
	s19 =	simm.s32 $0x3;
	s20 =	simm.s32 $0x4  }
0x4: {  	s21 =	simm.s32 $0x0;
	s3 =	smul.u32 $0x3A, s4;
	s1 =	sand.u32 $0x1, s1  }
0x5: {  	s4 =	smul.u32 $0x64, s4;
	[smem:$0x7FF] =	sst s2;
	s5 =	sadd.s32 $0xFE00, s0  }
0x6: {  	s6 =	sadd.s32 $0x5C00, s0;
	p0 =	seq.s32 s1, $0x0;
	_ =	strace $0x80000050  }
0x7: {  	s1 =	ssub.s32 $0x2, s1;
	s8 =	sadd.s32 $0x640, s3;
	s3 =	sadd.s32 $0x19C00, s0  }
0x8: {  	s9 =	sshrl.u32 s1, $0x1;
	s8 =	smov.u32 @p0 s4;
	s4 =	sadd.s32 $0x41C00, s0  }
0x9: {  	s1 =	ssub.s32 s1, s9;
	s7 =	sshll.u32 s8, $0xB;
	s8 =	sshll.u32 s8, $0x4  }
0xa: {  	s11 =	smax.u32 s1, $0x1;
	s0 =	sadd.s32 s7, s0;
	s7 =	simm.s32 $0x64  }
0xb: {  	s31 =	sadd.s32 s5, s8;
	s10 =	sadd.s32 s6, s8;
	s7 =	simm.s32 @!p0 $0x3A  }
0xc: {  	[dreg:$0x2] =	wrdreg s31;
	s12 =	sadd.s32 $0x69C00, s0;
	s13 =	sadd.s32 $0x559C00, s0  }
.LBB2_1:
0xd: {  	s0 =	rddreg [dreg:$0x2]  }
0xe: {  	[tilespmem:s2], [sflag:$0x5] =	stream.linear.gather [hbm4b:s0+s2], $0x80, $0x38;
	[tilespmem:$0x10200] =	vst v63  }
0xf: {  	_ =	swait.ge [sflag:s14], $0x80  }
0x10: {  	[sflag:s14] =	ssyncset.done $0x0  }
0x11: {  	s26 =	simm.s32 $0x100;
	[sflag:s14] =	ssyncadd.s32 $0xFFFFFF80  }
0x12: {  	[tilespmem:s26], [sflag:$0x5] =	stream.linear.gather [hbm4b:s10+s2], $0x80, $0x38;
	[tilespmem:$0x10200] =	vst v63  }
0x13: {  	_ =	swait.ge [sflag:s14], $0x80  }
0x14: {  	p0 =	sle.u32 s7, $0x0;
	[sflag:s14] =	ssyncset.done $0x0  }
0x15: {  	s1 =	simm.s32 $0x200;
	p0 =	por p0, p0;
	[sflag:s14] =	ssyncadd.s32 $0xFFFFFF80  }
0x16: {  	[tilespmem:s1], [sflag:$0x1] =	stream.indirect.gather [hbm4b:s3+s16], $0x80, s2, s16, $0xb8;
	[tilespmem:$0x10200] =	vst v63  }
0x17: {  	s30 =	simm.s32 $0x8200;
	s0 =	simm.s32 @!p0 $0x1  }
0x18: {  	[tilespmem:s30], [sflag:$0x1] =	stream.indirect.gather [hbm4b:s4+s16], $0x80, s26, s16, $0xb8;
	[tilespmem:$0x10200] =	vst v63  }
0x19: {  	_ =	swait.ge @!p0 [sflag:s0], $0x4000  }
0x1a: {  	p2 =	sle.u32 @!p0 s7, $0x1;
	[sflag:s0] =	ssyncset.done @!p0 $0x0  }
0x1b: {  	p1 =	por p2, p0;
	[sflag:s0] =	ssyncadd.s32 @!p0 $0xFFFFC000  }
0x1c: {  	s17 =	simm.s32 @!p1 $0x0;
	_ =	swait.ge @!p0 [sflag:s0], $0x4000  }
0x1d: {  	s22 =	simm.s32 @!p1 $0x80;
	s1 =	sadd.s32 @!p1 s5, s8;
	[sflag:s0] =	ssyncset.done @!p0 $0x0  }
0x1e: {  	s1 =	sadd.s32 @!p1 $0x10, s1;
	[sflag:s0] =	ssyncadd.s32 @!p0 $0xFFFFC000;
	s0 =	simm.s32 @!p1 $0x5  }
0x1f: {  	[tilespmem:s22], [sflag:$0x5] =	stream.linear.gather @!p1 [hbm4b:s1+s17], $0x80, $0x38;
	[tilespmem:$0x10200] =	vst v63  }
0x20: {  	_ =	swait.ge @!p1 [sflag:s0], $0x80  }
0x21: {  	p3 =	por @!p1 $0x1, $0x1;
	s1 =	sadd.s32 @!p1 s6, s8;
	[sflag:s0] =	ssyncset.done @!p1 $0x0  }
0x22: {  	s23 =	simm.s32 @!p1 $0x180;
	s1 =	sadd.s32 @!p1 $0x10, s1;
	[sflag:s0] =	ssyncadd.s32 @!p1 $0xFFFFFF80  }
0x23: {  	[tilespmem:s23], [sflag:$0x5] =	stream.linear.gather @!p1 [hbm4b:s1+s17], $0x80, $0x38;
	[tilespmem:$0x10200] =	vst v63  }
0x24: {  	p2 =	por @!p0 p3, p2;
	_ =	swait.ge @!p1 [sflag:s0], $0x80  }
0x25: {  	p2 =	por p2, p0;
	[sflag:s0] =	ssyncset.done @!p1 $0x0  }
0x26: {  	s1 =	simm.s32 @!p2 $0x4;
	[sflag:s0] =	ssyncadd.s32 @!p1 $0xFFFFFF80  }
0x27: {  	_ =	swait.ge @!p2 [sflag:s1], $0x4000  }
0x28: {  	[sflag:s1] =	ssyncset.done @!p2 $0x0  }
0x29: {  	[sflag:s1] =	ssyncadd.s32 @!p2 $0xFFFFC000  }
0x2a: {  	_ =	swait.ge @!p2 [sflag:s1], $0x4000  }
0x2b: {  	[sflag:s1] =	ssyncset.done @!p2 $0x0  }
0x2c: {  	s0 =	simm.s32 @!p1 $0x4200;
	[sflag:s1] =	ssyncadd.s32 @!p2 $0xFFFFC000  }
0x2d: {  	[tilespmem:s0], [sflag:$0x2] =	stream.indirect.gather @!p1 [hbm4b:s3+s22], $0x80, s22, s22, $0xb8;
	[tilespmem:$0x10200] =	vst v63  }
0x2e: {  	s0 =	simm.s32 @!p1 $0xC200  }
0x2f: {  	[tilespmem:s0], [sflag:$0x2] =	stream.indirect.gather @!p1 [hbm4b:s4+s22], $0x80, s23, s22, $0xb8;
	[tilespmem:$0x10200] =	vst v63  }
0x30: {  	s17 =	simm.s32 @!p0 $0x200;
	s1 =	simm.s32 @!p0 $0x0;
	s0 =	sadd.s32 @!p0 $0x0, s12  }
0x31: {  	[hbm4b:s0+s1] =	stream.linear.scatter @!p0 [tilespmem:s17], [sflag:$0x3], $0x4000, $0x38;
	[tilespmem:$0x10200] =	vst v63  }
0x32: {  	p2 =	sle.u32 s7, $0x1;
	s0 =	sadd.s32 @!p0 $0x0, s13;
	s17 =	simm.s32 @!p0 $0x8200  }
0x33: {  	[hbm4b:s0+s1] =	stream.linear.scatter @!p0 [tilespmem:s17], [sflag:$0x3], $0x4000, $0x38;
	[tilespmem:$0x10200] =	vst v63  }
0x34: {  	s0 =	simm.s32 @!p2 $0x2  }
0x35: {  	_ =	swait.ge @!p2 [sflag:s0], $0x4000  }
0x36: {  	[sflag:s0] =	ssyncset.done @!p2 $0x0  }
0x37: {  	p0 =	sle.u32 @!p2 s7, $0x2;
	[sflag:s0] =	ssyncadd.s32 @!p2 $0xFFFFC000  }
0x38: {  	p0 =	por p0, p2;
	_ =	swait.ge @!p2 [sflag:s0], $0x4000  }
0x39: {  	s1 =	sadd.s32 @!p0 s5, s8;
	s17 =	simm.s32 @!p0 $0x5;
	[sflag:s0] =	ssyncset.done @!p2 $0x0  }
0x3a: {  	[sflag:s0] =	ssyncadd.s32 @!p2 $0xFFFFC000;
	s0 =	sadd.s32 @!p0 $0x20, s1;
	s1 =	simm.s32 @!p0 $0x0  }
0x3b: {  	[tilespmem:s1], [sflag:$0x5] =	stream.linear.gather @!p0 [hbm4b:s0+s1], $0x80, $0x38;
	[tilespmem:$0x10200] =	vst v63  }
0x3c: {  	_ =	swait.ge @!p0 [sflag:s17], $0x80  }
0x3d: {  	s0 =	sadd.s32 @!p0 s6, s8;
	[sflag:s17] =	ssyncset.done @!p0 $0x0  }
0x3e: {  	s23 =	simm.s32 @!p0 $0x100;
	s0 =	sadd.s32 @!p0 $0x20, s0;
	[sflag:s17] =	ssyncadd.s32 @!p0 $0xFFFFFF80  }
0x3f: {  	[tilespmem:s23], [sflag:$0x5] =	stream.linear.gather @!p0 [hbm4b:s0+s1], $0x80, $0x38;
	[tilespmem:$0x10200] =	vst v63  }
0x40: {  	_ =	swait.ge @!p0 [sflag:s17], $0x80  }
0x41: {  	[sflag:s17] =	ssyncset.done @!p0 $0x0  }
0x42: {  	s0 =	simm.s32 @!p0 $0x3;
	[sflag:s17] =	ssyncadd.s32 @!p0 $0xFFFFFF80  }
0x43: {  	_ =	swait.ge @!p0 [sflag:s0], $0x4000  }
0x44: {  	s24 =	simm.s32 $0x2;
	[sflag:s0] =	ssyncset.done @!p0 $0x0  }
0x45: {  	s28 =	simm.s32 $0x2000;
	s29 =	simm.s32 $0x4;
	[sflag:s0] =	ssyncadd.s32 @!p0 $0xFFFFC000  }
0x46: {  	s31 =	simm.s32 @!p2 $0x0;
	s22 =	simm.s32 $0x1000;
	_ =	swait.ge @!p0 [sflag:s0], $0x4000  }
0x47: {  	p1 =	sle.u32 s7, $0x2;
	s26 =	simm.s32 @!p0 $0x80;
	[sflag:s0] =	ssyncset.done @!p0 $0x0  }
0x48: {  	s17 =	sadd.s32 @!p2 $0x0, s12;
	[sflag:s0] =	ssyncadd.s32 @!p0 $0xFFFFC000;
	s0 =	simm.s32 @!p0 $0x200  }
0x49: {  	[tilespmem:s0], [sflag:$0x1] =	stream.indirect.gather @!p0 [hbm4b:s3+s26], $0x80, s1, s26, $0xb8;
	[tilespmem:$0x10200] =	vst v63  }
0x4a: {  	s0 =	sadd.s32 @!p2 $0x800, s17;
	s17 =	sadd.s32 @!p2 $0x0, s13;
	s1 =	simm.s32 @!p0 $0x8200  }
0x4b: {  	[tilespmem:s1], [sflag:$0x1] =	stream.indirect.gather @!p0 [hbm4b:s4+s26], $0x80, s23, s26, $0xb8;
	[tilespmem:$0x10200] =	vst v63  }
0x4c: {  	s25 =	simm.s32 @!p1 $0x3;
	s17 =	sadd.s32 @!p2 $0x800, s17;
	s1 =	simm.s32 @!p2 $0x4200  }
0x4d: {  	p0 =	por p1, p1;
	s23 =	sadd.s32 $0x20, s5;
	s26 =	smov.u32 s6  }
.LBB2_2:
0x4e: {  	p3 =	sge.u32 s29, s7  }
0x4f: {  	s26 =	sadd.s32 $0x20, s26;
	s30 =	smov.u32 s28;
	s28 =	sadd.s32 $0x1000, s28  }
0x50: {  	[hbm4b:s0+s31] =	stream.linear.scatter @!p2 [tilespmem:s1], [sflag:$0x4], $0x4000, $0x38;
	[tilespmem:$0x10200] =	vst v63  }
0x51: {  	s18 =	simm.s32 @!p2 $0xC200;
	s0 =	sadd.s32 @!p3 $0x1, s29;
	s1 =	simm.s32 @!p0 $0x1  }
0x52: {  	[hbm4b:s17+s31] =	stream.linear.scatter @!p2 [tilespmem:s18], [sflag:$0x4], $0x4000, $0x38;
	[tilespmem:$0x10200] =	vst v63  }
0x53: {  	p4 =	sge.u32 @!p0 s25, s7;
	p1 =	sne.s32 s28, $0x32000;
	_ =	swait.ge @!p0 [sflag:s1], $0x4000  }
0x54: {  	s25 =	smov.u32 s0;
	p2 =	por p4, p0;
	[sflag:s1] =	ssyncset.done @!p0 $0x0  }
0x55: {  	s0 =	sadd.s32 @!p2 s23, s8;
	s17 =	simm.s32 @!p2 $0x0;
	[sflag:s1] =	ssyncadd.s32 @!p0 $0xFFFFC000  }
0x56: {  	s18 =	simm.s32 @!p2 $0x80;
	s0 =	sadd.s32 @!p2 $0x10, s0;
	_ =	swait.ge @!p0 [sflag:s1], $0x4000  }
0x57: {  	s31 =	sadd.s32 @!p2 s26, s8;
	p5 =	seq.s32 @!p2 s22, $0x0;
	[sflag:s1] =	ssyncset.done @!p0 $0x0  }
0x58: {  	s31 =	sadd.s32 @!p2 $0x10, s31;
	[sflag:s1] =	ssyncadd.s32 @!p0 $0xFFFFC000;
	s1 =	simm.s32 @!p2 $0x5  }
0x59: {  	[tilespmem:s18], [sflag:$0x5] =	stream.linear.gather @!p2 [hbm4b:s0+s17], $0x80, $0x38;
	[tilespmem:$0x10200] =	vst v63  }
0x5a: {  	p4 =	por @!p0 p5, p4;
	s0 =	simm.s32 @!p2 $0x180;
	_ =	swait.ge @!p2 [sflag:s1], $0x80  }
0x5b: {  	[sflag:s1] =	ssyncset.done @!p2 $0x0  }
0x5c: {  	p4 =	por p4, p0;
	[sflag:s1] =	ssyncadd.s32 @!p2 $0xFFFFFF80  }
0x5d: {  	[tilespmem:s0], [sflag:$0x5] =	stream.linear.gather @!p2 [hbm4b:s31+s17], $0x80, $0x38;
	[tilespmem:$0x10200] =	vst v63  }
0x5e: {  	s17 =	simm.s32 @!p4 $0x4;
	_ =	swait.ge @!p2 [sflag:s1], $0x80  }
0x5f: {  	[sflag:s1] =	ssyncset.done @!p2 $0x0  }
0x60: {  	[sflag:s1] =	ssyncadd.s32 @!p2 $0xFFFFFF80  }
0x61: {  	_ =	swait.ge @!p4 [sflag:s17], $0x4000  }
0x62: {  	[sflag:s17] =	ssyncset.done @!p4 $0x0  }
0x63: {  	[sflag:s17] =	ssyncadd.s32 @!p4 $0xFFFFC000  }
0x64: {  	s1 =	simm.s32 @!p2 $0x4200;
	_ =	swait.ge @!p4 [sflag:s17], $0x4000  }
0x65: {  	s31 =	simm.s32 @!p2 $0xC200;
	[sflag:s17] =	ssyncset.done @!p4 $0x0  }
0x66: {  	[sflag:s17] =	ssyncadd.s32 @!p4 $0xFFFFC000  }
0x67: {  	[tilespmem:s1], [sflag:$0x2] =	stream.indirect.gather @!p2 [hbm4b:s3+s18], $0x80, s18, s18, $0xb8;
	[tilespmem:$0x10200] =	vst v63  }
0x68: {  	s1 =	sadd.s32 $0x1, s24  }
0x69: {  	[tilespmem:s31], [sflag:$0x2] =	stream.indirect.gather @!p2 [hbm4b:s4+s18], $0x80, s0, s18, $0xb8;
	[tilespmem:$0x10200] =	vst v63  }
0x6a: {  	s17 =	simm.s32 @!p0 $0x0;
	s0 =	sadd.s32 @!p0 s22, s12;
	s18 =	simm.s32 @!p0 $0x200  }
0x6b: {  	[hbm4b:s0+s17] =	stream.linear.scatter @!p0 [tilespmem:s18], [sflag:$0x3], $0x4000, $0x38;
	[tilespmem:$0x10200] =	vst v63  }
0x6c: {  	p2 =	sge.u32 s1, s7;
	s0 =	sadd.s32 @!p0 s22, s13;
	s18 =	simm.s32 @!p0 $0x8200  }
0x6d: {  	[hbm4b:s0+s17] =	stream.linear.scatter @!p0 [tilespmem:s18], [sflag:$0x3], $0x4000, $0x38;
	[tilespmem:$0x10200] =	vst v63  }
0x6e: {  	s1 =	sadd.s32 @!p2 s22, s12;
	s18 =	simm.s32 @!p2 $0x2;
	s0 =	sadd.s32 @!p2 $0x2, s24  }
0x6f: {  	p0 =	sge.u32 @!p2 s0, s7;
	s0 =	sadd.s32 @!p2 $0x800, s1;
	_ =	swait.ge @!p2 [sflag:s18], $0x4000  }
0x70: {  	s31 =	simm.s32 @!p2 $0x0;
	s1 =	simm.s32 @!p2 $0x4200;
	[sflag:s18] =	ssyncset.done @!p2 $0x0  }
0x71: {  	s17 =	sadd.s32 @!p2 s22, s13;
	s22 =	smov.u32 s30;
	[sflag:s18] =	ssyncadd.s32 @!p2 $0xFFFFC000  }
0x72: {  	s17 =	sadd.s32 @!p2 $0x800, s17;
	p4 =	por p0, p2;
	_ =	swait.ge @!p2 [sflag:s18], $0x4000  }
0x73: {  	s24 =	sadd.s32 @!p4 s23, s8;
	s30 =	simm.s32 @!p4 $0x5;
	[sflag:s18] =	ssyncset.done @!p2 $0x0  }
0x74: {  	s15 =	simm.s32 @!p4 $0x0;
	[sflag:s18] =	ssyncadd.s32 @!p2 $0xFFFFC000;
	s18 =	sadd.s32 @!p4 $0x20, s24  }
0x75: {  	[tilespmem:s15], [sflag:$0x5] =	stream.linear.gather @!p4 [hbm4b:s18+s15], $0x80, $0x38;
	[tilespmem:$0x10200] =	vst v63  }
0x76: {  	s24 =	smov.u32 s29;
	s18 =	sadd.s32 @!p4 s26, s8;
	_ =	swait.ge @!p4 [sflag:s30], $0x80  }
0x77: {  	p0 =	por p3, p3;
	s18 =	sadd.s32 @!p4 $0x20, s18;
	[sflag:s30] =	ssyncset.done @!p4 $0x0  }
0x78: {  	s9 =	simm.s32 @!p4 $0x100;
	[sflag:s30] =	ssyncadd.s32 @!p4 $0xFFFFFF80  }
0x79: {  	[tilespmem:s9], [sflag:$0x5] =	stream.linear.gather @!p4 [hbm4b:s18+s15], $0x80, $0x38;
	[tilespmem:$0x10200] =	vst v63  }
0x7a: {  	_ =	swait.ge @!p4 [sflag:s30], $0x80  }
0x7b: {  	[sflag:s30] =	ssyncset.done @!p4 $0x0  }
0x7c: {  	s18 =	simm.s32 @!p4 $0x3;
	[sflag:s30] =	ssyncadd.s32 @!p4 $0xFFFFFF80  }
0x7d: {  	_ =	swait.ge @!p4 [sflag:s18], $0x4000  }
0x7e: {  	[sflag:s18] =	ssyncset.done @!p4 $0x0  }
0x7f: {  	[sflag:s18] =	ssyncadd.s32 @!p4 $0xFFFFC000  }
0x80: {  	_ =	swait.ge @!p4 [sflag:s18], $0x4000  }
.Ltmp0:
0x81: {  	[sflag:s18] =	ssyncset.done @!p4 $0x0;
	(pc) =	sbr.rel @p1 .LBB2_2-.Ltmp0, $4  }
0x82: {  	s30 =	simm.s32 @!p4 $0x200;
	[sflag:s18] =	ssyncadd.s32 @!p4 $0xFFFFC000;
	s18 =	simm.s32 @!p4 $0x80  }
0x83: {  	[tilespmem:s30], [sflag:$0x1] =	stream.indirect.gather @!p4 [hbm4b:s3+s18], $0x80, s15, s18, $0xb8;
	[tilespmem:$0x10200] =	vst v63  }
0x84: {  	s23 =	sadd.s32 $0x20, s23;
	s29 =	sadd.s32 $0x2, s29;
	s15 =	simm.s32 @!p4 $0x8200  }
0x85: {  	[tilespmem:s15], [sflag:$0x1] =	stream.indirect.gather @!p4 [hbm4b:s4+s18], $0x80, s9, s18, $0xb8;
	[tilespmem:$0x10200] =	vst v63  }
0x86: {  	[hbm4b:s0+s31] =	stream.linear.scatter @!p2 [tilespmem:s1], [sflag:$0x4], $0x4000, $0x38;
	[tilespmem:$0x10200] =	vst v63  }
0x87: {  	s0 =	simm.s32 @!p0 $0x1;
	s1 =	simm.s32 @!p2 $0xC200  }
0x88: {  	[hbm4b:s17+s31] =	stream.linear.scatter @!p2 [tilespmem:s1], [sflag:$0x4], $0x4000, $0x38;
	[tilespmem:$0x10200] =	vst v63  }
0x89: {  	_ =	swait.ge @!p0 [sflag:s0], $0x4000  }
0x8a: {  	p2 =	sge.u32 @!p0 s25, s7;
	[sflag:s0] =	ssyncset.done @!p0 $0x0  }
0x8b: {  	p1 =	por p2, p0;
	[sflag:s0] =	ssyncadd.s32 @!p0 $0xFFFFC000  }
0x8c: {  	s1 =	sadd.s32 @!p1 s23, s8;
	_ =	swait.ge @!p0 [sflag:s0], $0x4000  }
0x8d: {  	s9 =	simm.s32 @!p1 $0x0;
	s15 =	simm.s32 @!p1 $0x80;
	[sflag:s0] =	ssyncset.done @!p0 $0x0  }
0x8e: {  	s1 =	sadd.s32 @!p1 $0x10, s1;
	[sflag:s0] =	ssyncadd.s32 @!p0 $0xFFFFC000;
	s0 =	simm.s32 @!p1 $0x5  }
0x8f: {  	[tilespmem:s15], [sflag:$0x5] =	stream.linear.gather @!p1 [hbm4b:s1+s9], $0x80, $0x38;
	[tilespmem:$0x10200] =	vst v63  }
0x90: {  	s1 =	sadd.s32 $0x20, s26;
	_ =	swait.ge @!p1 [sflag:s0], $0x80  }
0x91: {  	p3 =	seq.s32 @!p1 s22, $0x0;
	s17 =	sadd.s32 @!p1 s1, s8;
	[sflag:s0] =	ssyncset.done @!p1 $0x0  }
0x92: {  	s18 =	simm.s32 @!p1 $0x180;
	s17 =	sadd.s32 @!p1 $0x10, s17;
	[sflag:s0] =	ssyncadd.s32 @!p1 $0xFFFFFF80  }
0x93: {  	[tilespmem:s18], [sflag:$0x5] =	stream.linear.gather @!p1 [hbm4b:s17+s9], $0x80, $0x38;
	[tilespmem:$0x10200] =	vst v63  }
0x94: {  	p2 =	por @!p0 p3, p2;
	_ =	swait.ge @!p1 [sflag:s0], $0x80  }
0x95: {  	p2 =	por p2, p0;
	[sflag:s0] =	ssyncset.done @!p1 $0x0  }
0x96: {  	s9 =	simm.s32 @!p2 $0x4;
	[sflag:s0] =	ssyncadd.s32 @!p1 $0xFFFFFF80  }
0x97: {  	_ =	swait.ge @!p2 [sflag:s9], $0x4000  }
0x98: {  	[sflag:s9] =	ssyncset.done @!p2 $0x0  }
0x99: {  	[sflag:s9] =	ssyncadd.s32 @!p2 $0xFFFFC000  }
0x9a: {  	_ =	swait.ge @!p2 [sflag:s9], $0x4000  }
0x9b: {  	[sflag:s9] =	ssyncset.done @!p2 $0x0  }
0x9c: {  	s0 =	simm.s32 @!p1 $0x4200;
	[sflag:s9] =	ssyncadd.s32 @!p2 $0xFFFFC000  }
0x9d: {  	[tilespmem:s0], [sflag:$0x2] =	stream.indirect.gather @!p1 [hbm4b:s3+s15], $0x80, s15, s15, $0xb8;
	[tilespmem:$0x10200] =	vst v63  }
0x9e: {  	s31 =	sadd.s32 $0x1, s24;
	s0 =	simm.s32 @!p1 $0xC200  }
0x9f: {  	[tilespmem:s0], [sflag:$0x2] =	stream.indirect.gather @!p1 [hbm4b:s4+s15], $0x80, s18, s15, $0xb8;
	[tilespmem:$0x10200] =	vst v63  }
0xa0: {  	s17 =	simm.s32 @!p0 $0x200;
	s0 =	sadd.s32 @!p0 s22, s12;
	s15 =	simm.s32 @!p0 $0x0  }
0xa1: {  	[hbm4b:s0+s15] =	stream.linear.scatter @!p0 [tilespmem:s17], [sflag:$0x3], $0x4000, $0x38;
	[tilespmem:$0x10200] =	vst v63  }
0xa2: {  	p1 =	sge.u32 s31, s7;
	s0 =	sadd.s32 @!p0 s22, s13;
	s17 =	simm.s32 @!p0 $0x8200  }
0xa3: {  	[hbm4b:s0+s15] =	stream.linear.scatter @!p0 [tilespmem:s17], [sflag:$0x3], $0x4000, $0x38;
	[tilespmem:$0x10200] =	vst v63  }
0xa4: {  	s0 =	simm.s32 @!p1 $0x2  }
0xa5: {  	_ =	swait.ge @!p1 [sflag:s0], $0x4000  }
0xa6: {  	s9 =	sadd.s32 @!p1 $0x2, s24;
	[sflag:s0] =	ssyncset.done @!p1 $0x0  }
0xa7: {  	p0 =	sge.u32 @!p1 s9, s7;
	[sflag:s0] =	ssyncadd.s32 @!p1 $0xFFFFC000  }
0xa8: {  	p0 =	por p0, p1;
	_ =	swait.ge @!p1 [sflag:s0], $0x4000  }
0xa9: {  	s9 =	sadd.s32 @!p0 s23, s8;
	s15 =	simm.s32 @!p0 $0x5;
	[sflag:s0] =	ssyncset.done @!p1 $0x0  }
0xaa: {  	[sflag:s0] =	ssyncadd.s32 @!p1 $0xFFFFC000;
	s0 =	sadd.s32 @!p0 $0x20, s9;
	s9 =	simm.s32 @!p0 $0x0  }
0xab: {  	[tilespmem:s9], [sflag:$0x5] =	stream.linear.gather @!p0 [hbm4b:s0+s9], $0x80, $0x38;
	[tilespmem:$0x10200] =	vst v63  }
0xac: {  	_ =	swait.ge @!p0 [sflag:s15], $0x80  }
0xad: {  	s0 =	sadd.s32 @!p0 s1, s8;
	[sflag:s15] =	ssyncset.done @!p0 $0x0  }
0xae: {  	s1 =	simm.s32 @!p0 $0x100;
	s0 =	sadd.s32 @!p0 $0x20, s0;
	[sflag:s15] =	ssyncadd.s32 @!p0 $0xFFFFFF80  }
0xaf: {  	[tilespmem:s1], [sflag:$0x5] =	stream.linear.gather @!p0 [hbm4b:s0+s9], $0x80, $0x38;
	[tilespmem:$0x10200] =	vst v63  }
0xb0: {  	_ =	swait.ge @!p0 [sflag:s15], $0x80  }
0xb1: {  	[sflag:s15] =	ssyncset.done @!p0 $0x0  }
0xb2: {  	s0 =	simm.s32 @!p0 $0x3;
	[sflag:s15] =	ssyncadd.s32 @!p0 $0xFFFFFF80  }
0xb3: {  	_ =	swait.ge @!p0 [sflag:s0], $0x4000  }
0xb4: {  	[sflag:s0] =	ssyncset.done @!p0 $0x0  }
0xb5: {  	[sflag:s0] =	ssyncadd.s32 @!p0 $0xFFFFC000  }
0xb6: {  	_ =	swait.ge @!p0 [sflag:s0], $0x4000  }
0xb7: {  	s17 =	simm.s32 @!p0 $0x200;
	[sflag:s0] =	ssyncset.done @!p0 $0x0  }
0xb8: {  	s15 =	sadd.s32 @!p1 s22, s12;
	[sflag:s0] =	ssyncadd.s32 @!p0 $0xFFFFC000;
	s0 =	simm.s32 @!p0 $0x80  }
0xb9: {  	[tilespmem:s17], [sflag:$0x1] =	stream.indirect.gather @!p0 [hbm4b:s3+s0], $0x80, s9, s0, $0xb8;
	[tilespmem:$0x10200] =	vst v63  }
0xba: {  	s9 =	sadd.s32 @!p1 $0x800, s15;
	s15 =	simm.s32 @!p0 $0x8200  }
0xbb: {  	[tilespmem:s15], [sflag:$0x1] =	stream.indirect.gather @!p0 [hbm4b:s4+s0], $0x80, s1, s0, $0xb8;
	[tilespmem:$0x10200] =	vst v63  }
0xbc: {  	s0 =	simm.s32 @!p1 $0x0;
	s1 =	simm.s32 @!p1 $0x4200;
	s15 =	sadd.s32 @!p1 s22, s13  }
0xbd: {  	[hbm4b:s9+s0] =	stream.linear.scatter @!p1 [tilespmem:s1], [sflag:$0x4], $0x4000, $0x38;
	[tilespmem:$0x10200] =	vst v63  }
0xbe: {  	s1 =	sadd.s32 @!p1 $0x800, s15;
	s9 =	simm.s32 @!p1 $0xC200  }
0xbf: {  	[hbm4b:s1+s0] =	stream.linear.scatter @!p1 [tilespmem:s9], [sflag:$0x4], $0x4000, $0x38;
	[tilespmem:$0x10200] =	vst v63  }
0xc0: {  	_ =	swait.ge [sflag:s19], $0x4000  }
0xc1: {  	[sflag:s19] =	ssyncset.done $0x0  }
0xc2: {  	[sflag:s19] =	ssyncadd.s32 $0xFFFFC000  }
0xc3: {  	_ =	swait.ge [sflag:s19], $0x4000  }
0xc4: {  	[sflag:s19] =	ssyncset.done $0x0  }
0xc5: {  	s21 =	sadd.s32 $0x1, s21;
	[sflag:s19] =	ssyncadd.s32 $0xFFFFC000  }
0xc6: {  	p0 =	sne.s32 s21, s11;
	_ =	swait.ge [sflag:s20], $0x4000  }
.Ltmp1:
0xc7: {  	[sflag:s20] =	ssyncset.done $0x0;
	(pc) =	sbr.rel @p0 .LBB2_1-.Ltmp1, $4  }
0xc8: {  	[sflag:s20] =	ssyncadd.s32 $0xFFFFC000  }
0xc9: {  	_ =	swait.ge [sflag:s20], $0x4000  }
0xca: {  	[sflag:s20] =	ssyncset.done $0x0  }
0xcb: {  	[sflag:s20] =	ssyncadd.s32 $0xFFFFC000  }
0xcc: {  	_ =	sfence.sel $0x180000  }
0xcd: {  	[bflag:$0x0] =	sbarrier.arrive $0xFFFF  }
0xce: {  	_ =	strace $0x90000050  }
0xcf: {  	s0 =	stileid.u32;
	[bflag:$0x2] =	sbarrier.arrive $0xFFFF  }
0xd0: {  	p0 =	sne.s32 s0, $0x0;
	s0 =	rddreg [dreg:$0x1]  }
0xd1: {  	s0 =	sadd.s32 @!p0 $0x100000, s0  }
0xd2: {  	[sflag:s0] =	ssyncadd.tile.s32 @!p0 $0x1;
	_ =	shalt  }
.Lfunc_end2:
_tile_overlayer_lowered:
.L_overlay_start_2:
0xd3: {  	(tag) =	ssettag $0x2  }
0xd4: {  	s0 =	rddreg [dreg:$0x0];
	s2 =	stileid.u32  }
0xd5: {  	s1 =	rddreg [dreg:$0x1];
	p0 =	sne.s32 s2, $0x0  }
0xd6: {  	s3 =	rddreg [dreg:$0x2];
	[bflag:$0x3] =	sbarrier.arrive $0xFFFF;
	s2 =	simm.s32 @!p0 $0x1C05  }
0xd7: {  	[timem:s3], [sflag:s2] =	dma.local @!p0 [hbm:s0], s1  }
0xd8: {  	s0 =	simm.s32 @!p0 $0x5  }
0xd9: {  	_ =	swait.ge @!p0 [sflag:s0], s1  }
0xda: {  	s1 =	ssub.s32 @!p0 $0x0, s1;
	[sflag:s0] =	ssyncset.done @!p0 $0x0  }
0xdb: {  	[sflag:s0] =	ssyncadd.s32 @!p0 s1  }
0xdc: {  	[bflag:$0x3] =	sbarrier.arrive $0xFFFF  }
0xdd: {  	_ =	shalt  }

</sc_bundles>
